<compile_context>
chip_gen: v7x
topology: tpu7x:2x2x1
jax: 0.10.2.dev20260603
libtpu: 0.0.44.dev20260713+nightly
codegen_flags: <defaults>
</compile_context>

<pallas_src>
import functools

import jax
import jax.numpy as jnp
from jax import lax
from jax.experimental import pallas as pl
from jax.experimental.pallas import tpu as pltpu
from jax.experimental.pallas import tpu_sc as plsc

B = 256
T = 200
D = 128
NSEG = 3
NUM_CLS_STATIC = 1
OUT_T = NUM_CLS_STATIC + 1 + NSEG * T + NSEG

_SOS, _EOS, _STP, _CLS = 1, 2, 3, 4

_info = plsc.get_sparse_core_info()
NC = _info.num_cores
NS = _info.num_subcores
NW = NC * NS
BPW = B // NW

H1 = 304
S1CUT = 104
H2_BASE = 296
B1_ROWS = 308
B2_ROWS = OUT_T - H2_BASE


def _spec_body(scale_ref, sp_ref, o_ref):
    tbl = sp_ref[...]
    norm = jnp.sqrt(jnp.sum(tbl * tbl, axis=1, keepdims=True))
    tbl = tbl * jnp.minimum(1.0, 1.0 / jnp.maximum(norm, 1e-12))
    cls_row = tbl[_CLS] * scale_ref[0, 0]
    o_ref[...] = jnp.stack(
        [cls_row, tbl[_SOS], tbl[_STP], tbl[_EOS]] + [cls_row] * 4
    )


def _sc_body(s0, s1, s2, spec, out_ref, b1, b2, spec_v, sems):
    wid = lax.axis_index("s") * NC + lax.axis_index("c")
    base = wid * BPW

    pltpu.sync_copy(spec, spec_v)
    for dst_ref, dst_row, src_row in (
        (b1, 0, 0),
        (b1, 1, 1),
        (b1, 2 + T, 2),
        (b2, 3 + 2 * T - H2_BASE, 2),
        (b2, 4 + 3 * T - H2_BASE, 3),
    ):
        for c in range(D // 16):
            dst_ref[dst_row, pl.ds(c * 16, 16)] = spec_v[src_row, pl.ds(c * 16, 16)]

    def in1(i):
        b = base + i
        return [
            pltpu.make_async_copy(s0.at[b], b1.at[pl.ds(2, T)], sems.at[0]),
            pltpu.make_async_copy(
                s1.at[b, pl.ds(0, S1CUT)], b1.at[pl.ds(3 + T, S1CUT)], sems.at[0]),
        ]

    def in2(i):
        b = base + i
        return [
            pltpu.make_async_copy(
                s1.at[b, pl.ds(T - S1CUT, S1CUT)],
                b2.at[pl.ds(3 + T + (T - S1CUT) - H2_BASE, S1CUT)], sems.at[1]),
            pltpu.make_async_copy(
                s2.at[b], b2.at[pl.ds(4 + 2 * T - H2_BASE, T)], sems.at[1]),
        ]

    def out1(i):
        return pltpu.make_async_copy(
            b1.at[pl.ds(0, H1)], out_ref.at[base + i, pl.ds(0, H1)], sems.at[2])

    def out2(i):
        return pltpu.make_async_copy(
            b2.at[pl.ds(H1 - H2_BASE, OUT_T - H1)],
            out_ref.at[base + i, pl.ds(H1, OUT_T - H1)], sems.at[3])

    for c in in1(0):
        c.start()
    for c in in2(0):
        c.start()
    for i in range(BPW):
        for c in in1(i):
            c.wait()
        out1(i).start()
        for c in in2(i):
            c.wait()
        out2(i).start()
        out1(i).wait()
        if i + 1 < BPW:
            for c in in1(i + 1):
                c.start()
        out2(i).wait()
        if i + 1 < BPW:
            for c in in2(i + 1):
                c.start()


def kernel(seg0, seg1, seg2, sp_table, num_cls):
    scale = (jnp.asarray(num_cls, jnp.float32) / NUM_CLS_STATIC).reshape(1, 1)
    spec = pl.pallas_call(
        _spec_body,
        in_specs=[
            pl.BlockSpec(memory_space=pltpu.SMEM),
            pl.BlockSpec(memory_space=pltpu.VMEM),
        ],
        out_specs=pl.BlockSpec(memory_space=pltpu.VMEM),
        out_shape=jax.ShapeDtypeStruct((8, D), jnp.float32),
    )(scale, sp_table)

    mesh = plsc.VectorSubcoreMesh(core_axis_name="c", subcore_axis_name="s")
    sc = functools.partial(
        pl.kernel,
        mesh=mesh,
        out_type=jax.ShapeDtypeStruct((B, OUT_T, D), jnp.float32),
        scratch_types=[
            pltpu.VMEM((B1_ROWS, D), jnp.float32),
            pltpu.VMEM((B2_ROWS, D), jnp.float32),
            pltpu.VMEM((8, D), jnp.float32),
            pltpu.SemaphoreType.DMA((4,)),
        ],
    )(_sc_body)
    out = sc(seg0, seg1, seg2, spec)

    seg_index = jnp.concatenate(
        [
            jnp.zeros(NUM_CLS_STATIC + 1 + T + 1, jnp.int32),
            jnp.ones(T + 1, jnp.int32),
            jnp.full(T + 1, 2, jnp.int32),
        ]
    )
    return out, seg_index

# --- scband reference (transcript-rebuilt; emitter-appended) ---
"""Pipeline reference for scband-token-substitution-39221641347724 (READ-ONLY COPY).

The authoritative reference and input builder live on the scoring server;
editing this copy changes nothing except your own understanding.
"""

import jax, jax.numpy as jnp
import numpy as np

NUM_SP = 6
IN_LEN = 128
MAX_SEG = 3
BATCH = 256
NUM_TOK = 200
NUM_CLS = 1

# sp_token_idx_dict = {'PAD':0,'SOS':1,'EOS':2,'STP':3,'CLS':4,'MASK':5}

def setup_inputs(seed: int = 0) -> dict:
    key = jax.random.key(seed)
    k0, k1, k2, k3 = jax.random.split(key, 4)
    seg0 = jax.random.normal(k0, (BATCH, NUM_TOK, IN_LEN), dtype=jnp.float32)
    seg1 = jax.random.normal(k1, (BATCH, NUM_TOK, IN_LEN), dtype=jnp.float32)
    seg2 = jax.random.normal(k2, (BATCH, NUM_TOK, IN_LEN), dtype=jnp.float32)
    sp_table = jax.random.normal(k3, (NUM_SP, IN_LEN), dtype=jnp.float32)
    sp_table = sp_table.at[0].set(0.0)  # padding_idx=0 row initialized to zeros
    return {"seg0": seg0, "seg1": seg1, "seg2": seg2, "sp_table": sp_table, "num_cls": NUM_CLS}


def _sp_lookup(table, idx):
    # nn.Embedding(..., max_norm=1.0): looked-up rows are renormalized so that
    # their L2 norm does not exceed 1.0.
    emb = jnp.take(table, jnp.asarray(idx, dtype=jnp.int32), axis=0)  # [1, d]
    norm = jnp.linalg.norm(emb, axis=-1, keepdims=True)
    scale = jnp.minimum(1.0, 1.0 / jnp.maximum(norm, 1e-12))
    return emb * scale


def reference(seg0, seg1, seg2, sp_table, num_cls):
    SOS, EOS, STP, CLS = 1, 2, 3, 4
    B = seg0.shape[0]

    def rep(tok):  # [1, d] -> [B, 1, d]  (== .repeat(batch_size, 1, 1))
        return jnp.broadcast_to(tok[None, :, :], (B, tok.shape[0], tok.shape[1]))

    cls_e = _sp_lookup(sp_table, [CLS])
    sos_e = _sp_lookup(sp_table, [SOS])
    stp_e = _sp_lookup(sp_table, [STP])
    eos_e = _sp_lookup(sp_table, [EOS])

    n_cls = NUM_CLS if NUM_CLS != 0 else 1
    cls_scale = jnp.asarray(num_cls, dtype=cls_e.dtype) / n_cls
    cls_e = cls_e * cls_scale

    segs = [seg0, seg1, seg2]
    pieces = []
    segment_index = []
    for i, para_batch in enumerate(segs):
        parts = []
        if i == 0:
            for _ in range(n_cls):
                parts.append(rep(cls_e))
            parts.append(rep(sos_e))
        parts.append(para_batch)
        if i != MAX_SEG - 1:
            parts.append(rep(stp_e))
        else:
            parts.append(rep(eos_e))
        arr = jnp.concatenate(parts, axis=1)
        segment_index += [i] * arr.shape[1]
        pieces.append(arr)
    out = jnp.concatenate(pieces, axis=1)
    return out, jnp.asarray(segment_index, dtype=jnp.int32)

if __name__ == "__main__":
    import jax
    _d = setup_inputs()
    print(jax.jit(kernel)(*tuple(_d.values())))

</pallas_src>

<mosaic_0001>
#map = affine_map<(d0, d1) -> (0, 0, 0)>
#map1 = affine_map<(d0, d1) -> (0, 0)>
module attributes {stable_mosaic.version = 14 : i64} {
  func.func @_sc_body(%arg0: i32, %arg1: i32, %arg2: memref<256x200x128xf32, #tpu.memory_space<hbm>>, %arg3: memref<256x200x128xf32, #tpu.memory_space<hbm>>, %arg4: memref<256x200x128xf32, #tpu.memory_space<hbm>>, %arg5: memref<8x128xf32, #tpu.memory_space<hbm>>, %arg6: memref<256x605x128xf32, #tpu.memory_space<hbm>>, %arg7: memref<308x128xf32, #tpu.memory_space<vmem>>, %arg8: memref<309x128xf32, #tpu.memory_space<vmem>>, %arg9: memref<8x128xf32, #tpu.memory_space<vmem>>, %arg10: memref<4x!tpu.dma_semaphore, #tpu.memory_space<semaphore_mem>>) attributes {dimension_semantics = [#tpu.dimension_semantics<core_parallel>, #tpu.dimension_semantics<subcore_parallel>], iteration_bounds = array<i64: 2, 16>, scalar_prefetch = 0 : i64, scratch_operands = 4 : i64, tpu.core_type = #tpu.core_type<sc_vector_subcore>, window_params = [{transform_indices = #map}, {transform_indices = #map}, {transform_indices = #map}, {transform_indices = #map1}, {transform_indices = #map}]} {
    %mul3A = arith.constant 2 : i32
    %mul3A_0 = arith.muli %arg1, %mul3A : i32
    %add3A = arith.addi %mul3A_0, %arg0 : i32
    %mul3A_1 = arith.constant 8 : i32
    %mul3A_2 = arith.muli %add3A, %mul3A_1 : i32
    "tpu.region"() ({
      %run_scoped3A = tpu.sem_alloc : memref<!tpu.dma_semaphore, #tpu.memory_space<semaphore_mem>>
      tpu.enqueue_dma source(%arg5 : memref<8x128xf32, #tpu.memory_space<hbm>>) target(%arg9 : memref<8x128xf32, #tpu.memory_space<vmem>>) target_semaphore(%run_scoped3A : memref<!tpu.dma_semaphore, #tpu.memory_space<semaphore_mem>>)
      tpu.wait_dma2 semaphore(%run_scoped3A : memref<!tpu.dma_semaphore, #tpu.memory_space<semaphore_mem>>) src(%arg5 : memref<8x128xf32, #tpu.memory_space<hbm>>) dst(%arg9 : memref<8x128xf32, #tpu.memory_space<vmem>>)
      tpu.yield
    }) : () -> ()
    %get3A = arith.constant 0 : i32
    %get3A_3 = arith.index_cast %get3A : i32 to index
    %get3A_4 = arith.constant 0 : index
    %get3A_5 = tpu.vector_load %arg9[%get3A_3, %get3A_4] {strides = array<i32>} : memref<8x128xf32, #tpu.memory_space<vmem>>, vector<1x16xf32>,
    %get3A_6 = vector.shape_cast %get3A_5 : vector<1x16xf32> to vector<16xf32>
    %swap3A = arith.constant 0 : i32
    %swap3A_7 = arith.index_cast %swap3A : i32 to index
    %swap3A_8 = arith.constant 0 : index
    %swap3A_9 = tpu.vector_load %arg7[%swap3A_7, %swap3A_8] {strides = array<i32>} : memref<308x128xf32, #tpu.memory_space<vmem>>, vector<1x16xf32>,
    %swap3A_10 = vector.shape_cast %swap3A_9 : vector<1x16xf32> to vector<16xf32>
    %swap3A_11 = vector.shape_cast %get3A_6 : vector<16xf32> to vector<1x16xf32>
    tpu.vector_store %arg7[%swap3A_7, %swap3A_8], %swap3A_11 {strides = array<i32>} : memref<308x128xf32, #tpu.memory_space<vmem>>, vector<1x16xf32>,
    %get3A_12 = arith.constant 0 : i32
    %get3A_13 = arith.index_cast %get3A_12 : i32 to index
    %get3A_14 = arith.constant 16 : index
    %get3A_15 = tpu.vector_load %arg9[%get3A_13, %get3A_14] {strides = array<i32>} : memref<8x128xf32, #tpu.memory_space<vmem>>, vector<1x16xf32>,
    %get3A_16 = vector.shape_cast %get3A_15 : vector<1x16xf32> to vector<16xf32>
    %swap3A_17 = arith.constant 0 : i32
    %swap3A_18 = arith.index_cast %swap3A_17 : i32 to index
    %swap3A_19 = arith.constant 16 : index
    %swap3A_20 = tpu.vector_load %arg7[%swap3A_18, %swap3A_19] {strides = array<i32>} : memref<308x128xf32, #tpu.memory_space<vmem>>, vector<1x16xf32>,
    %swap3A_21 = vector.shape_cast %swap3A_20 : vector<1x16xf32> to vector<16xf32>
    %swap3A_22 = vector.shape_cast %get3A_16 : vector<16xf32> to vector<1x16xf32>
    tpu.vector_store %arg7[%swap3A_18, %swap3A_19], %swap3A_22 {strides = array<i32>} : memref<308x128xf32, #tpu.memory_space<vmem>>, vector<1x16xf32>,
    %get3A_23 = arith.constant 0 : i32
    %get3A_24 = arith.index_cast %get3A_23 : i32 to index
    %get3A_25 = arith.constant 32 : index
    %get3A_26 = tpu.vector_load %arg9[%get3A_24, %get3A_25] {strides = array<i32>} : memref<8x128xf32, #tpu.memory_space<vmem>>, vector<1x16xf32>,
    %get3A_27 = vector.shape_cast %get3A_26 : vector<1x16xf32> to vector<16xf32>
    %swap3A_28 = arith.constant 0 : i32
    %swap3A_29 = arith.index_cast %swap3A_28 : i32 to index
    %swap3A_30 = arith.constant 32 : index
    %swap3A_31 = tpu.vector_load %arg7[%swap3A_29, %swap3A_30] {strides = array<i32>} : memref<308x128xf32, #tpu.memory_space<vmem>>, vector<1x16xf32>,
    %swap3A_32 = vector.shape_cast %swap3A_31 : vector<1x16xf32> to vector<16xf32>
    %swap3A_33 = vector.shape_cast %get3A_27 : vector<16xf32> to vector<1x16xf32>
    tpu.vector_store %arg7[%swap3A_29, %swap3A_30], %swap3A_33 {strides = array<i32>} : memref<308x128xf32, #tpu.memory_space<vmem>>, vector<1x16xf32>,
    %get3A_34 = arith.constant 0 : i32
    %get3A_35 = arith.index_cast %get3A_34 : i32 to index
    %get3A_36 = arith.constant 48 : index
    %get3A_37 = tpu.vector_load %arg9[%get3A_35, %get3A_36] {strides = array<i32>} : memref<8x128xf32, #tpu.memory_space<vmem>>, vector<1x16xf32>,
    %get3A_38 = vector.shape_cast %get3A_37 : vector<1x16xf32> to vector<16xf32>
    %swap3A_39 = arith.constant 0 : i32
    %swap3A_40 = arith.index_cast %swap3A_39 : i32 to index
    %swap3A_41 = arith.constant 48 : index
    %swap3A_42 = tpu.vector_load %arg7[%swap3A_40, %swap3A_41] {strides = array<i32>} : memref<308x128xf32, #tpu.memory_space<vmem>>, vector<1x16xf32>,
    %swap3A_43 = vector.shape_cast %swap3A_42 : vector<1x16xf32> to vector<16xf32>
    %swap3A_44 = vector.shape_cast %get3A_38 : vector<16xf32> to vector<1x16xf32>
    tpu.vector_store %arg7[%swap3A_40, %swap3A_41], %swap3A_44 {strides = array<i32>} : memref<308x128xf32, #tpu.memory_space<vmem>>, vector<1x16xf32>,
    %get3A_45 = arith.constant 0 : i32
    %get3A_46 = arith.index_cast %get3A_45 : i32 to index
    %get3A_47 = arith.constant 64 : index
    %get3A_48 = tpu.vector_load %arg9[%get3A_46, %get3A_47] {strides = array<i32>} : memref<8x128xf32, #tpu.memory_space<vmem>>, vector<1x16xf32>,
    %get3A_49 = vector.shape_cast %get3A_48 : vector<1x16xf32> to vector<16xf32>
    %swap3A_50 = arith.constant 0 : i32
    %swap3A_51 = arith.index_cast %swap3A_50 : i32 to index
    %swap3A_52 = arith.constant 64 : index
    %swap3A_53 = tpu.vector_load %arg7[%swap3A_51, %swap3A_52] {strides = array<i32>} : memref<308x128xf32, #tpu.memory_space<vmem>>, vector<1x16xf32>,
    %swap3A_54 = vector.shape_cast %swap3A_53 : vector<1x16xf32> to vector<16xf32>
    %swap3A_55 = vector.shape_cast %get3A_49 : vector<16xf32> to vector<1x16xf32>
    tpu.vector_store %arg7[%swap3A_51, %swap3A_52], %swap3A_55 {strides = array<i32>} : memref<308x128xf32, #tpu.memory_space<vmem>>, vector<1x16xf32>,
    %get3A_56 = arith.constant 0 : i32
    %get3A_57 = arith.index_cast %get3A_56 : i32 to index
    %get3A_58 = arith.constant 80 : index
    %get3A_59 = tpu.vector_load %arg9[%get3A_57, %get3A_58] {strides = array<i32>} : memref<8x128xf32, #tpu.memory_space<vmem>>, vector<1x16xf32>,
    %get3A_60 = vector.shape_cast %get3A_59 : vector<1x16xf32> to vector<16xf32>
    %swap3A_61 = arith.constant 0 : i32
    %swap3A_62 = arith.index_cast %swap3A_61 : i32 to index
    %swap3A_63 = arith.constant 80 : index
    %swap3A_64 = tpu.vector_load %arg7[%swap3A_62, %swap3A_63] {strides = array<i32>} : memref<308x128xf32, #tpu.memory_space<vmem>>, vector<1x16xf32>,
    %swap3A_65 = vector.shape_cast %swap3A_64 : vector<1x16xf32> to vector<16xf32>
    %swap3A_66 = vector.shape_cast %get3A_60 : vector<16xf32> to vector<1x16xf32>
    tpu.vector_store %arg7[%swap3A_62, %swap3A_63], %swap3A_66 {strides = array<i32>} : memref<308x128xf32, #tpu.memory_space<vmem>>, vector<1x16xf32>,
    %get3A_67 = arith.constant 0 : i32
    %get3A_68 = arith.index_cast %get3A_67 : i32 to index
    %get3A_69 = arith.constant 96 : index
    %get3A_70 = tpu.vector_load %arg9[%get3A_68, %get3A_69] {strides = array<i32>} : memref<8x128xf32, #tpu.memory_space<vmem>>, vector<1x16xf32>,
    %get3A_71 = vector.shape_cast %get3A_70 : vector<1x16xf32> to vector<16xf32>
    %swap3A_72 = arith.constant 0 : i32
    %swap3A_73 = arith.index_cast %swap3A_72 : i32 to index
    %swap3A_74 = arith.constant 96 : index
    %swap3A_75 = tpu.vector_load %arg7[%swap3A_73, %swap3A_74] {strides = array<i32>} : memref<308x128xf32, #tpu.memory_space<vmem>>, vector<1x16xf32>,
    %swap3A_76 = vector.shape_cast %swap3A_75 : vector<1x16xf32> to vector<16xf32>
    %swap3A_77 = vector.shape_cast %get3A_71 : vector<16xf32> to vector<1x16xf32>
    tpu.vector_store %arg7[%swap3A_73, %swap3A_74], %swap3A_77 {strides = array<i32>} : memref<308x128xf32, #tpu.memory_space<vmem>>, vector<1x16xf32>,
    %get3A_78 = arith.constant 0 : i32
    %get3A_79 = arith.index_cast %get3A_78 : i32 to index
    %get3A_80 = arith.constant 112 : index
    %get3A_81 = tpu.vector_load %arg9[%get3A_79, %get3A_80] {strides = array<i32>} : memref<8x128xf32, #tpu.memory_space<vmem>>, vector<1x16xf32>,
    %get3A_82 = vector.shape_cast %get3A_81 : vector<1x16xf32> to vector<16xf32>
    %swap3A_83 = arith.constant 0 : i32
    %swap3A_84 = arith.index_cast %swap3A_83 : i32 to index
    %swap3A_85 = arith.constant 112 : index
    %swap3A_86 = tpu.vector_load %arg7[%swap3A_84, %swap3A_85] {strides = array<i32>} : memref<308x128xf32, #tpu.memory_space<vmem>>, vector<1x16xf32>,
    %swap3A_87 = vector.shape_cast %swap3A_86 : vector<1x16xf32> to vector<16xf32>
    %swap3A_88 = vector.shape_cast %get3A_82 : vector<16xf32> to vector<1x16xf32>
    tpu.vector_store %arg7[%swap3A_84, %swap3A_85], %swap3A_88 {strides = array<i32>} : memref<308x128xf32, #tpu.memory_space<vmem>>, vector<1x16xf32>,
    %get3A_89 = arith.constant 1 : i32
    %get3A_90 = arith.index_cast %get3A_89 : i32 to index
    %get3A_91 = arith.constant 0 : index
    %get3A_92 = tpu.vector_load %arg9[%get3A_90, %get3A_91] {strides = array<i32>} : memref<8x128xf32, #tpu.memory_space<vmem>>, vector<1x16xf32>,
    %get3A_93 = vector.shape_cast %get3A_92 : vector<1x16xf32> to vector<16xf32>
    %swap3A_94 = arith.constant 1 : i32
    %swap3A_95 = arith.index_cast %swap3A_94 : i32 to index
    %swap3A_96 = arith.constant 0 : index
    %swap3A_97 = tpu.vector_load %arg7[%swap3A_95, %swap3A_96] {strides = array<i32>} : memref<308x128xf32, #tpu.memory_space<vmem>>, vector<1x16xf32>,
    %swap3A_98 = vector.shape_cast %swap3A_97 : vector<1x16xf32> to vector<16xf32>
    %swap3A_99 = vector.shape_cast %get3A_93 : vector<16xf32> to vector<1x16xf32>
    tpu.vector_store %arg7[%swap3A_95, %swap3A_96], %swap3A_99 {strides = array<i32>} : memref<308x128xf32, #tpu.memory_space<vmem>>, vector<1x16xf32>,
    %get3A_100 = arith.constant 1 : i32
    %get3A_101 = arith.index_cast %get3A_100 : i32 to index
    %get3A_102 = arith.constant 16 : index
    %get3A_103 = tpu.vector_load %arg9[%get3A_101, %get3A_102] {strides = array<i32>} : memref<8x128xf32, #tpu.memory_space<vmem>>, vector<1x16xf32>,
    %get3A_104 = vector.shape_cast %get3A_103 : vector<1x16xf32> to vector<16xf32>
    %swap3A_105 = arith.constant 1 : i32
    %swap3A_106 = arith.index_cast %swap3A_105 : i32 to index
    %swap3A_107 = arith.constant 16 : index
    %swap3A_108 = tpu.vector_load %arg7[%swap3A_106, %swap3A_107] {strides = array<i32>} : memref<308x128xf32, #tpu.memory_space<vmem>>, vector<1x16xf32>,
    %swap3A_109 = vector.shape_cast %swap3A_108 : vector<1x16xf32> to vector<16xf32>
    %swap3A_110 = vector.shape_cast %get3A_104 : vector<16xf32> to vector<1x16xf32>
    tpu.vector_store %arg7[%swap3A_106, %swap3A_107], %swap3A_110 {strides = array<i32>} : memref<308x128xf32, #tpu.memory_space<vmem>>, vector<1x16xf32>,
    %get3A_111 = arith.constant 1 : i32
    %get3A_112 = arith.index_cast %get3A_111 : i32 to index
    %get3A_113 = arith.constant 32 : index
    %get3A_114 = tpu.vector_load %arg9[%get3A_112, %get3A_113] {strides = array<i32>} : memref<8x128xf32, #tpu.memory_space<vmem>>, vector<1x16xf32>,
    %get3A_115 = vector.shape_cast %get3A_114 : vector<1x16xf32> to vector<16xf32>
    %swap3A_116 = arith.constant 1 : i32
    %swap3A_117 = arith.index_cast %swap3A_116 : i32 to index
    %swap3A_118 = arith.constant 32 : index
    %swap3A_119 = tpu.vector_load %arg7[%swap3A_117, %swap3A_118] {strides = array<i32>} : memref<308x128xf32, #tpu.memory_space<vmem>>, vector<1x16xf32>,
    %swap3A_120 = vector.shape_cast %swap3A_119 : vector<1x16xf32> to vector<16xf32>
    %swap3A_121 = vector.shape_cast %get3A_115 : vector<16xf32> to vector<1x16xf32>
    tpu.vector_store %arg7[%swap3A_117, %swap3A_118], %swap3A_121 {strides = array<i32>} : memref<308x128xf32, #tpu.memory_space<vmem>>, vector<1x16xf32>,
    %get3A_122 = arith.constant 1 : i32
    %get3A_123 = arith.index_cast %get3A_122 : i32 to index
    %get3A_124 = arith.constant 48 : index
    %get3A_125 = tpu.vector_load %arg9[%get3A_123, %get3A_124] {strides = array<i32>} : memref<8x128xf32, #tpu.memory_space<vmem>>, vector<1x16xf32>,
    %get3A_126 = vector.shape_cast %get3A_125 : vector<1x16xf32> to vector<16xf32>
    %swap3A_127 = arith.constant 1 : i32
    %swap3A_128 = arith.index_cast %swap3A_127 : i32 to index
    %swap3A_129 = arith.constant 48 : index
    %swap3A_130 = tpu.vector_load %arg7[%swap3A_128, %swap3A_129] {strides = array<i32>} : memref<308x128xf32, #tpu.memory_space<vmem>>, vector<1x16xf32>,
    %swap3A_131 = vector.shape_cast %swap3A_130 : vector<1x16xf32> to vector<16xf32>
    %swap3A_132 = vector.shape_cast %get3A_126 : vector<16xf32> to vector<1x16xf32>
    tpu.vector_store %arg7[%swap3A_128, %swap3A_129], %swap3A_132 {strides = array<i32>} : memref<308x128xf32, #tpu.memory_space<vmem>>, vector<1x16xf32>,
    %get3A_133 = arith.constant 1 : i32
    %get3A_134 = arith.index_cast %get3A_133 : i32 to index
    %get3A_135 = arith.constant 64 : index
    %get3A_136 = tpu.vector_load %arg9[%get3A_134, %get3A_135] {strides = array<i32>} : memref<8x128xf32, #tpu.memory_space<vmem>>, vector<1x16xf32>,
    %get3A_137 = vector.shape_cast %get3A_136 : vector<1x16xf32> to vector<16xf32>
    %swap3A_138 = arith.constant 1 : i32
    %swap3A_139 = arith.index_cast %swap3A_138 : i32 to index
    %swap3A_140 = arith.constant 64 : index
    %swap3A_141 = tpu.vector_load %arg7[%swap3A_139, %swap3A_140] {strides = array<i32>} : memref<308x128xf32, #tpu.memory_space<vmem>>, vector<1x16xf32>,
    %swap3A_142 = vector.shape_cast %swap3A_141 : vector<1x16xf32> to vector<16xf32>
    %swap3A_143 = vector.shape_cast %get3A_137 : vector<16xf32> to vector<1x16xf32>
    tpu.vector_store %arg7[%swap3A_139, %swap3A_140], %swap3A_143 {strides = array<i32>} : memref<308x128xf32, #tpu.memory_space<vmem>>, vector<1x16xf32>,
    %get3A_144 = arith.constant 1 : i32
    %get3A_145 = arith.index_cast %get3A_144 : i32 to index
    %get3A_146 = arith.constant 80 : index
    %get3A_147 = tpu.vector_load %arg9[%get3A_145, %get3A_146] {strides = array<i32>} : memref<8x128xf32, #tpu.memory_space<vmem>>, vector<1x16xf32>,
    %get3A_148 = vector.shape_cast %get3A_147 : vector<1x16xf32> to vector<16xf32>
    %swap3A_149 = arith.constant 1 : i32
    %swap3A_150 = arith.index_cast %swap3A_149 : i32 to index
    %swap3A_151 = arith.constant 80 : index
    %swap3A_152 = tpu.vector_load %arg7[%swap3A_150, %swap3A_151] {strides = array<i32>} : memref<308x128xf32, #tpu.memory_space<vmem>>, vector<1x16xf32>,
    %swap3A_153 = vector.shape_cast %swap3A_152 : vector<1x16xf32> to vector<16xf32>
    %swap3A_154 = vector.shape_cast %get3A_148 : vector<16xf32> to vector<1x16xf32>
    tpu.vector_store %arg7[%swap3A_150, %swap3A_151], %swap3A_154 {strides = array<i32>} : memref<308x128xf32, #tpu.memory_space<vmem>>, vector<1x16xf32>,
    %get3A_155 = arith.constant 1 : i32
    %get3A_156 = arith.index_cast %get3A_155 : i32 to index
    %get3A_157 = arith.constant 96 : index
    %get3A_158 = tpu.vector_load %arg9[%get3A_156, %get3A_157] {strides = array<i32>} : memref<8x128xf32, #tpu.memory_space<vmem>>, vector<1x16xf32>,
    %get3A_159 = vector.shape_cast %get3A_158 : vector<1x16xf32> to vector<16xf32>
    %swap3A_160 = arith.constant 1 : i32
    %swap3A_161 = arith.index_cast %swap3A_160 : i32 to index
    %swap3A_162 = arith.constant 96 : index
    %swap3A_163 = tpu.vector_load %arg7[%swap3A_161, %swap3A_162] {strides = array<i32>} : memref<308x128xf32, #tpu.memory_space<vmem>>, vector<1x16xf32>,
    %swap3A_164 = vector.shape_cast %swap3A_163 : vector<1x16xf32> to vector<16xf32>
    %swap3A_165 = vector.shape_cast %get3A_159 : vector<16xf32> to vector<1x16xf32>
    tpu.vector_store %arg7[%swap3A_161, %swap3A_162], %swap3A_165 {strides = array<i32>} : memref<308x128xf32, #tpu.memory_space<vmem>>, vector<1x16xf32>,
    %get3A_166 = arith.constant 1 : i32
    %get3A_167 = arith.index_cast %get3A_166 : i32 to index
    %get3A_168 = arith.constant 112 : index
    %get3A_169 = tpu.vector_load %arg9[%get3A_167, %get3A_168] {strides = array<i32>} : memref<8x128xf32, #tpu.memory_space<vmem>>, vector<1x16xf32>,
    %get3A_170 = vector.shape_cast %get3A_169 : vector<1x16xf32> to vector<16xf32>
    %swap3A_171 = arith.constant 1 : i32
    %swap3A_172 = arith.index_cast %swap3A_171 : i32 to index
    %swap3A_173 = arith.constant 112 : index
    %swap3A_174 = tpu.vector_load %arg7[%swap3A_172, %swap3A_173] {strides = array<i32>} : memref<308x128xf32, #tpu.memory_space<vmem>>, vector<1x16xf32>,
    %swap3A_175 = vector.shape_cast %swap3A_174 : vector<1x16xf32> to vector<16xf32>
    %swap3A_176 = vector.shape_cast %get3A_170 : vector<16xf32> to vector<1x16xf32>
    tpu.vector_store %arg7[%swap3A_172, %swap3A_173], %swap3A_176 {strides = array<i32>} : memref<308x128xf32, #tpu.memory_space<vmem>>, vector<1x16xf32>,
    %get3A_177 = arith.constant 2 : i32
    %get3A_178 = arith.index_cast %get3A_177 : i32 to index
    %get3A_179 = arith.constant 0 : index
    %get3A_180 = tpu.vector_load %arg9[%get3A_178, %get3A_179] {strides = array<i32>} : memref<8x128xf32, #tpu.memory_space<vmem>>, vector<1x16xf32>,
    %get3A_181 = vector.shape_cast %get3A_180 : vector<1x16xf32> to vector<16xf32>
    %swap3A_182 = arith.constant 202 : i32
    %swap3A_183 = arith.index_cast %swap3A_182 : i32 to index
    %swap3A_184 = arith.constant 0 : index
    %swap3A_185 = tpu.vector_load %arg7[%swap3A_183, %swap3A_184] {strides = array<i32>} : memref<308x128xf32, #tpu.memory_space<vmem>>, vector<1x16xf32>,
    %swap3A_186 = vector.shape_cast %swap3A_185 : vector<1x16xf32> to vector<16xf32>
    %swap3A_187 = vector.shape_cast %get3A_181 : vector<16xf32> to vector<1x16xf32>
    tpu.vector_store %arg7[%swap3A_183, %swap3A_184], %swap3A_187 {strides = array<i32>} : memref<308x128xf32, #tpu.memory_space<vmem>>, vector<1x16xf32>,
    %get3A_188 = arith.constant 2 : i32
    %get3A_189 = arith.index_cast %get3A_188 : i32 to index
    %get3A_190 = arith.constant 16 : index
    %get3A_191 = tpu.vector_load %arg9[%get3A_189, %get3A_190] {strides = array<i32>} : memref<8x128xf32, #tpu.memory_space<vmem>>, vector<1x16xf32>,
    %get3A_192 = vector.shape_cast %get3A_191 : vector<1x16xf32> to vector<16xf32>
    %swap3A_193 = arith.constant 202 : i32
    %swap3A_194 = arith.index_cast %swap3A_193 : i32 to index
    %swap3A_195 = arith.constant 16 : index
    %swap3A_196 = tpu.vector_load %arg7[%swap3A_194, %swap3A_195] {strides = array<i32>} : memref<308x128xf32, #tpu.memory_space<vmem>>, vector<1x16xf32>,
    %swap3A_197 = vector.shape_cast %swap3A_196 : vector<1x16xf32> to vector<16xf32>
    %swap3A_198 = vector.shape_cast %get3A_192 : vector<16xf32> to vector<1x16xf32>
    tpu.vector_store %arg7[%swap3A_194, %swap3A_195], %swap3A_198 {strides = array<i32>} : memref<308x128xf32, #tpu.memory_space<vmem>>, vector<1x16xf32>,
    %get3A_199 = arith.constant 2 : i32
    %get3A_200 = arith.index_cast %get3A_199 : i32 to index
    %get3A_201 = arith.constant 32 : index
    %get3A_202 = tpu.vector_load %arg9[%get3A_200, %get3A_201] {strides = array<i32>} : memref<8x128xf32, #tpu.memory_space<vmem>>, vector<1x16xf32>,
    %get3A_203 = vector.shape_cast %get3A_202 : vector<1x16xf32> to vector<16xf32>
    %swap3A_204 = arith.constant 202 : i32
    %swap3A_205 = arith.index_cast %swap3A_204 : i32 to index
    %swap3A_206 = arith.constant 32 : index
    %swap3A_207 = tpu.vector_load %arg7[%swap3A_205, %swap3A_206] {strides = array<i32>} : memref<308x128xf32, #tpu.memory_space<vmem>>, vector<1x16xf32>,
    %swap3A_208 = vector.shape_cast %swap3A_207 : vector<1x16xf32> to vector<16xf32>
    %swap3A_209 = vector.shape_cast %get3A_203 : vector<16xf32> to vector<1x16xf32>
    tpu.vector_store %arg7[%swap3A_205, %swap3A_206], %swap3A_209 {strides = array<i32>} : memref<308x128xf32, #tpu.memory_space<vmem>>, vector<1x16xf32>,
    %get3A_210 = arith.constant 2 : i32
    %get3A_211 = arith.index_cast %get3A_210 : i32 to index
    %get3A_212 = arith.constant 48 : index
    %get3A_213 = tpu.vector_load %arg9[%get3A_211, %get3A_212] {strides = array<i32>} : memref<8x128xf32, #tpu.memory_space<vmem>>, vector<1x16xf32>,
    %get3A_214 = vector.shape_cast %get3A_213 : vector<1x16xf32> to vector<16xf32>
    %swap3A_215 = arith.constant 202 : i32
    %swap3A_216 = arith.index_cast %swap3A_215 : i32 to index
    %swap3A_217 = arith.constant 48 : index
    %swap3A_218 = tpu.vector_load %arg7[%swap3A_216, %swap3A_217] {strides = array<i32>} : memref<308x128xf32, #tpu.memory_space<vmem>>, vector<1x16xf32>,
    %swap3A_219 = vector.shape_cast %swap3A_218 : vector<1x16xf32> to vector<16xf32>
    %swap3A_220 = vector.shape_cast %get3A_214 : vector<16xf32> to vector<1x16xf32>
    tpu.vector_store %arg7[%swap3A_216, %swap3A_217], %swap3A_220 {strides = array<i32>} : memref<308x128xf32, #tpu.memory_space<vmem>>, vector<1x16xf32>,
    %get3A_221 = arith.constant 2 : i32
    %get3A_222 = arith.index_cast %get3A_221 : i32 to index
    %get3A_223 = arith.constant 64 : index
    %get3A_224 = tpu.vector_load %arg9[%get3A_222, %get3A_223] {strides = array<i32>} : memref<8x128xf32, #tpu.memory_space<vmem>>, vector<1x16xf32>,
    %get3A_225 = vector.shape_cast %get3A_224 : vector<1x16xf32> to vector<16xf32>
    %swap3A_226 = arith.constant 202 : i32
    %swap3A_227 = arith.index_cast %swap3A_226 : i32 to index
    %swap3A_228 = arith.constant 64 : index
    %swap3A_229 = tpu.vector_load %arg7[%swap3A_227, %swap3A_228] {strides = array<i32>} : memref<308x128xf32, #tpu.memory_space<vmem>>, vector<1x16xf32>,
    %swap3A_230 = vector.shape_cast %swap3A_229 : vector<1x16xf32> to vector<16xf32>
    %swap3A_231 = vector.shape_cast %get3A_225 : vector<16xf32> to vector<1x16xf32>
    tpu.vector_store %arg7[%swap3A_227, %swap3A_228], %swap3A_231 {strides = array<i32>} : memref<308x128xf32, #tpu.memory_space<vmem>>, vector<1x16xf32>,
    %get3A_232 = arith.constant 2 : i32
    %get3A_233 = arith.index_cast %get3A_232 : i32 to index
    %get3A_234 = arith.constant 80 : index
    %get3A_235 = tpu.vector_load %arg9[%get3A_233, %get3A_234] {strides = array<i32>} : memref<8x128xf32, #tpu.memory_space<vmem>>, vector<1x16xf32>,
    %get3A_236 = vector.shape_cast %get3A_235 : vector<1x16xf32> to vector<16xf32>
    %swap3A_237 = arith.constant 202 : i32
    %swap3A_238 = arith.index_cast %swap3A_237 : i32 to index
    %swap3A_239 = arith.constant 80 : index
    %swap3A_240 = tpu.vector_load %arg7[%swap3A_238, %swap3A_239] {strides = array<i32>} : memref<308x128xf32, #tpu.memory_space<vmem>>, vector<1x16xf32>,
    %swap3A_241 = vector.shape_cast %swap3A_240 : vector<1x16xf32> to vector<16xf32>
    %swap3A_242 = vector.shape_cast %get3A_236 : vector<16xf32> to vector<1x16xf32>
    tpu.vector_store %arg7[%swap3A_238, %swap3A_239], %swap3A_242 {strides = array<i32>} : memref<308x128xf32, #tpu.memory_space<vmem>>, vector<1x16xf32>,
    %get3A_243 = arith.constant 2 : i32
    %get3A_244 = arith.index_cast %get3A_243 : i32 to index
    %get3A_245 = arith.constant 96 : index
    %get3A_246 = tpu.vector_load %arg9[%get3A_244, %get3A_245] {strides = array<i32>} : memref<8x128xf32, #tpu.memory_space<vmem>>, vector<1x16xf32>,
    %get3A_247 = vector.shape_cast %get3A_246 : vector<1x16xf32> to vector<16xf32>
    %swap3A_248 = arith.constant 202 : i32
    %swap3A_249 = arith.index_cast %swap3A_248 : i32 to index
    %swap3A_250 = arith.constant 96 : index
    %swap3A_251 = tpu.vector_load %arg7[%swap3A_249, %swap3A_250] {strides = array<i32>} : memref<308x128xf32, #tpu.memory_space<vmem>>, vector<1x16xf32>,
    %swap3A_252 = vector.shape_cast %swap3A_251 : vector<1x16xf32> to vector<16xf32>
    %swap3A_253 = vector.shape_cast %get3A_247 : vector<16xf32> to vector<1x16xf32>
    tpu.vector_store %arg7[%swap3A_249, %swap3A_250], %swap3A_253 {strides = array<i32>} : memref<308x128xf32, #tpu.memory_space<vmem>>, vector<1x16xf32>,
    %get3A_254 = arith.constant 2 : i32
    %get3A_255 = arith.index_cast %get3A_254 : i32 to index
    %get3A_256 = arith.constant 112 : index
    %get3A_257 = tpu.vector_load %arg9[%get3A_255, %get3A_256] {strides = array<i32>} : memref<8x128xf32, #tpu.memory_space<vmem>>, vector<1x16xf32>,
    %get3A_258 = vector.shape_cast %get3A_257 : vector<1x16xf32> to vector<16xf32>
    %swap3A_259 = arith.constant 202 : i32
    %swap3A_260 = arith.index_cast %swap3A_259 : i32 to index
    %swap3A_261 = arith.constant 112 : index
    %swap3A_262 = tpu.vector_load %arg7[%swap3A_260, %swap3A_261] {strides = array<i32>} : memref<308x128xf32, #tpu.memory_space<vmem>>, vector<1x16xf32>,
    %swap3A_263 = vector.shape_cast %swap3A_262 : vector<1x16xf32> to vector<16xf32>
    %swap3A_264 = vector.shape_cast %get3A_258 : vector<16xf32> to vector<1x16xf32>
    tpu.vector_store %arg7[%swap3A_260, %swap3A_261], %swap3A_264 {strides = array<i32>} : memref<308x128xf32, #tpu.memory_space<vmem>>, vector<1x16xf32>,
    %get3A_265 = arith.constant 2 : i32
    %get3A_266 = arith.index_cast %get3A_265 : i32 to index
    %get3A_267 = arith.constant 0 : index
    %get3A_268 = tpu.vector_load %arg9[%get3A_266, %get3A_267] {strides = array<i32>} : memref<8x128xf32, #tpu.memory_space<vmem>>, vector<1x16xf32>,
    %get3A_269 = vector.shape_cast %get3A_268 : vector<1x16xf32> to vector<16xf32>
    %swap3A_270 = arith.constant 107 : i32
    %swap3A_271 = arith.index_cast %swap3A_270 : i32 to index
    %swap3A_272 = arith.constant 0 : index
    %swap3A_273 = tpu.vector_load %arg8[%swap3A_271, %swap3A_272] {strides = array<i32>} : memref<309x128xf32, #tpu.memory_space<vmem>>, vector<1x16xf32>,
    %swap3A_274 = vector.shape_cast %swap3A_273 : vector<1x16xf32> to vector<16xf32>
    %swap3A_275 = vector.shape_cast %get3A_269 : vector<16xf32> to vector<1x16xf32>
    tpu.vector_store %arg8[%swap3A_271, %swap3A_272], %swap3A_275 {strides = array<i32>} : memref<309x128xf32, #tpu.memory_space<vmem>>, vector<1x16xf32>,
    %get3A_276 = arith.constant 2 : i32
    %get3A_277 = arith.index_cast %get3A_276 : i32 to index
    %get3A_278 = arith.constant 16 : index
    %get3A_279 = tpu.vector_load %arg9[%get3A_277, %get3A_278] {strides = array<i32>} : memref<8x128xf32, #tpu.memory_space<vmem>>, vector<1x16xf32>,
    %get3A_280 = vector.shape_cast %get3A_279 : vector<1x16xf32> to vector<16xf32>
    %swap3A_281 = arith.constant 107 : i32
    %swap3A_282 = arith.index_cast %swap3A_281 : i32 to index
    %swap3A_283 = arith.constant 16 : index
    %swap3A_284 = tpu.vector_load %arg8[%swap3A_282, %swap3A_283] {strides = array<i32>} : memref<309x128xf32, #tpu.memory_space<vmem>>, vector<1x16xf32>,
    %swap3A_285 = vector.shape_cast %swap3A_284 : vector<1x16xf32> to vector<16xf32>
    %swap3A_286 = vector.shape_cast %get3A_280 : vector<16xf32> to vector<1x16xf32>
    tpu.vector_store %arg8[%swap3A_282, %swap3A_283], %swap3A_286 {strides = array<i32>} : memref<309x128xf32, #tpu.memory_space<vmem>>, vector<1x16xf32>,
    %get3A_287 = arith.constant 2 : i32
    %get3A_288 = arith.index_cast %get3A_287 : i32 to index
    %get3A_289 = arith.constant 32 : index
    %get3A_290 = tpu.vector_load %arg9[%get3A_288, %get3A_289] {strides = array<i32>} : memref<8x128xf32, #tpu.memory_space<vmem>>, vector<1x16xf32>,
    %get3A_291 = vector.shape_cast %get3A_290 : vector<1x16xf32> to vector<16xf32>
    %swap3A_292 = arith.constant 107 : i32
    %swap3A_293 = arith.index_cast %swap3A_292 : i32 to index
    %swap3A_294 = arith.constant 32 : index
    %swap3A_295 = tpu.vector_load %arg8[%swap3A_293, %swap3A_294] {strides = array<i32>} : memref<309x128xf32, #tpu.memory_space<vmem>>, vector<1x16xf32>,
    %swap3A_296 = vector.shape_cast %swap3A_295 : vector<1x16xf32> to vector<16xf32>
    %swap3A_297 = vector.shape_cast %get3A_291 : vector<16xf32> to vector<1x16xf32>
    tpu.vector_store %arg8[%swap3A_293, %swap3A_294], %swap3A_297 {strides = array<i32>} : memref<309x128xf32, #tpu.memory_space<vmem>>, vector<1x16xf32>,
    %get3A_298 = arith.constant 2 : i32
    %get3A_299 = arith.index_cast %get3A_298 : i32 to index
    %get3A_300 = arith.constant 48 : index
    %get3A_301 = tpu.vector_load %arg9[%get3A_299, %get3A_300] {strides = array<i32>} : memref<8x128xf32, #tpu.memory_space<vmem>>, vector<1x16xf32>,
    %get3A_302 = vector.shape_cast %get3A_301 : vector<1x16xf32> to vector<16xf32>
    %swap3A_303 = arith.constant 107 : i32
    %swap3A_304 = arith.index_cast %swap3A_303 : i32 to index
    %swap3A_305 = arith.constant 48 : index
    %swap3A_306 = tpu.vector_load %arg8[%swap3A_304, %swap3A_305] {strides = array<i32>} : memref<309x128xf32, #tpu.memory_space<vmem>>, vector<1x16xf32>,
    %swap3A_307 = vector.shape_cast %swap3A_306 : vector<1x16xf32> to vector<16xf32>
    %swap3A_308 = vector.shape_cast %get3A_302 : vector<16xf32> to vector<1x16xf32>
    tpu.vector_store %arg8[%swap3A_304, %swap3A_305], %swap3A_308 {strides = array<i32>} : memref<309x128xf32, #tpu.memory_space<vmem>>, vector<1x16xf32>,
    %get3A_309 = arith.constant 2 : i32
    %get3A_310 = arith.index_cast %get3A_309 : i32 to index
    %get3A_311 = arith.constant 64 : index
    %get3A_312 = tpu.vector_load %arg9[%get3A_310, %get3A_311] {strides = array<i32>} : memref<8x128xf32, #tpu.memory_space<vmem>>, vector<1x16xf32>,
    %get3A_313 = vector.shape_cast %get3A_312 : vector<1x16xf32> to vector<16xf32>
    %swap3A_314 = arith.constant 107 : i32
    %swap3A_315 = arith.index_cast %swap3A_314 : i32 to index
    %swap3A_316 = arith.constant 64 : index
    %swap3A_317 = tpu.vector_load %arg8[%swap3A_315, %swap3A_316] {strides = array<i32>} : memref<309x128xf32, #tpu.memory_space<vmem>>, vector<1x16xf32>,
    %swap3A_318 = vector.shape_cast %swap3A_317 : vector<1x16xf32> to vector<16xf32>
    %swap3A_319 = vector.shape_cast %get3A_313 : vector<16xf32> to vector<1x16xf32>
    tpu.vector_store %arg8[%swap3A_315, %swap3A_316], %swap3A_319 {strides = array<i32>} : memref<309x128xf32, #tpu.memory_space<vmem>>, vector<1x16xf32>,
    %get3A_320 = arith.constant 2 : i32
    %get3A_321 = arith.index_cast %get3A_320 : i32 to index
    %get3A_322 = arith.constant 80 : index
    %get3A_323 = tpu.vector_load %arg9[%get3A_321, %get3A_322] {strides = array<i32>} : memref<8x128xf32, #tpu.memory_space<vmem>>, vector<1x16xf32>,
    %get3A_324 = vector.shape_cast %get3A_323 : vector<1x16xf32> to vector<16xf32>
    %swap3A_325 = arith.constant 107 : i32
    %swap3A_326 = arith.index_cast %swap3A_325 : i32 to index
    %swap3A_327 = arith.constant 80 : index
    %swap3A_328 = tpu.vector_load %arg8[%swap3A_326, %swap3A_327] {strides = array<i32>} : memref<309x128xf32, #tpu.memory_space<vmem>>, vector<1x16xf32>,
    %swap3A_329 = vector.shape_cast %swap3A_328 : vector<1x16xf32> to vector<16xf32>
    %swap3A_330 = vector.shape_cast %get3A_324 : vector<16xf32> to vector<1x16xf32>
    tpu.vector_store %arg8[%swap3A_326, %swap3A_327], %swap3A_330 {strides = array<i32>} : memref<309x128xf32, #tpu.memory_space<vmem>>, vector<1x16xf32>,
    %get3A_331 = arith.constant 2 : i32
    %get3A_332 = arith.index_cast %get3A_331 : i32 to index
    %get3A_333 = arith.constant 96 : index
    %get3A_334 = tpu.vector_load %arg9[%get3A_332, %get3A_333] {strides = array<i32>} : memref<8x128xf32, #tpu.memory_space<vmem>>, vector<1x16xf32>,
    %get3A_335 = vector.shape_cast %get3A_334 : vector<1x16xf32> to vector<16xf32>
    %swap3A_336 = arith.constant 107 : i32
    %swap3A_337 = arith.index_cast %swap3A_336 : i32 to index
    %swap3A_338 = arith.constant 96 : index
    %swap3A_339 = tpu.vector_load %arg8[%swap3A_337, %swap3A_338] {strides = array<i32>} : memref<309x128xf32, #tpu.memory_space<vmem>>, vector<1x16xf32>,
    %swap3A_340 = vector.shape_cast %swap3A_339 : vector<1x16xf32> to vector<16xf32>
    %swap3A_341 = vector.shape_cast %get3A_335 : vector<16xf32> to vector<1x16xf32>
    tpu.vector_store %arg8[%swap3A_337, %swap3A_338], %swap3A_341 {strides = array<i32>} : memref<309x128xf32, #tpu.memory_space<vmem>>, vector<1x16xf32>,
    %get3A_342 = arith.constant 2 : i32
    %get3A_343 = arith.index_cast %get3A_342 : i32 to index
    %get3A_344 = arith.constant 112 : index
    %get3A_345 = tpu.vector_load %arg9[%get3A_343, %get3A_344] {strides = array<i32>} : memref<8x128xf32, #tpu.memory_space<vmem>>, vector<1x16xf32>,
    %get3A_346 = vector.shape_cast %get3A_345 : vector<1x16xf32> to vector<16xf32>
    %swap3A_347 = arith.constant 107 : i32
    %swap3A_348 = arith.index_cast %swap3A_347 : i32 to index
    %swap3A_349 = arith.constant 112 : index
    %swap3A_350 = tpu.vector_load %arg8[%swap3A_348, %swap3A_349] {strides = array<i32>} : memref<309x128xf32, #tpu.memory_space<vmem>>, vector<1x16xf32>,
    %swap3A_351 = vector.shape_cast %swap3A_350 : vector<1x16xf32> to vector<16xf32>
    %swap3A_352 = vector.shape_cast %get3A_346 : vector<16xf32> to vector<1x16xf32>
    tpu.vector_store %arg8[%swap3A_348, %swap3A_349], %swap3A_352 {strides = array<i32>} : memref<309x128xf32, #tpu.memory_space<vmem>>, vector<1x16xf32>,
    %get3A_353 = arith.constant 3 : i32
    %get3A_354 = arith.index_cast %get3A_353 : i32 to index
    %get3A_355 = arith.constant 0 : index
    %get3A_356 = tpu.vector_load %arg9[%get3A_354, %get3A_355] {strides = array<i32>} : memref<8x128xf32, #tpu.memory_space<vmem>>, vector<1x16xf32>,
    %get3A_357 = vector.shape_cast %get3A_356 : vector<1x16xf32> to vector<16xf32>
    %swap3A_358 = arith.constant 308 : i32
    %swap3A_359 = arith.index_cast %swap3A_358 : i32 to index
    %swap3A_360 = arith.constant 0 : index
    %swap3A_361 = tpu.vector_load %arg8[%swap3A_359, %swap3A_360] {strides = array<i32>} : memref<309x128xf32, #tpu.memory_space<vmem>>, vector<1x16xf32>,
    %swap3A_362 = vector.shape_cast %swap3A_361 : vector<1x16xf32> to vector<16xf32>
    %swap3A_363 = vector.shape_cast %get3A_357 : vector<16xf32> to vector<1x16xf32>
    tpu.vector_store %arg8[%swap3A_359, %swap3A_360], %swap3A_363 {strides = array<i32>} : memref<309x128xf32, #tpu.memory_space<vmem>>, vector<1x16xf32>,
    %get3A_364 = arith.constant 3 : i32
    %get3A_365 = arith.index_cast %get3A_364 : i32 to index
    %get3A_366 = arith.constant 16 : index
    %get3A_367 = tpu.vector_load %arg9[%get3A_365, %get3A_366] {strides = array<i32>} : memref<8x128xf32, #tpu.memory_space<vmem>>, vector<1x16xf32>,
    %get3A_368 = vector.shape_cast %get3A_367 : vector<1x16xf32> to vector<16xf32>
    %swap3A_369 = arith.constant 308 : i32
    %swap3A_370 = arith.index_cast %swap3A_369 : i32 to index
    %swap3A_371 = arith.constant 16 : index
    %swap3A_372 = tpu.vector_load %arg8[%swap3A_370, %swap3A_371] {strides = array<i32>} : memref<309x128xf32, #tpu.memory_space<vmem>>, vector<1x16xf32>,
    %swap3A_373 = vector.shape_cast %swap3A_372 : vector<1x16xf32> to vector<16xf32>
    %swap3A_374 = vector.shape_cast %get3A_368 : vector<16xf32> to vector<1x16xf32>
    tpu.vector_store %arg8[%swap3A_370, %swap3A_371], %swap3A_374 {strides = array<i32>} : memref<309x128xf32, #tpu.memory_space<vmem>>, vector<1x16xf32>,
    %get3A_375 = arith.constant 3 : i32
    %get3A_376 = arith.index_cast %get3A_375 : i32 to index
    %get3A_377 = arith.constant 32 : index
    %get3A_378 = tpu.vector_load %arg9[%get3A_376, %get3A_377] {strides = array<i32>} : memref<8x128xf32, #tpu.memory_space<vmem>>, vector<1x16xf32>,
    %get3A_379 = vector.shape_cast %get3A_378 : vector<1x16xf32> to vector<16xf32>
    %swap3A_380 = arith.constant 308 : i32
    %swap3A_381 = arith.index_cast %swap3A_380 : i32 to index
    %swap3A_382 = arith.constant 32 : index
    %swap3A_383 = tpu.vector_load %arg8[%swap3A_381, %swap3A_382] {strides = array<i32>} : memref<309x128xf32, #tpu.memory_space<vmem>>, vector<1x16xf32>,
    %swap3A_384 = vector.shape_cast %swap3A_383 : vector<1x16xf32> to vector<16xf32>
    %swap3A_385 = vector.shape_cast %get3A_379 : vector<16xf32> to vector<1x16xf32>
    tpu.vector_store %arg8[%swap3A_381, %swap3A_382], %swap3A_385 {strides = array<i32>} : memref<309x128xf32, #tpu.memory_space<vmem>>, vector<1x16xf32>,
    %get3A_386 = arith.constant 3 : i32
    %get3A_387 = arith.index_cast %get3A_386 : i32 to index
    %get3A_388 = arith.constant 48 : index
    %get3A_389 = tpu.vector_load %arg9[%get3A_387, %get3A_388] {strides = array<i32>} : memref<8x128xf32, #tpu.memory_space<vmem>>, vector<1x16xf32>,
    %get3A_390 = vector.shape_cast %get3A_389 : vector<1x16xf32> to vector<16xf32>
    %swap3A_391 = arith.constant 308 : i32
    %swap3A_392 = arith.index_cast %swap3A_391 : i32 to index
    %swap3A_393 = arith.constant 48 : index
    %swap3A_394 = tpu.vector_load %arg8[%swap3A_392, %swap3A_393] {strides = array<i32>} : memref<309x128xf32, #tpu.memory_space<vmem>>, vector<1x16xf32>,
    %swap3A_395 = vector.shape_cast %swap3A_394 : vector<1x16xf32> to vector<16xf32>
    %swap3A_396 = vector.shape_cast %get3A_390 : vector<16xf32> to vector<1x16xf32>
    tpu.vector_store %arg8[%swap3A_392, %swap3A_393], %swap3A_396 {strides = array<i32>} : memref<309x128xf32, #tpu.memory_space<vmem>>, vector<1x16xf32>,
    %get3A_397 = arith.constant 3 : i32
    %get3A_398 = arith.index_cast %get3A_397 : i32 to index
    %get3A_399 = arith.constant 64 : index
    %get3A_400 = tpu.vector_load %arg9[%get3A_398, %get3A_399] {strides = array<i32>} : memref<8x128xf32, #tpu.memory_space<vmem>>, vector<1x16xf32>,
    %get3A_401 = vector.shape_cast %get3A_400 : vector<1x16xf32> to vector<16xf32>
    %swap3A_402 = arith.constant 308 : i32
    %swap3A_403 = arith.index_cast %swap3A_402 : i32 to index
    %swap3A_404 = arith.constant 64 : index
    %swap3A_405 = tpu.vector_load %arg8[%swap3A_403, %swap3A_404] {strides = array<i32>} : memref<309x128xf32, #tpu.memory_space<vmem>>, vector<1x16xf32>,
    %swap3A_406 = vector.shape_cast %swap3A_405 : vector<1x16xf32> to vector<16xf32>
    %swap3A_407 = vector.shape_cast %get3A_401 : vector<16xf32> to vector<1x16xf32>
    tpu.vector_store %arg8[%swap3A_403, %swap3A_404], %swap3A_407 {strides = array<i32>} : memref<309x128xf32, #tpu.memory_space<vmem>>, vector<1x16xf32>,
    %get3A_408 = arith.constant 3 : i32
    %get3A_409 = arith.index_cast %get3A_408 : i32 to index
    %get3A_410 = arith.constant 80 : index
    %get3A_411 = tpu.vector_load %arg9[%get3A_409, %get3A_410] {strides = array<i32>} : memref<8x128xf32, #tpu.memory_space<vmem>>, vector<1x16xf32>,
    %get3A_412 = vector.shape_cast %get3A_411 : vector<1x16xf32> to vector<16xf32>
    %swap3A_413 = arith.constant 308 : i32
    %swap3A_414 = arith.index_cast %swap3A_413 : i32 to index
    %swap3A_415 = arith.constant 80 : index
    %swap3A_416 = tpu.vector_load %arg8[%swap3A_414, %swap3A_415] {strides = array<i32>} : memref<309x128xf32, #tpu.memory_space<vmem>>, vector<1x16xf32>,
    %swap3A_417 = vector.shape_cast %swap3A_416 : vector<1x16xf32> to vector<16xf32>
    %swap3A_418 = vector.shape_cast %get3A_412 : vector<16xf32> to vector<1x16xf32>
    tpu.vector_store %arg8[%swap3A_414, %swap3A_415], %swap3A_418 {strides = array<i32>} : memref<309x128xf32, #tpu.memory_space<vmem>>, vector<1x16xf32>,
    %get3A_419 = arith.constant 3 : i32
    %get3A_420 = arith.index_cast %get3A_419 : i32 to index
    %get3A_421 = arith.constant 96 : index
    %get3A_422 = tpu.vector_load %arg9[%get3A_420, %get3A_421] {strides = array<i32>} : memref<8x128xf32, #tpu.memory_space<vmem>>, vector<1x16xf32>,
    %get3A_423 = vector.shape_cast %get3A_422 : vector<1x16xf32> to vector<16xf32>
    %swap3A_424 = arith.constant 308 : i32
    %swap3A_425 = arith.index_cast %swap3A_424 : i32 to index
    %swap3A_426 = arith.constant 96 : index
    %swap3A_427 = tpu.vector_load %arg8[%swap3A_425, %swap3A_426] {strides = array<i32>} : memref<309x128xf32, #tpu.memory_space<vmem>>, vector<1x16xf32>,
    %swap3A_428 = vector.shape_cast %swap3A_427 : vector<1x16xf32> to vector<16xf32>
    %swap3A_429 = vector.shape_cast %get3A_423 : vector<16xf32> to vector<1x16xf32>
    tpu.vector_store %arg8[%swap3A_425, %swap3A_426], %swap3A_429 {strides = array<i32>} : memref<309x128xf32, #tpu.memory_space<vmem>>, vector<1x16xf32>,
    %get3A_430 = arith.constant 3 : i32
    %get3A_431 = arith.index_cast %get3A_430 : i32 to index
    %get3A_432 = arith.constant 112 : index
    %get3A_433 = tpu.vector_load %arg9[%get3A_431, %get3A_432] {strides = array<i32>} : memref<8x128xf32, #tpu.memory_space<vmem>>, vector<1x16xf32>,
    %get3A_434 = vector.shape_cast %get3A_433 : vector<1x16xf32> to vector<16xf32>
    %swap3A_435 = arith.constant 308 : i32
    %swap3A_436 = arith.index_cast %swap3A_435 : i32 to index
    %swap3A_437 = arith.constant 112 : index
    %swap3A_438 = tpu.vector_load %arg8[%swap3A_436, %swap3A_437] {strides = array<i32>} : memref<309x128xf32, #tpu.memory_space<vmem>>, vector<1x16xf32>,
    %swap3A_439 = vector.shape_cast %swap3A_438 : vector<1x16xf32> to vector<16xf32>
    %swap3A_440 = vector.shape_cast %get3A_434 : vector<16xf32> to vector<1x16xf32>
    tpu.vector_store %arg8[%swap3A_436, %swap3A_437], %swap3A_440 {strides = array<i32>} : memref<309x128xf32, #tpu.memory_space<vmem>>, vector<1x16xf32>,
    %add3A_441 = arith.constant 0 : i32
    %add3A_442 = arith.addi %mul3A_2, %add3A_441 : i32
    %dma_start3A = arith.constant 0 : i32
    %dma_start3A_443 = arith.constant 2 : i32
    %dma_start3A_444 = arith.constant 0 : i32
    %dma_start3A_445 = tpu.memref_slice %arg7[%dma_start3A_443, %dma_start3A_444] : memref<308x128xf32, #tpu.memory_space<vmem>> -> memref<200x128xf32, #tpu.memory_space<vmem>>
    %dma_start3A_446 = arith.constant 0 : i32
    %dma_start3A_447 = arith.constant 0 : i32
    %dma_start3A_448 = tpu.memref_slice %arg2[%add3A_442, %dma_start3A_446, %dma_start3A_447] : memref<256x200x128xf32, #tpu.memory_space<hbm>> -> memref<1x200x128xf32, #tpu.memory_space<hbm>>
    %dma_start3A_449 = tpu.memref_squeeze %dma_start3A_448 : memref<1x200x128xf32, #tpu.memory_space<hbm>> -> memref<200x128xf32, #tpu.memory_space<hbm>>
    %dma_start3A_450 = tpu.memref_slice %arg10[%dma_start3A] : memref<4x!tpu.dma_semaphore, #tpu.memory_space<semaphore_mem>> -> memref<1x!tpu.dma_semaphore, #tpu.memory_space<semaphore_mem>>
    %dma_start3A_451 = tpu.memref_squeeze %dma_start3A_450 : memref<1x!tpu.dma_semaphore, #tpu.memory_space<semaphore_mem>> -> memref<!tpu.dma_semaphore, #tpu.memory_space<semaphore_mem>>
    %dma_start3A_452 = arith.constant 2 : i32
    %dma_start3A_453 = arith.constant 0 : i32
    %dma_start3A_454 = tpu.memref_slice %arg7[%dma_start3A_452, %dma_start3A_453] : memref<308x128xf32, #tpu.memory_space<vmem>> -> memref<200x128xf32, #tpu.memory_space<vmem>>
    %dma_start3A_455 = arith.constant 0 : i32
    %dma_start3A_456 = arith.constant 0 : i32
    %dma_start3A_457 = tpu.memref_slice %arg2[%add3A_442, %dma_start3A_455, %dma_start3A_456] : memref<256x200x128xf32, #tpu.memory_space<hbm>> -> memref<1x200x128xf32, #tpu.memory_space<hbm>>
    %dma_start3A_458 = tpu.memref_squeeze %dma_start3A_457 : memref<1x200x128xf32, #tpu.memory_space<hbm>> -> memref<200x128xf32, #tpu.memory_space<hbm>>
    tpu.enqueue_dma source(%dma_start3A_458 : memref<200x128xf32, #tpu.memory_space<hbm>>) target(%dma_start3A_454 : memref<200x128xf32, #tpu.memory_space<vmem>>) target_semaphore(%dma_start3A_451 : memref<!tpu.dma_semaphore, #tpu.memory_space<semaphore_mem>>)
    %dma_start3A_459 = arith.constant 0 : i32
    %dma_start3A_460 = arith.constant 203 : i32
    %dma_start3A_461 = arith.constant 0 : i32
    %dma_start3A_462 = tpu.memref_slice %arg7[%dma_start3A_460, %dma_start3A_461] : memref<308x128xf32, #tpu.memory_space<vmem>> -> memref<104x128xf32, #tpu.memory_space<vmem>>
    %dma_start3A_463 = arith.constant 0 : i32
    %dma_start3A_464 = arith.constant 0 : i32
    %dma_start3A_465 = tpu.memref_slice %arg3[%add3A_442, %dma_start3A_463, %dma_start3A_464] : memref<256x200x128xf32, #tpu.memory_space<hbm>> -> memref<1x104x128xf32, #tpu.memory_space<hbm>>
    %dma_start3A_466 = tpu.memref_squeeze %dma_start3A_465 : memref<1x104x128xf32, #tpu.memory_space<hbm>> -> memref<104x128xf32, #tpu.memory_space<hbm>>
    %dma_start3A_467 = tpu.memref_slice %arg10[%dma_start3A_459] : memref<4x!tpu.dma_semaphore, #tpu.memory_space<semaphore_mem>> -> memref<1x!tpu.dma_semaphore, #tpu.memory_space<semaphore_mem>>
    %dma_start3A_468 = tpu.memref_squeeze %dma_start3A_467 : memref<1x!tpu.dma_semaphore, #tpu.memory_space<semaphore_mem>> -> memref<!tpu.dma_semaphore, #tpu.memory_space<semaphore_mem>>
    %dma_start3A_469 = arith.constant 203 : i32
    %dma_start3A_470 = arith.constant 0 : i32
    %dma_start3A_471 = tpu.memref_slice %arg7[%dma_start3A_469, %dma_start3A_470] : memref<308x128xf32, #tpu.memory_space<vmem>> -> memref<104x128xf32, #tpu.memory_space<vmem>>
    %dma_start3A_472 = arith.constant 0 : i32
    %dma_start3A_473 = arith.constant 0 : i32
    %dma_start3A_474 = tpu.memref_slice %arg3[%add3A_442, %dma_start3A_472, %dma_start3A_473] : memref<256x200x128xf32, #tpu.memory_space<hbm>> -> memref<1x104x128xf32, #tpu.memory_space<hbm>>
    %dma_start3A_475 = tpu.memref_squeeze %dma_start3A_474 : memref<1x104x128xf32, #tpu.memory_space<hbm>> -> memref<104x128xf32, #tpu.memory_space<hbm>>
    tpu.enqueue_dma source(%dma_start3A_475 : memref<104x128xf32, #tpu.memory_space<hbm>>) target(%dma_start3A_471 : memref<104x128xf32, #tpu.memory_space<vmem>>) target_semaphore(%dma_start3A_468 : memref<!tpu.dma_semaphore, #tpu.memory_space<semaphore_mem>>)
    %add3A_476 = arith.constant 0 : i32
    %add3A_477 = arith.addi %mul3A_2, %add3A_476 : i32
    %dma_start3A_478 = arith.constant 1 : i32
    %dma_start3A_479 = arith.constant 3 : i32
    %dma_start3A_480 = arith.constant 0 : i32
    %dma_start3A_481 = tpu.memref_slice %arg8[%dma_start3A_479, %dma_start3A_480] : memref<309x128xf32, #tpu.memory_space<vmem>> -> memref<104x128xf32, #tpu.memory_space<vmem>>
    %dma_start3A_482 = arith.constant 96 : i32
    %dma_start3A_483 = arith.constant 0 : i32
    %dma_start3A_484 = tpu.memref_slice %arg3[%add3A_477, %dma_start3A_482, %dma_start3A_483] : memref<256x200x128xf32, #tpu.memory_space<hbm>> -> memref<1x104x128xf32, #tpu.memory_space<hbm>>
    %dma_start3A_485 = tpu.memref_squeeze %dma_start3A_484 : memref<1x104x128xf32, #tpu.memory_space<hbm>> -> memref<104x128xf32, #tpu.memory_space<hbm>>
    %dma_start3A_486 = tpu.memref_slice %arg10[%dma_start3A_478] : memref<4x!tpu.dma_semaphore, #tpu.memory_space<semaphore_mem>> -> memref<1x!tpu.dma_semaphore, #tpu.memory_space<semaphore_mem>>
    %dma_start3A_487 = tpu.memref_squeeze %dma_start3A_486 : memref<1x!tpu.dma_semaphore, #tpu.memory_space<semaphore_mem>> -> memref<!tpu.dma_semaphore, #tpu.memory_space<semaphore_mem>>
    %dma_start3A_488 = arith.constant 3 : i32
    %dma_start3A_489 = arith.constant 0 : i32
    %dma_start3A_490 = tpu.memref_slice %arg8[%dma_start3A_488, %dma_start3A_489] : memref<309x128xf32, #tpu.memory_space<vmem>> -> memref<104x128xf32, #tpu.memory_space<vmem>>
    %dma_start3A_491 = arith.constant 96 : i32
    %dma_start3A_492 = arith.constant 0 : i32
    %dma_start3A_493 = tpu.memref_slice %arg3[%add3A_477, %dma_start3A_491, %dma_start3A_492] : memref<256x200x128xf32, #tpu.memory_space<hbm>> -> memref<1x104x128xf32, #tpu.memory_space<hbm>>
    %dma_start3A_494 = tpu.memref_squeeze %dma_start3A_493 : memref<1x104x128xf32, #tpu.memory_space<hbm>> -> memref<104x128xf32, #tpu.memory_space<hbm>>
    tpu.enqueue_dma source(%dma_start3A_494 : memref<104x128xf32, #tpu.memory_space<hbm>>) target(%dma_start3A_490 : memref<104x128xf32, #tpu.memory_space<vmem>>) target_semaphore(%dma_start3A_487 : memref<!tpu.dma_semaphore, #tpu.memory_space<semaphore_mem>>)
    %dma_start3A_495 = arith.constant 1 : i32
    %dma_start3A_496 = arith.constant 108 : i32
    %dma_start3A_497 = arith.constant 0 : i32
    %dma_start3A_498 = tpu.memref_slice %arg8[%dma_start3A_496, %dma_start3A_497] : memref<309x128xf32, #tpu.memory_space<vmem>> -> memref<200x128xf32, #tpu.memory_space<vmem>>
    %dma_start3A_499 = arith.constant 0 : i32
    %dma_start3A_500 = arith.constant 0 : i32
    %dma_start3A_501 = tpu.memref_slice %arg4[%add3A_477, %dma_start3A_499, %dma_start3A_500] : memref<256x200x128xf32, #tpu.memory_space<hbm>> -> memref<1x200x128xf32, #tpu.memory_space<hbm>>
    %dma_start3A_502 = tpu.memref_squeeze %dma_start3A_501 : memref<1x200x128xf32, #tpu.memory_space<hbm>> -> memref<200x128xf32, #tpu.memory_space<hbm>>
    %dma_start3A_503 = tpu.memref_slice %arg10[%dma_start3A_495] : memref<4x!tpu.dma_semaphore, #tpu.memory_space<semaphore_mem>> -> memref<1x!tpu.dma_semaphore, #tpu.memory_space<semaphore_mem>>
    %dma_start3A_504 = tpu.memref_squeeze %dma_start3A_503 : memref<1x!tpu.dma_semaphore, #tpu.memory_space<semaphore_mem>> -> memref<!tpu.dma_semaphore, #tpu.memory_space<semaphore_mem>>
    %dma_start3A_505 = arith.constant 108 : i32
    %dma_start3A_506 = arith.constant 0 : i32
    %dma_start3A_507 = tpu.memref_slice %arg8[%dma_start3A_505, %dma_start3A_506] : memref<309x128xf32, #tpu.memory_space<vmem>> -> memref<200x128xf32, #tpu.memory_space<vmem>>
    %dma_start3A_508 = arith.constant 0 : i32
    %dma_start3A_509 = arith.constant 0 : i32
    %dma_start3A_510 = tpu.memref_slice %arg4[%add3A_477, %dma_start3A_508, %dma_start3A_509] : memref<256x200x128xf32, #tpu.memory_space<hbm>> -> memref<1x200x128xf32, #tpu.memory_space<hbm>>
    %dma_start3A_511 = tpu.memref_squeeze %dma_start3A_510 : memref<1x200x128xf32, #tpu.memory_space<hbm>> -> memref<200x128xf32, #tpu.memory_space<hbm>>
    tpu.enqueue_dma source(%dma_start3A_511 : memref<200x128xf32, #tpu.memory_space<hbm>>) target(%dma_start3A_507 : memref<200x128xf32, #tpu.memory_space<vmem>>) target_semaphore(%dma_start3A_504 : memref<!tpu.dma_semaphore, #tpu.memory_space<semaphore_mem>>)
    %add3A_512 = arith.constant 0 : i32
    %add3A_513 = arith.addi %mul3A_2, %add3A_512 : i32
    %dma_wait3A = arith.constant 0 : i32
    %dma_wait3A_514 = arith.constant 2 : i32
    %dma_wait3A_515 = arith.constant 0 : i32
    %dma_wait3A_516 = tpu.memref_slice %arg7[%dma_wait3A_514, %dma_wait3A_515] : memref<308x128xf32, #tpu.memory_space<vmem>> -> memref<200x128xf32, #tpu.memory_space<vmem>>
    %dma_wait3A_517 = arith.constant 0 : i32
    %dma_wait3A_518 = arith.constant 0 : i32
    %dma_wait3A_519 = tpu.memref_slice %arg2[%add3A_513, %dma_wait3A_517, %dma_wait3A_518] : memref<256x200x128xf32, #tpu.memory_space<hbm>> -> memref<1x200x128xf32, #tpu.memory_space<hbm>>
    %dma_wait3A_520 = tpu.memref_squeeze %dma_wait3A_519 : memref<1x200x128xf32, #tpu.memory_space<hbm>> -> memref<200x128xf32, #tpu.memory_space<hbm>>
    %dma_wait3A_521 = tpu.memref_slice %arg10[%dma_wait3A] : memref<4x!tpu.dma_semaphore, #tpu.memory_space<semaphore_mem>> -> memref<1x!tpu.dma_semaphore, #tpu.memory_space<semaphore_mem>>
    %dma_wait3A_522 = tpu.memref_squeeze %dma_wait3A_521 : memref<1x!tpu.dma_semaphore, #tpu.memory_space<semaphore_mem>> -> memref<!tpu.dma_semaphore, #tpu.memory_space<semaphore_mem>>
    %dma_wait3A_523 = arith.constant 2 : i32
    %dma_wait3A_524 = arith.constant 0 : i32
    %dma_wait3A_525 = tpu.memref_slice %arg7[%dma_wait3A_523, %dma_wait3A_524] : memref<308x128xf32, #tpu.memory_space<vmem>> -> memref<200x128xf32, #tpu.memory_space<vmem>>
    %dma_wait3A_526 = arith.constant 0 : i32
    %dma_wait3A_527 = arith.constant 0 : i32
    %dma_wait3A_528 = tpu.memref_slice %arg2[%add3A_513, %dma_wait3A_526, %dma_wait3A_527] : memref<256x200x128xf32, #tpu.memory_space<hbm>> -> memref<1x200x128xf32, #tpu.memory_space<hbm>>
    %dma_wait3A_529 = tpu.memref_squeeze %dma_wait3A_528 : memref<1x200x128xf32, #tpu.memory_space<hbm>> -> memref<200x128xf32, #tpu.memory_space<hbm>>
    tpu.wait_dma2 semaphore(%dma_wait3A_522 : memref<!tpu.dma_semaphore, #tpu.memory_space<semaphore_mem>>) src(%dma_wait3A_529 : memref<200x128xf32, #tpu.memory_space<hbm>>) dst(%dma_wait3A_525 : memref<200x128xf32, #tpu.memory_space<vmem>>)
    %dma_wait3A_530 = arith.constant 0 : i32
    %dma_wait3A_531 = arith.constant 203 : i32
    %dma_wait3A_532 = arith.constant 0 : i32
    %dma_wait3A_533 = tpu.memref_slice %arg7[%dma_wait3A_531, %dma_wait3A_532] : memref<308x128xf32, #tpu.memory_space<vmem>> -> memref<104x128xf32, #tpu.memory_space<vmem>>
    %dma_wait3A_534 = arith.constant 0 : i32
    %dma_wait3A_535 = arith.constant 0 : i32
    %dma_wait3A_536 = tpu.memref_slice %arg3[%add3A_513, %dma_wait3A_534, %dma_wait3A_535] : memref<256x200x128xf32, #tpu.memory_space<hbm>> -> memref<1x104x128xf32, #tpu.memory_space<hbm>>
    %dma_wait3A_537 = tpu.memref_squeeze %dma_wait3A_536 : memref<1x104x128xf32, #tpu.memory_space<hbm>> -> memref<104x128xf32, #tpu.memory_space<hbm>>
    %dma_wait3A_538 = tpu.memref_slice %arg10[%dma_wait3A_530] : memref<4x!tpu.dma_semaphore, #tpu.memory_space<semaphore_mem>> -> memref<1x!tpu.dma_semaphore, #tpu.memory_space<semaphore_mem>>
    %dma_wait3A_539 = tpu.memref_squeeze %dma_wait3A_538 : memref<1x!tpu.dma_semaphore, #tpu.memory_space<semaphore_mem>> -> memref<!tpu.dma_semaphore, #tpu.memory_space<semaphore_mem>>
    %dma_wait3A_540 = arith.constant 203 : i32
    %dma_wait3A_541 = arith.constant 0 : i32
    %dma_wait3A_542 = tpu.memref_slice %arg7[%dma_wait3A_540, %dma_wait3A_541] : memref<308x128xf32, #tpu.memory_space<vmem>> -> memref<104x128xf32, #tpu.memory_space<vmem>>
    %dma_wait3A_543 = arith.constant 0 : i32
    %dma_wait3A_544 = arith.constant 0 : i32
    %dma_wait3A_545 = tpu.memref_slice %arg3[%add3A_513, %dma_wait3A_543, %dma_wait3A_544] : memref<256x200x128xf32, #tpu.memory_space<hbm>> -> memref<1x104x128xf32, #tpu.memory_space<hbm>>
    %dma_wait3A_546 = tpu.memref_squeeze %dma_wait3A_545 : memref<1x104x128xf32, #tpu.memory_space<hbm>> -> memref<104x128xf32, #tpu.memory_space<hbm>>
    tpu.wait_dma2 semaphore(%dma_wait3A_539 : memref<!tpu.dma_semaphore, #tpu.memory_space<semaphore_mem>>) src(%dma_wait3A_546 : memref<104x128xf32, #tpu.memory_space<hbm>>) dst(%dma_wait3A_542 : memref<104x128xf32, #tpu.memory_space<vmem>>)
    %add3A_547 = arith.constant 0 : i32
    %add3A_548 = arith.addi %mul3A_2, %add3A_547 : i32
    %dma_start3A_549 = arith.constant 2 : i32
    %dma_start3A_550 = arith.constant 0 : i32
    %dma_start3A_551 = arith.constant 0 : i32
    %dma_start3A_552 = tpu.memref_slice %arg7[%dma_start3A_550, %dma_start3A_551] : memref<308x128xf32, #tpu.memory_space<vmem>> -> memref<304x128xf32, #tpu.memory_space<vmem>>
    %dma_start3A_553 = arith.constant 0 : i32
    %dma_start3A_554 = arith.constant 0 : i32
    %dma_start3A_555 = tpu.memref_slice %arg6[%add3A_548, %dma_start3A_553, %dma_start3A_554] : memref<256x605x128xf32, #tpu.memory_space<hbm>> -> memref<1x304x128xf32, #tpu.memory_space<hbm>>
    %dma_start3A_556 = tpu.memref_squeeze %dma_start3A_555 : memref<1x304x128xf32, #tpu.memory_space<hbm>> -> memref<304x128xf32, #tpu.memory_space<hbm>>
    %dma_start3A_557 = tpu.memref_slice %arg10[%dma_start3A_549] : memref<4x!tpu.dma_semaphore, #tpu.memory_space<semaphore_mem>> -> memref<1x!tpu.dma_semaphore, #tpu.memory_space<semaphore_mem>>
    %dma_start3A_558 = tpu.memref_squeeze %dma_start3A_557 : memref<1x!tpu.dma_semaphore, #tpu.memory_space<semaphore_mem>> -> memref<!tpu.dma_semaphore, #tpu.memory_space<semaphore_mem>>
    %dma_start3A_559 = arith.constant 0 : i32
    %dma_start3A_560 = arith.constant 0 : i32
    %dma_start3A_561 = tpu.memref_slice %arg6[%add3A_548, %dma_start3A_559, %dma_start3A_560] : memref<256x605x128xf32, #tpu.memory_space<hbm>> -> memref<1x304x128xf32, #tpu.memory_space<hbm>>
    %dma_start3A_562 = tpu.memref_squeeze %dma_start3A_561 : memref<1x304x128xf32, #tpu.memory_space<hbm>> -> memref<304x128xf32, #tpu.memory_space<hbm>>
    %dma_start3A_563 = arith.constant 0 : i32
    %dma_start3A_564 = arith.constant 0 : i32
    %dma_start3A_565 = tpu.memref_slice %arg7[%dma_start3A_563, %dma_start3A_564] : memref<308x128xf32, #tpu.memory_space<vmem>> -> memref<304x128xf32, #tpu.memory_space<vmem>>
    tpu.enqueue_dma source(%dma_start3A_565 : memref<304x128xf32, #tpu.memory_space<vmem>>) target(%dma_start3A_562 : memref<304x128xf32, #tpu.memory_space<hbm>>) target_semaphore(%dma_start3A_558 : memref<!tpu.dma_semaphore, #tpu.memory_space<semaphore_mem>>)
    %add3A_566 = arith.constant 0 : i32
    %add3A_567 = arith.addi %mul3A_2, %add3A_566 : i32
    %dma_wait3A_568 = arith.constant 1 : i32
    %dma_wait3A_569 = arith.constant 3 : i32
    %dma_wait3A_570 = arith.constant 0 : i32
    %dma_wait3A_571 = tpu.memref_slice %arg8[%dma_wait3A_569, %dma_wait3A_570] : memref<309x128xf32, #tpu.memory_space<vmem>> -> memref<104x128xf32, #tpu.memory_space<vmem>>
    %dma_wait3A_572 = arith.constant 96 : i32
    %dma_wait3A_573 = arith.constant 0 : i32
    %dma_wait3A_574 = tpu.memref_slice %arg3[%add3A_567, %dma_wait3A_572, %dma_wait3A_573] : memref<256x200x128xf32, #tpu.memory_space<hbm>> -> memref<1x104x128xf32, #tpu.memory_space<hbm>>
    %dma_wait3A_575 = tpu.memref_squeeze %dma_wait3A_574 : memref<1x104x128xf32, #tpu.memory_space<hbm>> -> memref<104x128xf32, #tpu.memory_space<hbm>>
    %dma_wait3A_576 = tpu.memref_slice %arg10[%dma_wait3A_568] : memref<4x!tpu.dma_semaphore, #tpu.memory_space<semaphore_mem>> -> memref<1x!tpu.dma_semaphore, #tpu.memory_space<semaphore_mem>>
    %dma_wait3A_577 = tpu.memref_squeeze %dma_wait3A_576 : memref<1x!tpu.dma_semaphore, #tpu.memory_space<semaphore_mem>> -> memref<!tpu.dma_semaphore, #tpu.memory_space<semaphore_mem>>
    %dma_wait3A_578 = arith.constant 3 : i32
    %dma_wait3A_579 = arith.constant 0 : i32
    %dma_wait3A_580 = tpu.memref_slice %arg8[%dma_wait3A_578, %dma_wait3A_579] : memref<309x128xf32, #tpu.memory_space<vmem>> -> memref<104x128xf32, #tpu.memory_space<vmem>>
    %dma_wait3A_581 = arith.constant 96 : i32
    %dma_wait3A_582 = arith.constant 0 : i32
    %dma_wait3A_583 = tpu.memref_slice %arg3[%add3A_567, %dma_wait3A_581, %dma_wait3A_582] : memref<256x200x128xf32, #tpu.memory_space<hbm>> -> memref<1x104x128xf32, #tpu.memory_space<hbm>>
    %dma_wait3A_584 = tpu.memref_squeeze %dma_wait3A_583 : memref<1x104x128xf32, #tpu.memory_space<hbm>> -> memref<104x128xf32, #tpu.memory_space<hbm>>
    tpu.wait_dma2 semaphore(%dma_wait3A_577 : memref<!tpu.dma_semaphore, #tpu.memory_space<semaphore_mem>>) src(%dma_wait3A_584 : memref<104x128xf32, #tpu.memory_space<hbm>>) dst(%dma_wait3A_580 : memref<104x128xf32, #tpu.memory_space<vmem>>)
    %dma_wait3A_585 = arith.constant 1 : i32
    %dma_wait3A_586 = arith.constant 108 : i32
    %dma_wait3A_587 = arith.constant 0 : i32
    %dma_wait3A_588 = tpu.memref_slice %arg8[%dma_wait3A_586, %dma_wait3A_587] : memref<309x128xf32, #tpu.memory_space<vmem>> -> memref<200x128xf32, #tpu.memory_space<vmem>>
    %dma_wait3A_589 = arith.constant 0 : i32
    %dma_wait3A_590 = arith.constant 0 : i32
    %dma_wait3A_591 = tpu.memref_slice %arg4[%add3A_567, %dma_wait3A_589, %dma_wait3A_590] : memref<256x200x128xf32, #tpu.memory_space<hbm>> -> memref<1x200x128xf32, #tpu.memory_space<hbm>>
    %dma_wait3A_592 = tpu.memref_squeeze %dma_wait3A_591 : memref<1x200x128xf32, #tpu.memory_space<hbm>> -> memref<200x128xf32, #tpu.memory_space<hbm>>
    %dma_wait3A_593 = tpu.memref_slice %arg10[%dma_wait3A_585] : memref<4x!tpu.dma_semaphore, #tpu.memory_space<semaphore_mem>> -> memref<1x!tpu.dma_semaphore, #tpu.memory_space<semaphore_mem>>
    %dma_wait3A_594 = tpu.memref_squeeze %dma_wait3A_593 : memref<1x!tpu.dma_semaphore, #tpu.memory_space<semaphore_mem>> -> memref<!tpu.dma_semaphore, #tpu.memory_space<semaphore_mem>>
    %dma_wait3A_595 = arith.constant 108 : i32
    %dma_wait3A_596 = arith.constant 0 : i32
    %dma_wait3A_597 = tpu.memref_slice %arg8[%dma_wait3A_595, %dma_wait3A_596] : memref<309x128xf32, #tpu.memory_space<vmem>> -> memref<200x128xf32, #tpu.memory_space<vmem>>
    %dma_wait3A_598 = arith.constant 0 : i32
    %dma_wait3A_599 = arith.constant 0 : i32
    %dma_wait3A_600 = tpu.memref_slice %arg4[%add3A_567, %dma_wait3A_598, %dma_wait3A_599] : memref<256x200x128xf32, #tpu.memory_space<hbm>> -> memref<1x200x128xf32, #tpu.memory_space<hbm>>
    %dma_wait3A_601 = tpu.memref_squeeze %dma_wait3A_600 : memref<1x200x128xf32, #tpu.memory_space<hbm>> -> memref<200x128xf32, #tpu.memory_space<hbm>>
    tpu.wait_dma2 semaphore(%dma_wait3A_594 : memref<!tpu.dma_semaphore, #tpu.memory_space<semaphore_mem>>) src(%dma_wait3A_601 : memref<200x128xf32, #tpu.memory_space<hbm>>) dst(%dma_wait3A_597 : memref<200x128xf32, #tpu.memory_space<vmem>>)
    %add3A_602 = arith.constant 0 : i32
    %add3A_603 = arith.addi %mul3A_2, %add3A_602 : i32
    %dma_start3A_604 = arith.constant 3 : i32
    %dma_start3A_605 = arith.constant 8 : i32
    %dma_start3A_606 = arith.constant 0 : i32
    %dma_start3A_607 = tpu.memref_slice %arg8[%dma_start3A_605, %dma_start3A_606] : memref<309x128xf32, #tpu.memory_space<vmem>> -> memref<301x128xf32, #tpu.memory_space<vmem>>
    %dma_start3A_608 = arith.constant 304 : i32
    %dma_start3A_609 = arith.constant 0 : i32
    %dma_start3A_610 = tpu.memref_slice %arg6[%add3A_603, %dma_start3A_608, %dma_start3A_609] : memref<256x605x128xf32, #tpu.memory_space<hbm>> -> memref<1x301x128xf32, #tpu.memory_space<hbm>>
    %dma_start3A_611 = tpu.memref_squeeze %dma_start3A_610 : memref<1x301x128xf32, #tpu.memory_space<hbm>> -> memref<301x128xf32, #tpu.memory_space<hbm>>
    %dma_start3A_612 = tpu.memref_slice %arg10[%dma_start3A_604] : memref<4x!tpu.dma_semaphore, #tpu.memory_space<semaphore_mem>> -> memref<1x!tpu.dma_semaphore, #tpu.memory_space<semaphore_mem>>
    %dma_start3A_613 = tpu.memref_squeeze %dma_start3A_612 : memref<1x!tpu.dma_semaphore, #tpu.memory_space<semaphore_mem>> -> memref<!tpu.dma_semaphore, #tpu.memory_space<semaphore_mem>>
    %dma_start3A_614 = arith.constant 304 : i32
    %dma_start3A_615 = arith.constant 0 : i32
    %dma_start3A_616 = tpu.memref_slice %arg6[%add3A_603, %dma_start3A_614, %dma_start3A_615] : memref<256x605x128xf32, #tpu.memory_space<hbm>> -> memref<1x301x128xf32, #tpu.memory_space<hbm>>
    %dma_start3A_617 = tpu.memref_squeeze %dma_start3A_616 : memref<1x301x128xf32, #tpu.memory_space<hbm>> -> memref<301x128xf32, #tpu.memory_space<hbm>>
    %dma_start3A_618 = arith.constant 8 : i32
    %dma_start3A_619 = arith.constant 0 : i32
    %dma_start3A_620 = tpu.memref_slice %arg8[%dma_start3A_618, %dma_start3A_619] : memref<309x128xf32, #tpu.memory_space<vmem>> -> memref<301x128xf32, #tpu.memory_space<vmem>>
    tpu.enqueue_dma source(%dma_start3A_620 : memref<301x128xf32, #tpu.memory_space<vmem>>) target(%dma_start3A_617 : memref<301x128xf32, #tpu.memory_space<hbm>>) target_semaphore(%dma_start3A_613 : memref<!tpu.dma_semaphore, #tpu.memory_space<semaphore_mem>>)
    %add3A_621 = arith.constant 0 : i32
    %add3A_622 = arith.addi %mul3A_2, %add3A_621 : i32
    %dma_wait3A_623 = arith.constant 2 : i32
    %dma_wait3A_624 = arith.constant 0 : i32
    %dma_wait3A_625 = arith.constant 0 : i32
    %dma_wait3A_626 = tpu.memref_slice %arg7[%dma_wait3A_624, %dma_wait3A_625] : memref<308x128xf32, #tpu.memory_space<vmem>> -> memref<304x128xf32, #tpu.memory_space<vmem>>
    %dma_wait3A_627 = arith.constant 0 : i32
    %dma_wait3A_628 = arith.constant 0 : i32
    %dma_wait3A_629 = tpu.memref_slice %arg6[%add3A_622, %dma_wait3A_627, %dma_wait3A_628] : memref<256x605x128xf32, #tpu.memory_space<hbm>> -> memref<1x304x128xf32, #tpu.memory_space<hbm>>
    %dma_wait3A_630 = tpu.memref_squeeze %dma_wait3A_629 : memref<1x304x128xf32, #tpu.memory_space<hbm>> -> memref<304x128xf32, #tpu.memory_space<hbm>>
    %dma_wait3A_631 = tpu.memref_slice %arg10[%dma_wait3A_623] : memref<4x!tpu.dma_semaphore, #tpu.memory_space<semaphore_mem>> -> memref<1x!tpu.dma_semaphore, #tpu.memory_space<semaphore_mem>>
    %dma_wait3A_632 = tpu.memref_squeeze %dma_wait3A_631 : memref<1x!tpu.dma_semaphore, #tpu.memory_space<semaphore_mem>> -> memref<!tpu.dma_semaphore, #tpu.memory_space<semaphore_mem>>
    %dma_wait3A_633 = arith.constant 0 : i32
    %dma_wait3A_634 = arith.constant 0 : i32
    %dma_wait3A_635 = tpu.memref_slice %arg6[%add3A_622, %dma_wait3A_633, %dma_wait3A_634] : memref<256x605x128xf32, #tpu.memory_space<hbm>> -> memref<1x304x128xf32, #tpu.memory_space<hbm>>
    %dma_wait3A_636 = tpu.memref_squeeze %dma_wait3A_635 : memref<1x304x128xf32, #tpu.memory_space<hbm>> -> memref<304x128xf32, #tpu.memory_space<hbm>>
    %dma_wait3A_637 = arith.constant 0 : i32
    %dma_wait3A_638 = arith.constant 0 : i32
    %dma_wait3A_639 = tpu.memref_slice %arg7[%dma_wait3A_637, %dma_wait3A_638] : memref<308x128xf32, #tpu.memory_space<vmem>> -> memref<304x128xf32, #tpu.memory_space<vmem>>
    tpu.wait_dma2 semaphore(%dma_wait3A_632 : memref<!tpu.dma_semaphore, #tpu.memory_space<semaphore_mem>>) src(%dma_wait3A_639 : memref<304x128xf32, #tpu.memory_space<vmem>>) dst(%dma_wait3A_636 : memref<304x128xf32, #tpu.memory_space<hbm>>)
    %add3A_640 = arith.constant 1 : i32
    %add3A_641 = arith.addi %mul3A_2, %add3A_640 : i32
    %dma_start3A_642 = arith.constant 0 : i32
    %dma_start3A_643 = arith.constant 2 : i32
    %dma_start3A_644 = arith.constant 0 : i32
    %dma_start3A_645 = tpu.memref_slice %arg7[%dma_start3A_643, %dma_start3A_644] : memref<308x128xf32, #tpu.memory_space<vmem>> -> memref<200x128xf32, #tpu.memory_space<vmem>>
    %dma_start3A_646 = arith.constant 0 : i32
    %dma_start3A_647 = arith.constant 0 : i32
    %dma_start3A_648 = tpu.memref_slice %arg2[%add3A_641, %dma_start3A_646, %dma_start3A_647] : memref<256x200x128xf32, #tpu.memory_space<hbm>> -> memref<1x200x128xf32, #tpu.memory_space<hbm>>
    %dma_start3A_649 = tpu.memref_squeeze %dma_start3A_648 : memref<1x200x128xf32, #tpu.memory_space<hbm>> -> memref<200x128xf32, #tpu.memory_space<hbm>>
    %dma_start3A_650 = tpu.memref_slice %arg10[%dma_start3A_642] : memref<4x!tpu.dma_semaphore, #tpu.memory_space<semaphore_mem>> -> memref<1x!tpu.dma_semaphore, #tpu.memory_space<semaphore_mem>>
    %dma_start3A_651 = tpu.memref_squeeze %dma_start3A_650 : memref<1x!tpu.dma_semaphore, #tpu.memory_space<semaphore_mem>> -> memref<!tpu.dma_semaphore, #tpu.memory_space<semaphore_mem>>
    %dma_start3A_652 = arith.constant 2 : i32
    %dma_start3A_653 = arith.constant 0 : i32
    %dma_start3A_654 = tpu.memref_slice %arg7[%dma_start3A_652, %dma_start3A_653] : memref<308x128xf32, #tpu.memory_space<vmem>> -> memref<200x128xf32, #tpu.memory_space<vmem>>
    %dma_start3A_655 = arith.constant 0 : i32
    %dma_start3A_656 = arith.constant 0 : i32
    %dma_start3A_657 = tpu.memref_slice %arg2[%add3A_641, %dma_start3A_655, %dma_start3A_656] : memref<256x200x128xf32, #tpu.memory_space<hbm>> -> memref<1x200x128xf32, #tpu.memory_space<hbm>>
    %dma_start3A_658 = tpu.memref_squeeze %dma_start3A_657 : memref<1x200x128xf32, #tpu.memory_space<hbm>> -> memref<200x128xf32, #tpu.memory_space<hbm>>
    tpu.enqueue_dma source(%dma_start3A_658 : memref<200x128xf32, #tpu.memory_space<hbm>>) target(%dma_start3A_654 : memref<200x128xf32, #tpu.memory_space<vmem>>) target_semaphore(%dma_start3A_651 : memref<!tpu.dma_semaphore, #tpu.memory_space<semaphore_mem>>)
    %dma_start3A_659 = arith.constant 0 : i32
    %dma_start3A_660 = arith.constant 203 : i32
    %dma_start3A_661 = arith.constant 0 : i32
    %dma_start3A_662 = tpu.memref_slice %arg7[%dma_start3A_660, %dma_start3A_661] : memref<308x128xf32, #tpu.memory_space<vmem>> -> memref<104x128xf32, #tpu.memory_space<vmem>>
    %dma_start3A_663 = arith.constant 0 : i32
    %dma_start3A_664 = arith.constant 0 : i32
    %dma_start3A_665 = tpu.memref_slice %arg3[%add3A_641, %dma_start3A_663, %dma_start3A_664] : memref<256x200x128xf32, #tpu.memory_space<hbm>> -> memref<1x104x128xf32, #tpu.memory_space<hbm>>
    %dma_start3A_666 = tpu.memref_squeeze %dma_start3A_665 : memref<1x104x128xf32, #tpu.memory_space<hbm>> -> memref<104x128xf32, #tpu.memory_space<hbm>>
    %dma_start3A_667 = tpu.memref_slice %arg10[%dma_start3A_659] : memref<4x!tpu.dma_semaphore, #tpu.memory_space<semaphore_mem>> -> memref<1x!tpu.dma_semaphore, #tpu.memory_space<semaphore_mem>>
    %dma_start3A_668 = tpu.memref_squeeze %dma_start3A_667 : memref<1x!tpu.dma_semaphore, #tpu.memory_space<semaphore_mem>> -> memref<!tpu.dma_semaphore, #tpu.memory_space<semaphore_mem>>
    %dma_start3A_669 = arith.constant 203 : i32
    %dma_start3A_670 = arith.constant 0 : i32
    %dma_start3A_671 = tpu.memref_slice %arg7[%dma_start3A_669, %dma_start3A_670] : memref<308x128xf32, #tpu.memory_space<vmem>> -> memref<104x128xf32, #tpu.memory_space<vmem>>
    %dma_start3A_672 = arith.constant 0 : i32
    %dma_start3A_673 = arith.constant 0 : i32
    %dma_start3A_674 = tpu.memref_slice %arg3[%add3A_641, %dma_start3A_672, %dma_start3A_673] : memref<256x200x128xf32, #tpu.memory_space<hbm>> -> memref<1x104x128xf32, #tpu.memory_space<hbm>>
    %dma_start3A_675 = tpu.memref_squeeze %dma_start3A_674 : memref<1x104x128xf32, #tpu.memory_space<hbm>> -> memref<104x128xf32, #tpu.memory_space<hbm>>
    tpu.enqueue_dma source(%dma_start3A_675 : memref<104x128xf32, #tpu.memory_space<hbm>>) target(%dma_start3A_671 : memref<104x128xf32, #tpu.memory_space<vmem>>) target_semaphore(%dma_start3A_668 : memref<!tpu.dma_semaphore, #tpu.memory_space<semaphore_mem>>)
    %add3A_676 = arith.constant 0 : i32
    %add3A_677 = arith.addi %mul3A_2, %add3A_676 : i32
    %dma_wait3A_678 = arith.constant 3 : i32
    %dma_wait3A_679 = arith.constant 8 : i32
    %dma_wait3A_680 = arith.constant 0 : i32
    %dma_wait3A_681 = tpu.memref_slice %arg8[%dma_wait3A_679, %dma_wait3A_680] : memref<309x128xf32, #tpu.memory_space<vmem>> -> memref<301x128xf32, #tpu.memory_space<vmem>>
    %dma_wait3A_682 = arith.constant 304 : i32
    %dma_wait3A_683 = arith.constant 0 : i32
    %dma_wait3A_684 = tpu.memref_slice %arg6[%add3A_677, %dma_wait3A_682, %dma_wait3A_683] : memref<256x605x128xf32, #tpu.memory_space<hbm>> -> memref<1x301x128xf32, #tpu.memory_space<hbm>>
    %dma_wait3A_685 = tpu.memref_squeeze %dma_wait3A_684 : memref<1x301x128xf32, #tpu.memory_space<hbm>> -> memref<301x128xf32, #tpu.memory_space<hbm>>
    %dma_wait3A_686 = tpu.memref_slice %arg10[%dma_wait3A_678] : memref<4x!tpu.dma_semaphore, #tpu.memory_space<semaphore_mem>> -> memref<1x!tpu.dma_semaphore, #tpu.memory_space<semaphore_mem>>
    %dma_wait3A_687 = tpu.memref_squeeze %dma_wait3A_686 : memref<1x!tpu.dma_semaphore, #tpu.memory_space<semaphore_mem>> -> memref<!tpu.dma_semaphore, #tpu.memory_space<semaphore_mem>>
    %dma_wait3A_688 = arith.constant 304 : i32
    %dma_wait3A_689 = arith.constant 0 : i32
    %dma_wait3A_690 = tpu.memref_slice %arg6[%add3A_677, %dma_wait3A_688, %dma_wait3A_689] : memref<256x605x128xf32, #tpu.memory_space<hbm>> -> memref<1x301x128xf32, #tpu.memory_space<hbm>>
    %dma_wait3A_691 = tpu.memref_squeeze %dma_wait3A_690 : memref<1x301x128xf32, #tpu.memory_space<hbm>> -> memref<301x128xf32, #tpu.memory_space<hbm>>
    %dma_wait3A_692 = arith.constant 8 : i32
    %dma_wait3A_693 = arith.constant 0 : i32
    %dma_wait3A_694 = tpu.memref_slice %arg8[%dma_wait3A_692, %dma_wait3A_693] : memref<309x128xf32, #tpu.memory_space<vmem>> -> memref<301x128xf32, #tpu.memory_space<vmem>>
    tpu.wait_dma2 semaphore(%dma_wait3A_687 : memref<!tpu.dma_semaphore, #tpu.memory_space<semaphore_mem>>) src(%dma_wait3A_694 : memref<301x128xf32, #tpu.memory_space<vmem>>) dst(%dma_wait3A_691 : memref<301x128xf32, #tpu.memory_space<hbm>>)
    %add3A_695 = arith.constant 1 : i32
    %add3A_696 = arith.addi %mul3A_2, %add3A_695 : i32
    %dma_start3A_697 = arith.constant 1 : i32
    %dma_start3A_698 = arith.constant 3 : i32
    %dma_start3A_699 = arith.constant 0 : i32
    %dma_start3A_700 = tpu.memref_slice %arg8[%dma_start3A_698, %dma_start3A_699] : memref<309x128xf32, #tpu.memory_space<vmem>> -> memref<104x128xf32, #tpu.memory_space<vmem>>
    %dma_start3A_701 = arith.constant 96 : i32
    %dma_start3A_702 = arith.constant 0 : i32
    %dma_start3A_703 = tpu.memref_slice %arg3[%add3A_696, %dma_start3A_701, %dma_start3A_702] : memref<256x200x128xf32, #tpu.memory_space<hbm>> -> memref<1x104x128xf32, #tpu.memory_space<hbm>>
    %dma_start3A_704 = tpu.memref_squeeze %dma_start3A_703 : memref<1x104x128xf32, #tpu.memory_space<hbm>> -> memref<104x128xf32, #tpu.memory_space<hbm>>
    %dma_start3A_705 = tpu.memref_slice %arg10[%dma_start3A_697] : memref<4x!tpu.dma_semaphore, #tpu.memory_space<semaphore_mem>> -> memref<1x!tpu.dma_semaphore, #tpu.memory_space<semaphore_mem>>
    %dma_start3A_706 = tpu.memref_squeeze %dma_start3A_705 : memref<1x!tpu.dma_semaphore, #tpu.memory_space<semaphore_mem>> -> memref<!tpu.dma_semaphore, #tpu.memory_space<semaphore_mem>>
    %dma_start3A_707 = arith.constant 3 : i32
    %dma_start3A_708 = arith.constant 0 : i32
    %dma_start3A_709 = tpu.memref_slice %arg8[%dma_start3A_707, %dma_start3A_708] : memref<309x128xf32, #tpu.memory_space<vmem>> -> memref<104x128xf32, #tpu.memory_space<vmem>>
    %dma_start3A_710 = arith.constant 96 : i32
    %dma_start3A_711 = arith.constant 0 : i32
    %dma_start3A_712 = tpu.memref_slice %arg3[%add3A_696, %dma_start3A_710, %dma_start3A_711] : memref<256x200x128xf32, #tpu.memory_space<hbm>> -> memref<1x104x128xf32, #tpu.memory_space<hbm>>
    %dma_start3A_713 = tpu.memref_squeeze %dma_start3A_712 : memref<1x104x128xf32, #tpu.memory_space<hbm>> -> memref<104x128xf32, #tpu.memory_space<hbm>>
    tpu.enqueue_dma source(%dma_start3A_713 : memref<104x128xf32, #tpu.memory_space<hbm>>) target(%dma_start3A_709 : memref<104x128xf32, #tpu.memory_space<vmem>>) target_semaphore(%dma_start3A_706 : memref<!tpu.dma_semaphore, #tpu.memory_space<semaphore_mem>>)
    %dma_start3A_714 = arith.constant 1 : i32
    %dma_start3A_715 = arith.constant 108 : i32
    %dma_start3A_716 = arith.constant 0 : i32
    %dma_start3A_717 = tpu.memref_slice %arg8[%dma_start3A_715, %dma_start3A_716] : memref<309x128xf32, #tpu.memory_space<vmem>> -> memref<200x128xf32, #tpu.memory_space<vmem>>
    %dma_start3A_718 = arith.constant 0 : i32
    %dma_start3A_719 = arith.constant 0 : i32
    %dma_start3A_720 = tpu.memref_slice %arg4[%add3A_696, %dma_start3A_718, %dma_start3A_719] : memref<256x200x128xf32, #tpu.memory_space<hbm>> -> memref<1x200x128xf32, #tpu.memory_space<hbm>>
    %dma_start3A_721 = tpu.memref_squeeze %dma_start3A_720 : memref<1x200x128xf32, #tpu.memory_space<hbm>> -> memref<200x128xf32, #tpu.memory_space<hbm>>
    %dma_start3A_722 = tpu.memref_slice %arg10[%dma_start3A_714] : memref<4x!tpu.dma_semaphore, #tpu.memory_space<semaphore_mem>> -> memref<1x!tpu.dma_semaphore, #tpu.memory_space<semaphore_mem>>
    %dma_start3A_723 = tpu.memref_squeeze %dma_start3A_722 : memref<1x!tpu.dma_semaphore, #tpu.memory_space<semaphore_mem>> -> memref<!tpu.dma_semaphore, #tpu.memory_space<semaphore_mem>>
    %dma_start3A_724 = arith.constant 108 : i32
    %dma_start3A_725 = arith.constant 0 : i32
    %dma_start3A_726 = tpu.memref_slice %arg8[%dma_start3A_724, %dma_start3A_725] : memref<309x128xf32, #tpu.memory_space<vmem>> -> memref<200x128xf32, #tpu.memory_space<vmem>>
    %dma_start3A_727 = arith.constant 0 : i32
    %dma_start3A_728 = arith.constant 0 : i32
    %dma_start3A_729 = tpu.memref_slice %arg4[%add3A_696, %dma_start3A_727, %dma_start3A_728] : memref<256x200x128xf32, #tpu.memory_space<hbm>> -> memref<1x200x128xf32, #tpu.memory_space<hbm>>
    %dma_start3A_730 = tpu.memref_squeeze %dma_start3A_729 : memref<1x200x128xf32, #tpu.memory_space<hbm>> -> memref<200x128xf32, #tpu.memory_space<hbm>>
    tpu.enqueue_dma source(%dma_start3A_730 : memref<200x128xf32, #tpu.memory_space<hbm>>) target(%dma_start3A_726 : memref<200x128xf32, #tpu.memory_space<vmem>>) target_semaphore(%dma_start3A_723 : memref<!tpu.dma_semaphore, #tpu.memory_space<semaphore_mem>>)
    %add3A_731 = arith.constant 1 : i32
    %add3A_732 = arith.addi %mul3A_2, %add3A_731 : i32
    %dma_wait3A_733 = arith.constant 0 : i32
    %dma_wait3A_734 = arith.constant 2 : i32
    %dma_wait3A_735 = arith.constant 0 : i32
    %dma_wait3A_736 = tpu.memref_slice %arg7[%dma_wait3A_734, %dma_wait3A_735] : memref<308x128xf32, #tpu.memory_space<vmem>> -> memref<200x128xf32, #tpu.memory_space<vmem>>
    %dma_wait3A_737 = arith.constant 0 : i32
    %dma_wait3A_738 = arith.constant 0 : i32
    %dma_wait3A_739 = tpu.memref_slice %arg2[%add3A_732, %dma_wait3A_737, %dma_wait3A_738] : memref<256x200x128xf32, #tpu.memory_space<hbm>> -> memref<1x200x128xf32, #tpu.memory_space<hbm>>
    %dma_wait3A_740 = tpu.memref_squeeze %dma_wait3A_739 : memref<1x200x128xf32, #tpu.memory_space<hbm>> -> memref<200x128xf32, #tpu.memory_space<hbm>>
    %dma_wait3A_741 = tpu.memref_slice %arg10[%dma_wait3A_733] : memref<4x!tpu.dma_semaphore, #tpu.memory_space<semaphore_mem>> -> memref<1x!tpu.dma_semaphore, #tpu.memory_space<semaphore_mem>>
    %dma_wait3A_742 = tpu.memref_squeeze %dma_wait3A_741 : memref<1x!tpu.dma_semaphore, #tpu.memory_space<semaphore_mem>> -> memref<!tpu.dma_semaphore, #tpu.memory_space<semaphore_mem>>
    %dma_wait3A_743 = arith.constant 2 : i32
    %dma_wait3A_744 = arith.constant 0 : i32
    %dma_wait3A_745 = tpu.memref_slice %arg7[%dma_wait3A_743, %dma_wait3A_744] : memref<308x128xf32, #tpu.memory_space<vmem>> -> memref<200x128xf32, #tpu.memory_space<vmem>>
    %dma_wait3A_746 = arith.constant 0 : i32
    %dma_wait3A_747 = arith.constant 0 : i32
    %dma_wait3A_748 = tpu.memref_slice %arg2[%add3A_732, %dma_wait3A_746, %dma_wait3A_747] : memref<256x200x128xf32, #tpu.memory_space<hbm>> -> memref<1x200x128xf32, #tpu.memory_space<hbm>>
    %dma_wait3A_749 = tpu.memref_squeeze %dma_wait3A_748 : memref<1x200x128xf32, #tpu.memory_space<hbm>> -> memref<200x128xf32, #tpu.memory_space<hbm>>
    tpu.wait_dma2 semaphore(%dma_wait3A_742 : memref<!tpu.dma_semaphore, #tpu.memory_space<semaphore_mem>>) src(%dma_wait3A_749 : memref<200x128xf32, #tpu.memory_space<hbm>>) dst(%dma_wait3A_745 : memref<200x128xf32, #tpu.memory_space<vmem>>)
    %dma_wait3A_750 = arith.constant 0 : i32
    %dma_wait3A_751 = arith.constant 203 : i32
    %dma_wait3A_752 = arith.constant 0 : i32
    %dma_wait3A_753 = tpu.memref_slice %arg7[%dma_wait3A_751, %dma_wait3A_752] : memref<308x128xf32, #tpu.memory_space<vmem>> -> memref<104x128xf32, #tpu.memory_space<vmem>>
    %dma_wait3A_754 = arith.constant 0 : i32
    %dma_wait3A_755 = arith.constant 0 : i32
    %dma_wait3A_756 = tpu.memref_slice %arg3[%add3A_732, %dma_wait3A_754, %dma_wait3A_755] : memref<256x200x128xf32, #tpu.memory_space<hbm>> -> memref<1x104x128xf32, #tpu.memory_space<hbm>>
    %dma_wait3A_757 = tpu.memref_squeeze %dma_wait3A_756 : memref<1x104x128xf32, #tpu.memory_space<hbm>> -> memref<104x128xf32, #tpu.memory_space<hbm>>
    %dma_wait3A_758 = tpu.memref_slice %arg10[%dma_wait3A_750] : memref<4x!tpu.dma_semaphore, #tpu.memory_space<semaphore_mem>> -> memref<1x!tpu.dma_semaphore, #tpu.memory_space<semaphore_mem>>
    %dma_wait3A_759 = tpu.memref_squeeze %dma_wait3A_758 : memref<1x!tpu.dma_semaphore, #tpu.memory_space<semaphore_mem>> -> memref<!tpu.dma_semaphore, #tpu.memory_space<semaphore_mem>>
    %dma_wait3A_760 = arith.constant 203 : i32
    %dma_wait3A_761 = arith.constant 0 : i32
    %dma_wait3A_762 = tpu.memref_slice %arg7[%dma_wait3A_760, %dma_wait3A_761] : memref<308x128xf32, #tpu.memory_space<vmem>> -> memref<104x128xf32, #tpu.memory_space<vmem>>
    %dma_wait3A_763 = arith.constant 0 : i32
    %dma_wait3A_764 = arith.constant 0 : i32
    %dma_wait3A_765 = tpu.memref_slice %arg3[%add3A_732, %dma_wait3A_763, %dma_wait3A_764] : memref<256x200x128xf32, #tpu.memory_space<hbm>> -> memref<1x104x128xf32, #tpu.memory_space<hbm>>
    %dma_wait3A_766 = tpu.memref_squeeze %dma_wait3A_765 : memref<1x104x128xf32, #tpu.memory_space<hbm>> -> memref<104x128xf32, #tpu.memory_space<hbm>>
    tpu.wait_dma2 semaphore(%dma_wait3A_759 : memref<!tpu.dma_semaphore, #tpu.memory_space<semaphore_mem>>) src(%dma_wait3A_766 : memref<104x128xf32, #tpu.memory_space<hbm>>) dst(%dma_wait3A_762 : memref<104x128xf32, #tpu.memory_space<vmem>>)
    %add3A_767 = arith.constant 1 : i32
    %add3A_768 = arith.addi %mul3A_2, %add3A_767 : i32
    %dma_start3A_769 = arith.constant 2 : i32
    %dma_start3A_770 = arith.constant 0 : i32
    %dma_start3A_771 = arith.constant 0 : i32
    %dma_start3A_772 = tpu.memref_slice %arg7[%dma_start3A_770, %dma_start3A_771] : memref<308x128xf32, #tpu.memory_space<vmem>> -> memref<304x128xf32, #tpu.memory_space<vmem>>
    %dma_start3A_773 = arith.constant 0 : i32
    %dma_start3A_774 = arith.constant 0 : i32
    %dma_start3A_775 = tpu.memref_slice %arg6[%add3A_768, %dma_start3A_773, %dma_start3A_774] : memref<256x605x128xf32, #tpu.memory_space<hbm>> -> memref<1x304x128xf32, #tpu.memory_space<hbm>>
    %dma_start3A_776 = tpu.memref_squeeze %dma_start3A_775 : memref<1x304x128xf32, #tpu.memory_space<hbm>> -> memref<304x128xf32, #tpu.memory_space<hbm>>
    %dma_start3A_777 = tpu.memref_slice %arg10[%dma_start3A_769] : memref<4x!tpu.dma_semaphore, #tpu.memory_space<semaphore_mem>> -> memref<1x!tpu.dma_semaphore, #tpu.memory_space<semaphore_mem>>
    %dma_start3A_778 = tpu.memref_squeeze %dma_start3A_777 : memref<1x!tpu.dma_semaphore, #tpu.memory_space<semaphore_mem>> -> memref<!tpu.dma_semaphore, #tpu.memory_space<semaphore_mem>>
    %dma_start3A_779 = arith.constant 0 : i32
    %dma_start3A_780 = arith.constant 0 : i32
    %dma_start3A_781 = tpu.memref_slice %arg6[%add3A_768, %dma_start3A_779, %dma_start3A_780] : memref<256x605x128xf32, #tpu.memory_space<hbm>> -> memref<1x304x128xf32, #tpu.memory_space<hbm>>
    %dma_start3A_782 = tpu.memref_squeeze %dma_start3A_781 : memref<1x304x128xf32, #tpu.memory_space<hbm>> -> memref<304x128xf32, #tpu.memory_space<hbm>>
    %dma_start3A_783 = arith.constant 0 : i32
    %dma_start3A_784 = arith.constant 0 : i32
    %dma_start3A_785 = tpu.memref_slice %arg7[%dma_start3A_783, %dma_start3A_784] : memref<308x128xf32, #tpu.memory_space<vmem>> -> memref<304x128xf32, #tpu.memory_space<vmem>>
    tpu.enqueue_dma source(%dma_start3A_785 : memref<304x128xf32, #tpu.memory_space<vmem>>) target(%dma_start3A_782 : memref<304x128xf32, #tpu.memory_space<hbm>>) target_semaphore(%dma_start3A_778 : memref<!tpu.dma_semaphore, #tpu.memory_space<semaphore_mem>>)
    %add3A_786 = arith.constant 1 : i32
    %add3A_787 = arith.addi %mul3A_2, %add3A_786 : i32
    %dma_wait3A_788 = arith.constant 1 : i32
    %dma_wait3A_789 = arith.constant 3 : i32
    %dma_wait3A_790 = arith.constant 0 : i32
    %dma_wait3A_791 = tpu.memref_slice %arg8[%dma_wait3A_789, %dma_wait3A_790] : memref<309x128xf32, #tpu.memory_space<vmem>> -> memref<104x128xf32, #tpu.memory_space<vmem>>
    %dma_wait3A_792 = arith.constant 96 : i32
    %dma_wait3A_793 = arith.constant 0 : i32
    %dma_wait3A_794 = tpu.memref_slice %arg3[%add3A_787, %dma_wait3A_792, %dma_wait3A_793] : memref<256x200x128xf32, #tpu.memory_space<hbm>> -> memref<1x104x128xf32, #tpu.memory_space<hbm>>
    %dma_wait3A_795 = tpu.memref_squeeze %dma_wait3A_794 : memref<1x104x128xf32, #tpu.memory_space<hbm>> -> memref<104x128xf32, #tpu.memory_space<hbm>>
    %dma_wait3A_796 = tpu.memref_slice %arg10[%dma_wait3A_788] : memref<4x!tpu.dma_semaphore, #tpu.memory_space<semaphore_mem>> -> memref<1x!tpu.dma_semaphore, #tpu.memory_space<semaphore_mem>>
    %dma_wait3A_797 = tpu.memref_squeeze %dma_wait3A_796 : memref<1x!tpu.dma_semaphore, #tpu.memory_space<semaphore_mem>> -> memref<!tpu.dma_semaphore, #tpu.memory_space<semaphore_mem>>
    %dma_wait3A_798 = arith.constant 3 : i32
    %dma_wait3A_799 = arith.constant 0 : i32
    %dma_wait3A_800 = tpu.memref_slice %arg8[%dma_wait3A_798, %dma_wait3A_799] : memref<309x128xf32, #tpu.memory_space<vmem>> -> memref<104x128xf32, #tpu.memory_space<vmem>>
    %dma_wait3A_801 = arith.constant 96 : i32
    %dma_wait3A_802 = arith.constant 0 : i32
    %dma_wait3A_803 = tpu.memref_slice %arg3[%add3A_787, %dma_wait3A_801, %dma_wait3A_802] : memref<256x200x128xf32, #tpu.memory_space<hbm>> -> memref<1x104x128xf32, #tpu.memory_space<hbm>>
    %dma_wait3A_804 = tpu.memref_squeeze %dma_wait3A_803 : memref<1x104x128xf32, #tpu.memory_space<hbm>> -> memref<104x128xf32, #tpu.memory_space<hbm>>
    tpu.wait_dma2 semaphore(%dma_wait3A_797 : memref<!tpu.dma_semaphore, #tpu.memory_space<semaphore_mem>>) src(%dma_wait3A_804 : memref<104x128xf32, #tpu.memory_space<hbm>>) dst(%dma_wait3A_800 : memref<104x128xf32, #tpu.memory_space<vmem>>)
    %dma_wait3A_805 = arith.constant 1 : i32
    %dma_wait3A_806 = arith.constant 108 : i32
    %dma_wait3A_807 = arith.constant 0 : i32
    %dma_wait3A_808 = tpu.memref_slice %arg8[%dma_wait3A_806, %dma_wait3A_807] : memref<309x128xf32, #tpu.memory_space<vmem>> -> memref<200x128xf32, #tpu.memory_space<vmem>>
    %dma_wait3A_809 = arith.constant 0 : i32
    %dma_wait3A_810 = arith.constant 0 : i32
    %dma_wait3A_811 = tpu.memref_slice %arg4[%add3A_787, %dma_wait3A_809, %dma_wait3A_810] : memref<256x200x128xf32, #tpu.memory_space<hbm>> -> memref<1x200x128xf32, #tpu.memory_space<hbm>>
    %dma_wait3A_812 = tpu.memref_squeeze %dma_wait3A_811 : memref<1x200x128xf32, #tpu.memory_space<hbm>> -> memref<200x128xf32, #tpu.memory_space<hbm>>
    %dma_wait3A_813 = tpu.memref_slice %arg10[%dma_wait3A_805] : memref<4x!tpu.dma_semaphore, #tpu.memory_space<semaphore_mem>> -> memref<1x!tpu.dma_semaphore, #tpu.memory_space<semaphore_mem>>
    %dma_wait3A_814 = tpu.memref_squeeze %dma_wait3A_813 : memref<1x!tpu.dma_semaphore, #tpu.memory_space<semaphore_mem>> -> memref<!tpu.dma_semaphore, #tpu.memory_space<semaphore_mem>>
    %dma_wait3A_815 = arith.constant 108 : i32
    %dma_wait3A_816 = arith.constant 0 : i32
    %dma_wait3A_817 = tpu.memref_slice %arg8[%dma_wait3A_815, %dma_wait3A_816] : memref<309x128xf32, #tpu.memory_space<vmem>> -> memref<200x128xf32, #tpu.memory_space<vmem>>
    %dma_wait3A_818 = arith.constant 0 : i32
    %dma_wait3A_819 = arith.constant 0 : i32
    %dma_wait3A_820 = tpu.memref_slice %arg4[%add3A_787, %dma_wait3A_818, %dma_wait3A_819] : memref<256x200x128xf32, #tpu.memory_space<hbm>> -> memref<1x200x128xf32, #tpu.memory_space<hbm>>
    %dma_wait3A_821 = tpu.memref_squeeze %dma_wait3A_820 : memref<1x200x128xf32, #tpu.memory_space<hbm>> -> memref<200x128xf32, #tpu.memory_space<hbm>>
    tpu.wait_dma2 semaphore(%dma_wait3A_814 : memref<!tpu.dma_semaphore, #tpu.memory_space<semaphore_mem>>) src(%dma_wait3A_821 : memref<200x128xf32, #tpu.memory_space<hbm>>) dst(%dma_wait3A_817 : memref<200x128xf32, #tpu.memory_space<vmem>>)
    %add3A_822 = arith.constant 1 : i32
    %add3A_823 = arith.addi %mul3A_2, %add3A_822 : i32
    %dma_start3A_824 = arith.constant 3 : i32
    %dma_start3A_825 = arith.constant 8 : i32
    %dma_start3A_826 = arith.constant 0 : i32
    %dma_start3A_827 = tpu.memref_slice %arg8[%dma_start3A_825, %dma_start3A_826] : memref<309x128xf32, #tpu.memory_space<vmem>> -> memref<301x128xf32, #tpu.memory_space<vmem>>
    %dma_start3A_828 = arith.constant 304 : i32
    %dma_start3A_829 = arith.constant 0 : i32
    %dma_start3A_830 = tpu.memref_slice %arg6[%add3A_823, %dma_start3A_828, %dma_start3A_829] : memref<256x605x128xf32, #tpu.memory_space<hbm>> -> memref<1x301x128xf32, #tpu.memory_space<hbm>>
    %dma_start3A_831 = tpu.memref_squeeze %dma_start3A_830 : memref<1x301x128xf32, #tpu.memory_space<hbm>> -> memref<301x128xf32, #tpu.memory_space<hbm>>
    %dma_start3A_832 = tpu.memref_slice %arg10[%dma_start3A_824] : memref<4x!tpu.dma_semaphore, #tpu.memory_space<semaphore_mem>> -> memref<1x!tpu.dma_semaphore, #tpu.memory_space<semaphore_mem>>
    %dma_start3A_833 = tpu.memref_squeeze %dma_start3A_832 : memref<1x!tpu.dma_semaphore, #tpu.memory_space<semaphore_mem>> -> memref<!tpu.dma_semaphore, #tpu.memory_space<semaphore_mem>>
    %dma_start3A_834 = arith.constant 304 : i32
    %dma_start3A_835 = arith.constant 0 : i32
    %dma_start3A_836 = tpu.memref_slice %arg6[%add3A_823, %dma_start3A_834, %dma_start3A_835] : memref<256x605x128xf32, #tpu.memory_space<hbm>> -> memref<1x301x128xf32, #tpu.memory_space<hbm>>
    %dma_start3A_837 = tpu.memref_squeeze %dma_start3A_836 : memref<1x301x128xf32, #tpu.memory_space<hbm>> -> memref<301x128xf32, #tpu.memory_space<hbm>>
    %dma_start3A_838 = arith.constant 8 : i32
    %dma_start3A_839 = arith.constant 0 : i32
    %dma_start3A_840 = tpu.memref_slice %arg8[%dma_start3A_838, %dma_start3A_839] : memref<309x128xf32, #tpu.memory_space<vmem>> -> memref<301x128xf32, #tpu.memory_space<vmem>>
    tpu.enqueue_dma source(%dma_start3A_840 : memref<301x128xf32, #tpu.memory_space<vmem>>) target(%dma_start3A_837 : memref<301x128xf32, #tpu.memory_space<hbm>>) target_semaphore(%dma_start3A_833 : memref<!tpu.dma_semaphore, #tpu.memory_space<semaphore_mem>>)
    %add3A_841 = arith.constant 1 : i32
    %add3A_842 = arith.addi %mul3A_2, %add3A_841 : i32
    %dma_wait3A_843 = arith.constant 2 : i32
    %dma_wait3A_844 = arith.constant 0 : i32
    %dma_wait3A_845 = arith.constant 0 : i32
    %dma_wait3A_846 = tpu.memref_slice %arg7[%dma_wait3A_844, %dma_wait3A_845] : memref<308x128xf32, #tpu.memory_space<vmem>> -> memref<304x128xf32, #tpu.memory_space<vmem>>
    %dma_wait3A_847 = arith.constant 0 : i32
    %dma_wait3A_848 = arith.constant 0 : i32
    %dma_wait3A_849 = tpu.memref_slice %arg6[%add3A_842, %dma_wait3A_847, %dma_wait3A_848] : memref<256x605x128xf32, #tpu.memory_space<hbm>> -> memref<1x304x128xf32, #tpu.memory_space<hbm>>
    %dma_wait3A_850 = tpu.memref_squeeze %dma_wait3A_849 : memref<1x304x128xf32, #tpu.memory_space<hbm>> -> memref<304x128xf32, #tpu.memory_space<hbm>>
    %dma_wait3A_851 = tpu.memref_slice %arg10[%dma_wait3A_843] : memref<4x!tpu.dma_semaphore, #tpu.memory_space<semaphore_mem>> -> memref<1x!tpu.dma_semaphore, #tpu.memory_space<semaphore_mem>>
    %dma_wait3A_852 = tpu.memref_squeeze %dma_wait3A_851 : memref<1x!tpu.dma_semaphore, #tpu.memory_space<semaphore_mem>> -> memref<!tpu.dma_semaphore, #tpu.memory_space<semaphore_mem>>
    %dma_wait3A_853 = arith.constant 0 : i32
    %dma_wait3A_854 = arith.constant 0 : i32
    %dma_wait3A_855 = tpu.memref_slice %arg6[%add3A_842, %dma_wait3A_853, %dma_wait3A_854] : memref<256x605x128xf32, #tpu.memory_space<hbm>> -> memref<1x304x128xf32, #tpu.memory_space<hbm>>
    %dma_wait3A_856 = tpu.memref_squeeze %dma_wait3A_855 : memref<1x304x128xf32, #tpu.memory_space<hbm>> -> memref<304x128xf32, #tpu.memory_space<hbm>>
    %dma_wait3A_857 = arith.constant 0 : i32
    %dma_wait3A_858 = arith.constant 0 : i32
    %dma_wait3A_859 = tpu.memref_slice %arg7[%dma_wait3A_857, %dma_wait3A_858] : memref<308x128xf32, #tpu.memory_space<vmem>> -> memref<304x128xf32, #tpu.memory_space<vmem>>
    tpu.wait_dma2 semaphore(%dma_wait3A_852 : memref<!tpu.dma_semaphore, #tpu.memory_space<semaphore_mem>>) src(%dma_wait3A_859 : memref<304x128xf32, #tpu.memory_space<vmem>>) dst(%dma_wait3A_856 : memref<304x128xf32, #tpu.memory_space<hbm>>)
    %add3A_860 = arith.constant 2 : i32
    %add3A_861 = arith.addi %mul3A_2, %add3A_860 : i32
    %dma_start3A_862 = arith.constant 0 : i32
    %dma_start3A_863 = arith.constant 2 : i32
    %dma_start3A_864 = arith.constant 0 : i32
    %dma_start3A_865 = tpu.memref_slice %arg7[%dma_start3A_863, %dma_start3A_864] : memref<308x128xf32, #tpu.memory_space<vmem>> -> memref<200x128xf32, #tpu.memory_space<vmem>>
    %dma_start3A_866 = arith.constant 0 : i32
    %dma_start3A_867 = arith.constant 0 : i32
    %dma_start3A_868 = tpu.memref_slice %arg2[%add3A_861, %dma_start3A_866, %dma_start3A_867] : memref<256x200x128xf32, #tpu.memory_space<hbm>> -> memref<1x200x128xf32, #tpu.memory_space<hbm>>
    %dma_start3A_869 = tpu.memref_squeeze %dma_start3A_868 : memref<1x200x128xf32, #tpu.memory_space<hbm>> -> memref<200x128xf32, #tpu.memory_space<hbm>>
    %dma_start3A_870 = tpu.memref_slice %arg10[%dma_start3A_862] : memref<4x!tpu.dma_semaphore, #tpu.memory_space<semaphore_mem>> -> memref<1x!tpu.dma_semaphore, #tpu.memory_space<semaphore_mem>>
    %dma_start3A_871 = tpu.memref_squeeze %dma_start3A_870 : memref<1x!tpu.dma_semaphore, #tpu.memory_space<semaphore_mem>> -> memref<!tpu.dma_semaphore, #tpu.memory_space<semaphore_mem>>
    %dma_start3A_872 = arith.constant 2 : i32
    %dma_start3A_873 = arith.constant 0 : i32
    %dma_start3A_874 = tpu.memref_slice %arg7[%dma_start3A_872, %dma_start3A_873] : memref<308x128xf32, #tpu.memory_space<vmem>> -> memref<200x128xf32, #tpu.memory_space<vmem>>
    %dma_start3A_875 = arith.constant 0 : i32
    %dma_start3A_876 = arith.constant 0 : i32
    %dma_start3A_877 = tpu.memref_slice %arg2[%add3A_861, %dma_start3A_875, %dma_start3A_876] : memref<256x200x128xf32, #tpu.memory_space<hbm>> -> memref<1x200x128xf32, #tpu.memory_space<hbm>>
    %dma_start3A_878 = tpu.memref_squeeze %dma_start3A_877 : memref<1x200x128xf32, #tpu.memory_space<hbm>> -> memref<200x128xf32, #tpu.memory_space<hbm>>
    tpu.enqueue_dma source(%dma_start3A_878 : memref<200x128xf32, #tpu.memory_space<hbm>>) target(%dma_start3A_874 : memref<200x128xf32, #tpu.memory_space<vmem>>) target_semaphore(%dma_start3A_871 : memref<!tpu.dma_semaphore, #tpu.memory_space<semaphore_mem>>)
    %dma_start3A_879 = arith.constant 0 : i32
    %dma_start3A_880 = arith.constant 203 : i32
    %dma_start3A_881 = arith.constant 0 : i32
    %dma_start3A_882 = tpu.memref_slice %arg7[%dma_start3A_880, %dma_start3A_881] : memref<308x128xf32, #tpu.memory_space<vmem>> -> memref<104x128xf32, #tpu.memory_space<vmem>>
    %dma_start3A_883 = arith.constant 0 : i32
    %dma_start3A_884 = arith.constant 0 : i32
    %dma_start3A_885 = tpu.memref_slice %arg3[%add3A_861, %dma_start3A_883, %dma_start3A_884] : memref<256x200x128xf32, #tpu.memory_space<hbm>> -> memref<1x104x128xf32, #tpu.memory_space<hbm>>
    %dma_start3A_886 = tpu.memref_squeeze %dma_start3A_885 : memref<1x104x128xf32, #tpu.memory_space<hbm>> -> memref<104x128xf32, #tpu.memory_space<hbm>>
    %dma_start3A_887 = tpu.memref_slice %arg10[%dma_start3A_879] : memref<4x!tpu.dma_semaphore, #tpu.memory_space<semaphore_mem>> -> memref<1x!tpu.dma_semaphore, #tpu.memory_space<semaphore_mem>>
    %dma_start3A_888 = tpu.memref_squeeze %dma_start3A_887 : memref<1x!tpu.dma_semaphore, #tpu.memory_space<semaphore_mem>> -> memref<!tpu.dma_semaphore, #tpu.memory_space<semaphore_mem>>
    %dma_start3A_889 = arith.constant 203 : i32
    %dma_start3A_890 = arith.constant 0 : i32
    %dma_start3A_891 = tpu.memref_slice %arg7[%dma_start3A_889, %dma_start3A_890] : memref<308x128xf32, #tpu.memory_space<vmem>> -> memref<104x128xf32, #tpu.memory_space<vmem>>
    %dma_start3A_892 = arith.constant 0 : i32
    %dma_start3A_893 = arith.constant 0 : i32
    %dma_start3A_894 = tpu.memref_slice %arg3[%add3A_861, %dma_start3A_892, %dma_start3A_893] : memref<256x200x128xf32, #tpu.memory_space<hbm>> -> memref<1x104x128xf32, #tpu.memory_space<hbm>>
    %dma_start3A_895 = tpu.memref_squeeze %dma_start3A_894 : memref<1x104x128xf32, #tpu.memory_space<hbm>> -> memref<104x128xf32, #tpu.memory_space<hbm>>
    tpu.enqueue_dma source(%dma_start3A_895 : memref<104x128xf32, #tpu.memory_space<hbm>>) target(%dma_start3A_891 : memref<104x128xf32, #tpu.memory_space<vmem>>) target_semaphore(%dma_start3A_888 : memref<!tpu.dma_semaphore, #tpu.memory_space<semaphore_mem>>)
    %add3A_896 = arith.constant 1 : i32
    %add3A_897 = arith.addi %mul3A_2, %add3A_896 : i32
    %dma_wait3A_898 = arith.constant 3 : i32
    %dma_wait3A_899 = arith.constant 8 : i32
    %dma_wait3A_900 = arith.constant 0 : i32
    %dma_wait3A_901 = tpu.memref_slice %arg8[%dma_wait3A_899, %dma_wait3A_900] : memref<309x128xf32, #tpu.memory_space<vmem>> -> memref<301x128xf32, #tpu.memory_space<vmem>>
    %dma_wait3A_902 = arith.constant 304 : i32
    %dma_wait3A_903 = arith.constant 0 : i32
    %dma_wait3A_904 = tpu.memref_slice %arg6[%add3A_897, %dma_wait3A_902, %dma_wait3A_903] : memref<256x605x128xf32, #tpu.memory_space<hbm>> -> memref<1x301x128xf32, #tpu.memory_space<hbm>>
    %dma_wait3A_905 = tpu.memref_squeeze %dma_wait3A_904 : memref<1x301x128xf32, #tpu.memory_space<hbm>> -> memref<301x128xf32, #tpu.memory_space<hbm>>
    %dma_wait3A_906 = tpu.memref_slice %arg10[%dma_wait3A_898] : memref<4x!tpu.dma_semaphore, #tpu.memory_space<semaphore_mem>> -> memref<1x!tpu.dma_semaphore, #tpu.memory_space<semaphore_mem>>
    %dma_wait3A_907 = tpu.memref_squeeze %dma_wait3A_906 : memref<1x!tpu.dma_semaphore, #tpu.memory_space<semaphore_mem>> -> memref<!tpu.dma_semaphore, #tpu.memory_space<semaphore_mem>>
    %dma_wait3A_908 = arith.constant 304 : i32
    %dma_wait3A_909 = arith.constant 0 : i32
    %dma_wait3A_910 = tpu.memref_slice %arg6[%add3A_897, %dma_wait3A_908, %dma_wait3A_909] : memref<256x605x128xf32, #tpu.memory_space<hbm>> -> memref<1x301x128xf32, #tpu.memory_space<hbm>>
    %dma_wait3A_911 = tpu.memref_squeeze %dma_wait3A_910 : memref<1x301x128xf32, #tpu.memory_space<hbm>> -> memref<301x128xf32, #tpu.memory_space<hbm>>
    %dma_wait3A_912 = arith.constant 8 : i32
    %dma_wait3A_913 = arith.constant 0 : i32
    %dma_wait3A_914 = tpu.memref_slice %arg8[%dma_wait3A_912, %dma_wait3A_913] : memref<309x128xf32, #tpu.memory_space<vmem>> -> memref<301x128xf32, #tpu.memory_space<vmem>>
    tpu.wait_dma2 semaphore(%dma_wait3A_907 : memref<!tpu.dma_semaphore, #tpu.memory_space<semaphore_mem>>) src(%dma_wait3A_914 : memref<301x128xf32, #tpu.memory_space<vmem>>) dst(%dma_wait3A_911 : memref<301x128xf32, #tpu.memory_space<hbm>>)
    %add3A_915 = arith.constant 2 : i32
    %add3A_916 = arith.addi %mul3A_2, %add3A_915 : i32
    %dma_start3A_917 = arith.constant 1 : i32
    %dma_start3A_918 = arith.constant 3 : i32
    %dma_start3A_919 = arith.constant 0 : i32
    %dma_start3A_920 = tpu.memref_slice %arg8[%dma_start3A_918, %dma_start3A_919] : memref<309x128xf32, #tpu.memory_space<vmem>> -> memref<104x128xf32, #tpu.memory_space<vmem>>
    %dma_start3A_921 = arith.constant 96 : i32
    %dma_start3A_922 = arith.constant 0 : i32
    %dma_start3A_923 = tpu.memref_slice %arg3[%add3A_916, %dma_start3A_921, %dma_start3A_922] : memref<256x200x128xf32, #tpu.memory_space<hbm>> -> memref<1x104x128xf32, #tpu.memory_space<hbm>>
    %dma_start3A_924 = tpu.memref_squeeze %dma_start3A_923 : memref<1x104x128xf32, #tpu.memory_space<hbm>> -> memref<104x128xf32, #tpu.memory_space<hbm>>
    %dma_start3A_925 = tpu.memref_slice %arg10[%dma_start3A_917] : memref<4x!tpu.dma_semaphore, #tpu.memory_space<semaphore_mem>> -> memref<1x!tpu.dma_semaphore, #tpu.memory_space<semaphore_mem>>
    %dma_start3A_926 = tpu.memref_squeeze %dma_start3A_925 : memref<1x!tpu.dma_semaphore, #tpu.memory_space<semaphore_mem>> -> memref<!tpu.dma_semaphore, #tpu.memory_space<semaphore_mem>>
    %dma_start3A_927 = arith.constant 3 : i32
    %dma_start3A_928 = arith.constant 0 : i32
    %dma_start3A_929 = tpu.memref_slice %arg8[%dma_start3A_927, %dma_start3A_928] : memref<309x128xf32, #tpu.memory_space<vmem>> -> memref<104x128xf32, #tpu.memory_space<vmem>>
    %dma_start3A_930 = arith.constant 96 : i32
    %dma_start3A_931 = arith.constant 0 : i32
    %dma_start3A_932 = tpu.memref_slice %arg3[%add3A_916, %dma_start3A_930, %dma_start3A_931] : memref<256x200x128xf32, #tpu.memory_space<hbm>> -> memref<1x104x128xf32, #tpu.memory_space<hbm>>
    %dma_start3A_933 = tpu.memref_squeeze %dma_start3A_932 : memref<1x104x128xf32, #tpu.memory_space<hbm>> -> memref<104x128xf32, #tpu.memory_space<hbm>>
    tpu.enqueue_dma source(%dma_start3A_933 : memref<104x128xf32, #tpu.memory_space<hbm>>) target(%dma_start3A_929 : memref<104x128xf32, #tpu.memory_space<vmem>>) target_semaphore(%dma_start3A_926 : memref<!tpu.dma_semaphore, #tpu.memory_space<semaphore_mem>>)
    %dma_start3A_934 = arith.constant 1 : i32
    %dma_start3A_935 = arith.constant 108 : i32
    %dma_start3A_936 = arith.constant 0 : i32
    %dma_start3A_937 = tpu.memref_slice %arg8[%dma_start3A_935, %dma_start3A_936] : memref<309x128xf32, #tpu.memory_space<vmem>> -> memref<200x128xf32, #tpu.memory_space<vmem>>
    %dma_start3A_938 = arith.constant 0 : i32
    %dma_start3A_939 = arith.constant 0 : i32
    %dma_start3A_940 = tpu.memref_slice %arg4[%add3A_916, %dma_start3A_938, %dma_start3A_939] : memref<256x200x128xf32, #tpu.memory_space<hbm>> -> memref<1x200x128xf32, #tpu.memory_space<hbm>>
    %dma_start3A_941 = tpu.memref_squeeze %dma_start3A_940 : memref<1x200x128xf32, #tpu.memory_space<hbm>> -> memref<200x128xf32, #tpu.memory_space<hbm>>
    %dma_start3A_942 = tpu.memref_slice %arg10[%dma_start3A_934] : memref<4x!tpu.dma_semaphore, #tpu.memory_space<semaphore_mem>> -> memref<1x!tpu.dma_semaphore, #tpu.memory_space<semaphore_mem>>
    %dma_start3A_943 = tpu.memref_squeeze %dma_start3A_942 : memref<1x!tpu.dma_semaphore, #tpu.memory_space<semaphore_mem>> -> memref<!tpu.dma_semaphore, #tpu.memory_space<semaphore_mem>>
    %dma_start3A_944 = arith.constant 108 : i32
    %dma_start3A_945 = arith.constant 0 : i32
    %dma_start3A_946 = tpu.memref_slice %arg8[%dma_start3A_944, %dma_start3A_945] : memref<309x128xf32, #tpu.memory_space<vmem>> -> memref<200x128xf32, #tpu.memory_space<vmem>>
    %dma_start3A_947 = arith.constant 0 : i32
    %dma_start3A_948 = arith.constant 0 : i32
    %dma_start3A_949 = tpu.memref_slice %arg4[%add3A_916, %dma_start3A_947, %dma_start3A_948] : memref<256x200x128xf32, #tpu.memory_space<hbm>> -> memref<1x200x128xf32, #tpu.memory_space<hbm>>
    %dma_start3A_950 = tpu.memref_squeeze %dma_start3A_949 : memref<1x200x128xf32, #tpu.memory_space<hbm>> -> memref<200x128xf32, #tpu.memory_space<hbm>>
    tpu.enqueue_dma source(%dma_start3A_950 : memref<200x128xf32, #tpu.memory_space<hbm>>) target(%dma_start3A_946 : memref<200x128xf32, #tpu.memory_space<vmem>>) target_semaphore(%dma_start3A_943 : memref<!tpu.dma_semaphore, #tpu.memory_space<semaphore_mem>>)
    %add3A_951 = arith.constant 2 : i32
    %add3A_952 = arith.addi %mul3A_2, %add3A_951 : i32
    %dma_wait3A_953 = arith.constant 0 : i32
    %dma_wait3A_954 = arith.constant 2 : i32
    %dma_wait3A_955 = arith.constant 0 : i32
    %dma_wait3A_956 = tpu.memref_slice %arg7[%dma_wait3A_954, %dma_wait3A_955] : memref<308x128xf32, #tpu.memory_space<vmem>> -> memref<200x128xf32, #tpu.memory_space<vmem>>
    %dma_wait3A_957 = arith.constant 0 : i32
    %dma_wait3A_958 = arith.constant 0 : i32
    %dma_wait3A_959 = tpu.memref_slice %arg2[%add3A_952, %dma_wait3A_957, %dma_wait3A_958] : memref<256x200x128xf32, #tpu.memory_space<hbm>> -> memref<1x200x128xf32, #tpu.memory_space<hbm>>
    %dma_wait3A_960 = tpu.memref_squeeze %dma_wait3A_959 : memref<1x200x128xf32, #tpu.memory_space<hbm>> -> memref<200x128xf32, #tpu.memory_space<hbm>>
    %dma_wait3A_961 = tpu.memref_slice %arg10[%dma_wait3A_953] : memref<4x!tpu.dma_semaphore, #tpu.memory_space<semaphore_mem>> -> memref<1x!tpu.dma_semaphore, #tpu.memory_space<semaphore_mem>>
    %dma_wait3A_962 = tpu.memref_squeeze %dma_wait3A_961 : memref<1x!tpu.dma_semaphore, #tpu.memory_space<semaphore_mem>> -> memref<!tpu.dma_semaphore, #tpu.memory_space<semaphore_mem>>
    %dma_wait3A_963 = arith.constant 2 : i32
    %dma_wait3A_964 = arith.constant 0 : i32
    %dma_wait3A_965 = tpu.memref_slice %arg7[%dma_wait3A_963, %dma_wait3A_964] : memref<308x128xf32, #tpu.memory_space<vmem>> -> memref<200x128xf32, #tpu.memory_space<vmem>>
    %dma_wait3A_966 = arith.constant 0 : i32
    %dma_wait3A_967 = arith.constant 0 : i32
    %dma_wait3A_968 = tpu.memref_slice %arg2[%add3A_952, %dma_wait3A_966, %dma_wait3A_967] : memref<256x200x128xf32, #tpu.memory_space<hbm>> -> memref<1x200x128xf32, #tpu.memory_space<hbm>>
    %dma_wait3A_969 = tpu.memref_squeeze %dma_wait3A_968 : memref<1x200x128xf32, #tpu.memory_space<hbm>> -> memref<200x128xf32, #tpu.memory_space<hbm>>
    tpu.wait_dma2 semaphore(%dma_wait3A_962 : memref<!tpu.dma_semaphore, #tpu.memory_space<semaphore_mem>>) src(%dma_wait3A_969 : memref<200x128xf32, #tpu.memory_space<hbm>>) dst(%dma_wait3A_965 : memref<200x128xf32, #tpu.memory_space<vmem>>)
    %dma_wait3A_970 = arith.constant 0 : i32
    %dma_wait3A_971 = arith.constant 203 : i32
    %dma_wait3A_972 = arith.constant 0 : i32
    %dma_wait3A_973 = tpu.memref_slice %arg7[%dma_wait3A_971, %dma_wait3A_972] : memref<308x128xf32, #tpu.memory_space<vmem>> -> memref<104x128xf32, #tpu.memory_space<vmem>>
    %dma_wait3A_974 = arith.constant 0 : i32
    %dma_wait3A_975 = arith.constant 0 : i32
    %dma_wait3A_976 = tpu.memref_slice %arg3[%add3A_952, %dma_wait3A_974, %dma_wait3A_975] : memref<256x200x128xf32, #tpu.memory_space<hbm>> -> memref<1x104x128xf32, #tpu.memory_space<hbm>>
    %dma_wait3A_977 = tpu.memref_squeeze %dma_wait3A_976 : memref<1x104x128xf32, #tpu.memory_space<hbm>> -> memref<104x128xf32, #tpu.memory_space<hbm>>
    %dma_wait3A_978 = tpu.memref_slice %arg10[%dma_wait3A_970] : memref<4x!tpu.dma_semaphore, #tpu.memory_space<semaphore_mem>> -> memref<1x!tpu.dma_semaphore, #tpu.memory_space<semaphore_mem>>
    %dma_wait3A_979 = tpu.memref_squeeze %dma_wait3A_978 : memref<1x!tpu.dma_semaphore, #tpu.memory_space<semaphore_mem>> -> memref<!tpu.dma_semaphore, #tpu.memory_space<semaphore_mem>>
    %dma_wait3A_980 = arith.constant 203 : i32
    %dma_wait3A_981 = arith.constant 0 : i32
    %dma_wait3A_982 = tpu.memref_slice %arg7[%dma_wait3A_980, %dma_wait3A_981] : memref<308x128xf32, #tpu.memory_space<vmem>> -> memref<104x128xf32, #tpu.memory_space<vmem>>
    %dma_wait3A_983 = arith.constant 0 : i32
    %dma_wait3A_984 = arith.constant 0 : i32
    %dma_wait3A_985 = tpu.memref_slice %arg3[%add3A_952, %dma_wait3A_983, %dma_wait3A_984] : memref<256x200x128xf32, #tpu.memory_space<hbm>> -> memref<1x104x128xf32, #tpu.memory_space<hbm>>
    %dma_wait3A_986 = tpu.memref_squeeze %dma_wait3A_985 : memref<1x104x128xf32, #tpu.memory_space<hbm>> -> memref<104x128xf32, #tpu.memory_space<hbm>>
    tpu.wait_dma2 semaphore(%dma_wait3A_979 : memref<!tpu.dma_semaphore, #tpu.memory_space<semaphore_mem>>) src(%dma_wait3A_986 : memref<104x128xf32, #tpu.memory_space<hbm>>) dst(%dma_wait3A_982 : memref<104x128xf32, #tpu.memory_space<vmem>>)
    %add3A_987 = arith.constant 2 : i32
    %add3A_988 = arith.addi %mul3A_2, %add3A_987 : i32
    %dma_start3A_989 = arith.constant 2 : i32
    %dma_start3A_990 = arith.constant 0 : i32
    %dma_start3A_991 = arith.constant 0 : i32
    %dma_start3A_992 = tpu.memref_slice %arg7[%dma_start3A_990, %dma_start3A_991] : memref<308x128xf32, #tpu.memory_space<vmem>> -> memref<304x128xf32, #tpu.memory_space<vmem>>
    %dma_start3A_993 = arith.constant 0 : i32
    %dma_start3A_994 = arith.constant 0 : i32
    %dma_start3A_995 = tpu.memref_slice %arg6[%add3A_988, %dma_start3A_993, %dma_start3A_994] : memref<256x605x128xf32, #tpu.memory_space<hbm>> -> memref<1x304x128xf32, #tpu.memory_space<hbm>>
    %dma_start3A_996 = tpu.memref_squeeze %dma_start3A_995 : memref<1x304x128xf32, #tpu.memory_space<hbm>> -> memref<304x128xf32, #tpu.memory_space<hbm>>
    %dma_start3A_997 = tpu.memref_slice %arg10[%dma_start3A_989] : memref<4x!tpu.dma_semaphore, #tpu.memory_space<semaphore_mem>> -> memref<1x!tpu.dma_semaphore, #tpu.memory_space<semaphore_mem>>
    %dma_start3A_998 = tpu.memref_squeeze %dma_start3A_997 : memref<1x!tpu.dma_semaphore, #tpu.memory_space<semaphore_mem>> -> memref<!tpu.dma_semaphore, #tpu.memory_space<semaphore_mem>>
    %dma_start3A_999 = arith.constant 0 : i32
    %dma_start3A_1000 = arith.constant 0 : i32
    %dma_start3A_1001 = tpu.memref_slice %arg6[%add3A_988, %dma_start3A_999, %dma_start3A_1000] : memref<256x605x128xf32, #tpu.memory_space<hbm>> -> memref<1x304x128xf32, #tpu.memory_space<hbm>>
    %dma_start3A_1002 = tpu.memref_squeeze %dma_start3A_1001 : memref<1x304x128xf32, #tpu.memory_space<hbm>> -> memref<304x128xf32, #tpu.memory_space<hbm>>
    %dma_start3A_1003 = arith.constant 0 : i32
    %dma_start3A_1004 = arith.constant 0 : i32
    %dma_start3A_1005 = tpu.memref_slice %arg7[%dma_start3A_1003, %dma_start3A_1004] : memref<308x128xf32, #tpu.memory_space<vmem>> -> memref<304x128xf32, #tpu.memory_space<vmem>>
    tpu.enqueue_dma source(%dma_start3A_1005 : memref<304x128xf32, #tpu.memory_space<vmem>>) target(%dma_start3A_1002 : memref<304x128xf32, #tpu.memory_space<hbm>>) target_semaphore(%dma_start3A_998 : memref<!tpu.dma_semaphore, #tpu.memory_space<semaphore_mem>>)
    %add3A_1006 = arith.constant 2 : i32
    %add3A_1007 = arith.addi %mul3A_2, %add3A_1006 : i32
    %dma_wait3A_1008 = arith.constant 1 : i32
    %dma_wait3A_1009 = arith.constant 3 : i32
    %dma_wait3A_1010 = arith.constant 0 : i32
    %dma_wait3A_1011 = tpu.memref_slice %arg8[%dma_wait3A_1009, %dma_wait3A_1010] : memref<309x128xf32, #tpu.memory_space<vmem>> -> memref<104x128xf32, #tpu.memory_space<vmem>>
    %dma_wait3A_1012 = arith.constant 96 : i32
    %dma_wait3A_1013 = arith.constant 0 : i32
    %dma_wait3A_1014 = tpu.memref_slice %arg3[%add3A_1007, %dma_wait3A_1012, %dma_wait3A_1013] : memref<256x200x128xf32, #tpu.memory_space<hbm>> -> memref<1x104x128xf32, #tpu.memory_space<hbm>>
    %dma_wait3A_1015 = tpu.memref_squeeze %dma_wait3A_1014 : memref<1x104x128xf32, #tpu.memory_space<hbm>> -> memref<104x128xf32, #tpu.memory_space<hbm>>
    %dma_wait3A_1016 = tpu.memref_slice %arg10[%dma_wait3A_1008] : memref<4x!tpu.dma_semaphore, #tpu.memory_space<semaphore_mem>> -> memref<1x!tpu.dma_semaphore, #tpu.memory_space<semaphore_mem>>
    %dma_wait3A_1017 = tpu.memref_squeeze %dma_wait3A_1016 : memref<1x!tpu.dma_semaphore, #tpu.memory_space<semaphore_mem>> -> memref<!tpu.dma_semaphore, #tpu.memory_space<semaphore_mem>>
    %dma_wait3A_1018 = arith.constant 3 : i32
    %dma_wait3A_1019 = arith.constant 0 : i32
    %dma_wait3A_1020 = tpu.memref_slice %arg8[%dma_wait3A_1018, %dma_wait3A_1019] : memref<309x128xf32, #tpu.memory_space<vmem>> -> memref<104x128xf32, #tpu.memory_space<vmem>>
    %dma_wait3A_1021 = arith.constant 96 : i32
    %dma_wait3A_1022 = arith.constant 0 : i32
    %dma_wait3A_1023 = tpu.memref_slice %arg3[%add3A_1007, %dma_wait3A_1021, %dma_wait3A_1022] : memref<256x200x128xf32, #tpu.memory_space<hbm>> -> memref<1x104x128xf32, #tpu.memory_space<hbm>>
    %dma_wait3A_1024 = tpu.memref_squeeze %dma_wait3A_1023 : memref<1x104x128xf32, #tpu.memory_space<hbm>> -> memref<104x128xf32, #tpu.memory_space<hbm>>
    tpu.wait_dma2 semaphore(%dma_wait3A_1017 : memref<!tpu.dma_semaphore, #tpu.memory_space<semaphore_mem>>) src(%dma_wait3A_1024 : memref<104x128xf32, #tpu.memory_space<hbm>>) dst(%dma_wait3A_1020 : memref<104x128xf32, #tpu.memory_space<vmem>>)
    %dma_wait3A_1025 = arith.constant 1 : i32
    %dma_wait3A_1026 = arith.constant 108 : i32
    %dma_wait3A_1027 = arith.constant 0 : i32
    %dma_wait3A_1028 = tpu.memref_slice %arg8[%dma_wait3A_1026, %dma_wait3A_1027] : memref<309x128xf32, #tpu.memory_space<vmem>> -> memref<200x128xf32, #tpu.memory_space<vmem>>
    %dma_wait3A_1029 = arith.constant 0 : i32
    %dma_wait3A_1030 = arith.constant 0 : i32
    %dma_wait3A_1031 = tpu.memref_slice %arg4[%add3A_1007, %dma_wait3A_1029, %dma_wait3A_1030] : memref<256x200x128xf32, #tpu.memory_space<hbm>> -> memref<1x200x128xf32, #tpu.memory_space<hbm>>
    %dma_wait3A_1032 = tpu.memref_squeeze %dma_wait3A_1031 : memref<1x200x128xf32, #tpu.memory_space<hbm>> -> memref<200x128xf32, #tpu.memory_space<hbm>>
    %dma_wait3A_1033 = tpu.memref_slice %arg10[%dma_wait3A_1025] : memref<4x!tpu.dma_semaphore, #tpu.memory_space<semaphore_mem>> -> memref<1x!tpu.dma_semaphore, #tpu.memory_space<semaphore_mem>>
    %dma_wait3A_1034 = tpu.memref_squeeze %dma_wait3A_1033 : memref<1x!tpu.dma_semaphore, #tpu.memory_space<semaphore_mem>> -> memref<!tpu.dma_semaphore, #tpu.memory_space<semaphore_mem>>
    %dma_wait3A_1035 = arith.constant 108 : i32
    %dma_wait3A_1036 = arith.constant 0 : i32
    %dma_wait3A_1037 = tpu.memref_slice %arg8[%dma_wait3A_1035, %dma_wait3A_1036] : memref<309x128xf32, #tpu.memory_space<vmem>> -> memref<200x128xf32, #tpu.memory_space<vmem>>
    %dma_wait3A_1038 = arith.constant 0 : i32
    %dma_wait3A_1039 = arith.constant 0 : i32
    %dma_wait3A_1040 = tpu.memref_slice %arg4[%add3A_1007, %dma_wait3A_1038, %dma_wait3A_1039] : memref<256x200x128xf32, #tpu.memory_space<hbm>> -> memref<1x200x128xf32, #tpu.memory_space<hbm>>
    %dma_wait3A_1041 = tpu.memref_squeeze %dma_wait3A_1040 : memref<1x200x128xf32, #tpu.memory_space<hbm>> -> memref<200x128xf32, #tpu.memory_space<hbm>>
    tpu.wait_dma2 semaphore(%dma_wait3A_1034 : memref<!tpu.dma_semaphore, #tpu.memory_space<semaphore_mem>>) src(%dma_wait3A_1041 : memref<200x128xf32, #tpu.memory_space<hbm>>) dst(%dma_wait3A_1037 : memref<200x128xf32, #tpu.memory_space<vmem>>)
    %add3A_1042 = arith.constant 2 : i32
    %add3A_1043 = arith.addi %mul3A_2, %add3A_1042 : i32
    %dma_start3A_1044 = arith.constant 3 : i32
    %dma_start3A_1045 = arith.constant 8 : i32
    %dma_start3A_1046 = arith.constant 0 : i32
    %dma_start3A_1047 = tpu.memref_slice %arg8[%dma_start3A_1045, %dma_start3A_1046] : memref<309x128xf32, #tpu.memory_space<vmem>> -> memref<301x128xf32, #tpu.memory_space<vmem>>
    %dma_start3A_1048 = arith.constant 304 : i32
    %dma_start3A_1049 = arith.constant 0 : i32
    %dma_start3A_1050 = tpu.memref_slice %arg6[%add3A_1043, %dma_start3A_1048, %dma_start3A_1049] : memref<256x605x128xf32, #tpu.memory_space<hbm>> -> memref<1x301x128xf32, #tpu.memory_space<hbm>>
    %dma_start3A_1051 = tpu.memref_squeeze %dma_start3A_1050 : memref<1x301x128xf32, #tpu.memory_space<hbm>> -> memref<301x128xf32, #tpu.memory_space<hbm>>
    %dma_start3A_1052 = tpu.memref_slice %arg10[%dma_start3A_1044] : memref<4x!tpu.dma_semaphore, #tpu.memory_space<semaphore_mem>> -> memref<1x!tpu.dma_semaphore, #tpu.memory_space<semaphore_mem>>
    %dma_start3A_1053 = tpu.memref_squeeze %dma_start3A_1052 : memref<1x!tpu.dma_semaphore, #tpu.memory_space<semaphore_mem>> -> memref<!tpu.dma_semaphore, #tpu.memory_space<semaphore_mem>>
    %dma_start3A_1054 = arith.constant 304 : i32
    %dma_start3A_1055 = arith.constant 0 : i32
    %dma_start3A_1056 = tpu.memref_slice %arg6[%add3A_1043, %dma_start3A_1054, %dma_start3A_1055] : memref<256x605x128xf32, #tpu.memory_space<hbm>> -> memref<1x301x128xf32, #tpu.memory_space<hbm>>
    %dma_start3A_1057 = tpu.memref_squeeze %dma_start3A_1056 : memref<1x301x128xf32, #tpu.memory_space<hbm>> -> memref<301x128xf32, #tpu.memory_space<hbm>>
    %dma_start3A_1058 = arith.constant 8 : i32
    %dma_start3A_1059 = arith.constant 0 : i32
    %dma_start3A_1060 = tpu.memref_slice %arg8[%dma_start3A_1058, %dma_start3A_1059] : memref<309x128xf32, #tpu.memory_space<vmem>> -> memref<301x128xf32, #tpu.memory_space<vmem>>
    tpu.enqueue_dma source(%dma_start3A_1060 : memref<301x128xf32, #tpu.memory_space<vmem>>) target(%dma_start3A_1057 : memref<301x128xf32, #tpu.memory_space<hbm>>) target_semaphore(%dma_start3A_1053 : memref<!tpu.dma_semaphore, #tpu.memory_space<semaphore_mem>>)
    %add3A_1061 = arith.constant 2 : i32
    %add3A_1062 = arith.addi %mul3A_2, %add3A_1061 : i32
    %dma_wait3A_1063 = arith.constant 2 : i32
    %dma_wait3A_1064 = arith.constant 0 : i32
    %dma_wait3A_1065 = arith.constant 0 : i32
    %dma_wait3A_1066 = tpu.memref_slice %arg7[%dma_wait3A_1064, %dma_wait3A_1065] : memref<308x128xf32, #tpu.memory_space<vmem>> -> memref<304x128xf32, #tpu.memory_space<vmem>>
    %dma_wait3A_1067 = arith.constant 0 : i32
    %dma_wait3A_1068 = arith.constant 0 : i32
    %dma_wait3A_1069 = tpu.memref_slice %arg6[%add3A_1062, %dma_wait3A_1067, %dma_wait3A_1068] : memref<256x605x128xf32, #tpu.memory_space<hbm>> -> memref<1x304x128xf32, #tpu.memory_space<hbm>>
    %dma_wait3A_1070 = tpu.memref_squeeze %dma_wait3A_1069 : memref<1x304x128xf32, #tpu.memory_space<hbm>> -> memref<304x128xf32, #tpu.memory_space<hbm>>
    %dma_wait3A_1071 = tpu.memref_slice %arg10[%dma_wait3A_1063] : memref<4x!tpu.dma_semaphore, #tpu.memory_space<semaphore_mem>> -> memref<1x!tpu.dma_semaphore, #tpu.memory_space<semaphore_mem>>
    %dma_wait3A_1072 = tpu.memref_squeeze %dma_wait3A_1071 : memref<1x!tpu.dma_semaphore, #tpu.memory_space<semaphore_mem>> -> memref<!tpu.dma_semaphore, #tpu.memory_space<semaphore_mem>>
    %dma_wait3A_1073 = arith.constant 0 : i32
    %dma_wait3A_1074 = arith.constant 0 : i32
    %dma_wait3A_1075 = tpu.memref_slice %arg6[%add3A_1062, %dma_wait3A_1073, %dma_wait3A_1074] : memref<256x605x128xf32, #tpu.memory_space<hbm>> -> memref<1x304x128xf32, #tpu.memory_space<hbm>>
    %dma_wait3A_1076 = tpu.memref_squeeze %dma_wait3A_1075 : memref<1x304x128xf32, #tpu.memory_space<hbm>> -> memref<304x128xf32, #tpu.memory_space<hbm>>
    %dma_wait3A_1077 = arith.constant 0 : i32
    %dma_wait3A_1078 = arith.constant 0 : i32
    %dma_wait3A_1079 = tpu.memref_slice %arg7[%dma_wait3A_1077, %dma_wait3A_1078] : memref<308x128xf32, #tpu.memory_space<vmem>> -> memref<304x128xf32, #tpu.memory_space<vmem>>
    tpu.wait_dma2 semaphore(%dma_wait3A_1072 : memref<!tpu.dma_semaphore, #tpu.memory_space<semaphore_mem>>) src(%dma_wait3A_1079 : memref<304x128xf32, #tpu.memory_space<vmem>>) dst(%dma_wait3A_1076 : memref<304x128xf32, #tpu.memory_space<hbm>>)
    %add3A_1080 = arith.constant 3 : i32
    %add3A_1081 = arith.addi %mul3A_2, %add3A_1080 : i32
    %dma_start3A_1082 = arith.constant 0 : i32
    %dma_start3A_1083 = arith.constant 2 : i32
    %dma_start3A_1084 = arith.constant 0 : i32
    %dma_start3A_1085 = tpu.memref_slice %arg7[%dma_start3A_1083, %dma_start3A_1084] : memref<308x128xf32, #tpu.memory_space<vmem>> -> memref<200x128xf32, #tpu.memory_space<vmem>>
    %dma_start3A_1086 = arith.constant 0 : i32
    %dma_start3A_1087 = arith.constant 0 : i32
    %dma_start3A_1088 = tpu.memref_slice %arg2[%add3A_1081, %dma_start3A_1086, %dma_start3A_1087] : memref<256x200x128xf32, #tpu.memory_space<hbm>> -> memref<1x200x128xf32, #tpu.memory_space<hbm>>
    %dma_start3A_1089 = tpu.memref_squeeze %dma_start3A_1088 : memref<1x200x128xf32, #tpu.memory_space<hbm>> -> memref<200x128xf32, #tpu.memory_space<hbm>>
    %dma_start3A_1090 = tpu.memref_slice %arg10[%dma_start3A_1082] : memref<4x!tpu.dma_semaphore, #tpu.memory_space<semaphore_mem>> -> memref<1x!tpu.dma_semaphore, #tpu.memory_space<semaphore_mem>>
    %dma_start3A_1091 = tpu.memref_squeeze %dma_start3A_1090 : memref<1x!tpu.dma_semaphore, #tpu.memory_space<semaphore_mem>> -> memref<!tpu.dma_semaphore, #tpu.memory_space<semaphore_mem>>
    %dma_start3A_1092 = arith.constant 2 : i32
    %dma_start3A_1093 = arith.constant 0 : i32
    %dma_start3A_1094 = tpu.memref_slice %arg7[%dma_start3A_1092, %dma_start3A_1093] : memref<308x128xf32, #tpu.memory_space<vmem>> -> memref<200x128xf32, #tpu.memory_space<vmem>>
    %dma_start3A_1095 = arith.constant 0 : i32
    %dma_start3A_1096 = arith.constant 0 : i32
    %dma_start3A_1097 = tpu.memref_slice %arg2[%add3A_1081, %dma_start3A_1095, %dma_start3A_1096] : memref<256x200x128xf32, #tpu.memory_space<hbm>> -> memref<1x200x128xf32, #tpu.memory_space<hbm>>
    %dma_start3A_1098 = tpu.memref_squeeze %dma_start3A_1097 : memref<1x200x128xf32, #tpu.memory_space<hbm>> -> memref<200x128xf32, #tpu.memory_space<hbm>>
    tpu.enqueue_dma source(%dma_start3A_1098 : memref<200x128xf32, #tpu.memory_space<hbm>>) target(%dma_start3A_1094 : memref<200x128xf32, #tpu.memory_space<vmem>>) target_semaphore(%dma_start3A_1091 : memref<!tpu.dma_semaphore, #tpu.memory_space<semaphore_mem>>)
    %dma_start3A_1099 = arith.constant 0 : i32
    %dma_start3A_1100 = arith.constant 203 : i32
    %dma_start3A_1101 = arith.constant 0 : i32
    %dma_start3A_1102 = tpu.memref_slice %arg7[%dma_start3A_1100, %dma_start3A_1101] : memref<308x128xf32, #tpu.memory_space<vmem>> -> memref<104x128xf32, #tpu.memory_space<vmem>>
    %dma_start3A_1103 = arith.constant 0 : i32
    %dma_start3A_1104 = arith.constant 0 : i32
    %dma_start3A_1105 = tpu.memref_slice %arg3[%add3A_1081, %dma_start3A_1103, %dma_start3A_1104] : memref<256x200x128xf32, #tpu.memory_space<hbm>> -> memref<1x104x128xf32, #tpu.memory_space<hbm>>
    %dma_start3A_1106 = tpu.memref_squeeze %dma_start3A_1105 : memref<1x104x128xf32, #tpu.memory_space<hbm>> -> memref<104x128xf32, #tpu.memory_space<hbm>>
    %dma_start3A_1107 = tpu.memref_slice %arg10[%dma_start3A_1099] : memref<4x!tpu.dma_semaphore, #tpu.memory_space<semaphore_mem>> -> memref<1x!tpu.dma_semaphore, #tpu.memory_space<semaphore_mem>>
    %dma_start3A_1108 = tpu.memref_squeeze %dma_start3A_1107 : memref<1x!tpu.dma_semaphore, #tpu.memory_space<semaphore_mem>> -> memref<!tpu.dma_semaphore, #tpu.memory_space<semaphore_mem>>
    %dma_start3A_1109 = arith.constant 203 : i32
    %dma_start3A_1110 = arith.constant 0 : i32
    %dma_start3A_1111 = tpu.memref_slice %arg7[%dma_start3A_1109, %dma_start3A_1110] : memref<308x128xf32, #tpu.memory_space<vmem>> -> memref<104x128xf32, #tpu.memory_space<vmem>>
    %dma_start3A_1112 = arith.constant 0 : i32
    %dma_start3A_1113 = arith.constant 0 : i32
    %dma_start3A_1114 = tpu.memref_slice %arg3[%add3A_1081, %dma_start3A_1112, %dma_start3A_1113] : memref<256x200x128xf32, #tpu.memory_space<hbm>> -> memref<1x104x128xf32, #tpu.memory_space<hbm>>
    %dma_start3A_1115 = tpu.memref_squeeze %dma_start3A_1114 : memref<1x104x128xf32, #tpu.memory_space<hbm>> -> memref<104x128xf32, #tpu.memory_space<hbm>>
    tpu.enqueue_dma source(%dma_start3A_1115 : memref<104x128xf32, #tpu.memory_space<hbm>>) target(%dma_start3A_1111 : memref<104x128xf32, #tpu.memory_space<vmem>>) target_semaphore(%dma_start3A_1108 : memref<!tpu.dma_semaphore, #tpu.memory_space<semaphore_mem>>)
    %add3A_1116 = arith.constant 2 : i32
    %add3A_1117 = arith.addi %mul3A_2, %add3A_1116 : i32
    %dma_wait3A_1118 = arith.constant 3 : i32
    %dma_wait3A_1119 = arith.constant 8 : i32
    %dma_wait3A_1120 = arith.constant 0 : i32
    %dma_wait3A_1121 = tpu.memref_slice %arg8[%dma_wait3A_1119, %dma_wait3A_1120] : memref<309x128xf32, #tpu.memory_space<vmem>> -> memref<301x128xf32, #tpu.memory_space<vmem>>
    %dma_wait3A_1122 = arith.constant 304 : i32
    %dma_wait3A_1123 = arith.constant 0 : i32
    %dma_wait3A_1124 = tpu.memref_slice %arg6[%add3A_1117, %dma_wait3A_1122, %dma_wait3A_1123] : memref<256x605x128xf32, #tpu.memory_space<hbm>> -> memref<1x301x128xf32, #tpu.memory_space<hbm>>
    %dma_wait3A_1125 = tpu.memref_squeeze %dma_wait3A_1124 : memref<1x301x128xf32, #tpu.memory_space<hbm>> -> memref<301x128xf32, #tpu.memory_space<hbm>>
    %dma_wait3A_1126 = tpu.memref_slice %arg10[%dma_wait3A_1118] : memref<4x!tpu.dma_semaphore, #tpu.memory_space<semaphore_mem>> -> memref<1x!tpu.dma_semaphore, #tpu.memory_space<semaphore_mem>>
    %dma_wait3A_1127 = tpu.memref_squeeze %dma_wait3A_1126 : memref<1x!tpu.dma_semaphore, #tpu.memory_space<semaphore_mem>> -> memref<!tpu.dma_semaphore, #tpu.memory_space<semaphore_mem>>
    %dma_wait3A_1128 = arith.constant 304 : i32
    %dma_wait3A_1129 = arith.constant 0 : i32
    %dma_wait3A_1130 = tpu.memref_slice %arg6[%add3A_1117, %dma_wait3A_1128, %dma_wait3A_1129] : memref<256x605x128xf32, #tpu.memory_space<hbm>> -> memref<1x301x128xf32, #tpu.memory_space<hbm>>
    %dma_wait3A_1131 = tpu.memref_squeeze %dma_wait3A_1130 : memref<1x301x128xf32, #tpu.memory_space<hbm>> -> memref<301x128xf32, #tpu.memory_space<hbm>>
    %dma_wait3A_1132 = arith.constant 8 : i32
    %dma_wait3A_1133 = arith.constant 0 : i32
    %dma_wait3A_1134 = tpu.memref_slice %arg8[%dma_wait3A_1132, %dma_wait3A_1133] : memref<309x128xf32, #tpu.memory_space<vmem>> -> memref<301x128xf32, #tpu.memory_space<vmem>>
    tpu.wait_dma2 semaphore(%dma_wait3A_1127 : memref<!tpu.dma_semaphore, #tpu.memory_space<semaphore_mem>>) src(%dma_wait3A_1134 : memref<301x128xf32, #tpu.memory_space<vmem>>) dst(%dma_wait3A_1131 : memref<301x128xf32, #tpu.memory_space<hbm>>)
    %add3A_1135 = arith.constant 3 : i32
    %add3A_1136 = arith.addi %mul3A_2, %add3A_1135 : i32
    %dma_start3A_1137 = arith.constant 1 : i32
    %dma_start3A_1138 = arith.constant 3 : i32
    %dma_start3A_1139 = arith.constant 0 : i32
    %dma_start3A_1140 = tpu.memref_slice %arg8[%dma_start3A_1138, %dma_start3A_1139] : memref<309x128xf32, #tpu.memory_space<vmem>> -> memref<104x128xf32, #tpu.memory_space<vmem>>
    %dma_start3A_1141 = arith.constant 96 : i32
    %dma_start3A_1142 = arith.constant 0 : i32
    %dma_start3A_1143 = tpu.memref_slice %arg3[%add3A_1136, %dma_start3A_1141, %dma_start3A_1142] : memref<256x200x128xf32, #tpu.memory_space<hbm>> -> memref<1x104x128xf32, #tpu.memory_space<hbm>>
    %dma_start3A_1144 = tpu.memref_squeeze %dma_start3A_1143 : memref<1x104x128xf32, #tpu.memory_space<hbm>> -> memref<104x128xf32, #tpu.memory_space<hbm>>
    %dma_start3A_1145 = tpu.memref_slice %arg10[%dma_start3A_1137] : memref<4x!tpu.dma_semaphore, #tpu.memory_space<semaphore_mem>> -> memref<1x!tpu.dma_semaphore, #tpu.memory_space<semaphore_mem>>
    %dma_start3A_1146 = tpu.memref_squeeze %dma_start3A_1145 : memref<1x!tpu.dma_semaphore, #tpu.memory_space<semaphore_mem>> -> memref<!tpu.dma_semaphore, #tpu.memory_space<semaphore_mem>>
    %dma_start3A_1147 = arith.constant 3 : i32
    %dma_start3A_1148 = arith.constant 0 : i32
    %dma_start3A_1149 = tpu.memref_slice %arg8[%dma_start3A_1147, %dma_start3A_1148] : memref<309x128xf32, #tpu.memory_space<vmem>> -> memref<104x128xf32, #tpu.memory_space<vmem>>
    %dma_start3A_1150 = arith.constant 96 : i32
    %dma_start3A_1151 = arith.constant 0 : i32
    %dma_start3A_1152 = tpu.memref_slice %arg3[%add3A_1136, %dma_start3A_1150, %dma_start3A_1151] : memref<256x200x128xf32, #tpu.memory_space<hbm>> -> memref<1x104x128xf32, #tpu.memory_space<hbm>>
    %dma_start3A_1153 = tpu.memref_squeeze %dma_start3A_1152 : memref<1x104x128xf32, #tpu.memory_space<hbm>> -> memref<104x128xf32, #tpu.memory_space<hbm>>
    tpu.enqueue_dma source(%dma_start3A_1153 : memref<104x128xf32, #tpu.memory_space<hbm>>) target(%dma_start3A_1149 : memref<104x128xf32, #tpu.memory_space<vmem>>) target_semaphore(%dma_start3A_1146 : memref<!tpu.dma_semaphore, #tpu.memory_space<semaphore_mem>>)
    %dma_start3A_1154 = arith.constant 1 : i32
    %dma_start3A_1155 = arith.constant 108 : i32
    %dma_start3A_1156 = arith.constant 0 : i32
    %dma_start3A_1157 = tpu.memref_slice %arg8[%dma_start3A_1155, %dma_start3A_1156] : memref<309x128xf32, #tpu.memory_space<vmem>> -> memref<200x128xf32, #tpu.memory_space<vmem>>
    %dma_start3A_1158 = arith.constant 0 : i32
    %dma_start3A_1159 = arith.constant 0 : i32
    %dma_start3A_1160 = tpu.memref_slice %arg4[%add3A_1136, %dma_start3A_1158, %dma_start3A_1159] : memref<256x200x128xf32, #tpu.memory_space<hbm>> -> memref<1x200x128xf32, #tpu.memory_space<hbm>>
    %dma_start3A_1161 = tpu.memref_squeeze %dma_start3A_1160 : memref<1x200x128xf32, #tpu.memory_space<hbm>> -> memref<200x128xf32, #tpu.memory_space<hbm>>
    %dma_start3A_1162 = tpu.memref_slice %arg10[%dma_start3A_1154] : memref<4x!tpu.dma_semaphore, #tpu.memory_space<semaphore_mem>> -> memref<1x!tpu.dma_semaphore, #tpu.memory_space<semaphore_mem>>
    %dma_start3A_1163 = tpu.memref_squeeze %dma_start3A_1162 : memref<1x!tpu.dma_semaphore, #tpu.memory_space<semaphore_mem>> -> memref<!tpu.dma_semaphore, #tpu.memory_space<semaphore_mem>>
    %dma_start3A_1164 = arith.constant 108 : i32
    %dma_start3A_1165 = arith.constant 0 : i32
    %dma_start3A_1166 = tpu.memref_slice %arg8[%dma_start3A_1164, %dma_start3A_1165] : memref<309x128xf32, #tpu.memory_space<vmem>> -> memref<200x128xf32, #tpu.memory_space<vmem>>
    %dma_start3A_1167 = arith.constant 0 : i32
    %dma_start3A_1168 = arith.constant 0 : i32
    %dma_start3A_1169 = tpu.memref_slice %arg4[%add3A_1136, %dma_start3A_1167, %dma_start3A_1168] : memref<256x200x128xf32, #tpu.memory_space<hbm>> -> memref<1x200x128xf32, #tpu.memory_space<hbm>>
    %dma_start3A_1170 = tpu.memref_squeeze %dma_start3A_1169 : memref<1x200x128xf32, #tpu.memory_space<hbm>> -> memref<200x128xf32, #tpu.memory_space<hbm>>
    tpu.enqueue_dma source(%dma_start3A_1170 : memref<200x128xf32, #tpu.memory_space<hbm>>) target(%dma_start3A_1166 : memref<200x128xf32, #tpu.memory_space<vmem>>) target_semaphore(%dma_start3A_1163 : memref<!tpu.dma_semaphore, #tpu.memory_space<semaphore_mem>>)
    %add3A_1171 = arith.constant 3 : i32
    %add3A_1172 = arith.addi %mul3A_2, %add3A_1171 : i32
    %dma_wait3A_1173 = arith.constant 0 : i32
    %dma_wait3A_1174 = arith.constant 2 : i32
    %dma_wait3A_1175 = arith.constant 0 : i32
    %dma_wait3A_1176 = tpu.memref_slice %arg7[%dma_wait3A_1174, %dma_wait3A_1175] : memref<308x128xf32, #tpu.memory_space<vmem>> -> memref<200x128xf32, #tpu.memory_space<vmem>>
    %dma_wait3A_1177 = arith.constant 0 : i32
    %dma_wait3A_1178 = arith.constant 0 : i32
    %dma_wait3A_1179 = tpu.memref_slice %arg2[%add3A_1172, %dma_wait3A_1177, %dma_wait3A_1178] : memref<256x200x128xf32, #tpu.memory_space<hbm>> -> memref<1x200x128xf32, #tpu.memory_space<hbm>>
    %dma_wait3A_1180 = tpu.memref_squeeze %dma_wait3A_1179 : memref<1x200x128xf32, #tpu.memory_space<hbm>> -> memref<200x128xf32, #tpu.memory_space<hbm>>
    %dma_wait3A_1181 = tpu.memref_slice %arg10[%dma_wait3A_1173] : memref<4x!tpu.dma_semaphore, #tpu.memory_space<semaphore_mem>> -> memref<1x!tpu.dma_semaphore, #tpu.memory_space<semaphore_mem>>
    %dma_wait3A_1182 = tpu.memref_squeeze %dma_wait3A_1181 : memref<1x!tpu.dma_semaphore, #tpu.memory_space<semaphore_mem>> -> memref<!tpu.dma_semaphore, #tpu.memory_space<semaphore_mem>>
    %dma_wait3A_1183 = arith.constant 2 : i32
    %dma_wait3A_1184 = arith.constant 0 : i32
    %dma_wait3A_1185 = tpu.memref_slice %arg7[%dma_wait3A_1183, %dma_wait3A_1184] : memref<308x128xf32, #tpu.memory_space<vmem>> -> memref<200x128xf32, #tpu.memory_space<vmem>>
    %dma_wait3A_1186 = arith.constant 0 : i32
    %dma_wait3A_1187 = arith.constant 0 : i32
    %dma_wait3A_1188 = tpu.memref_slice %arg2[%add3A_1172, %dma_wait3A_1186, %dma_wait3A_1187] : memref<256x200x128xf32, #tpu.memory_space<hbm>> -> memref<1x200x128xf32, #tpu.memory_space<hbm>>
    %dma_wait3A_1189 = tpu.memref_squeeze %dma_wait3A_1188 : memref<1x200x128xf32, #tpu.memory_space<hbm>> -> memref<200x128xf32, #tpu.memory_space<hbm>>
    tpu.wait_dma2 semaphore(%dma_wait3A_1182 : memref<!tpu.dma_semaphore, #tpu.memory_space<semaphore_mem>>) src(%dma_wait3A_1189 : memref<200x128xf32, #tpu.memory_space<hbm>>) dst(%dma_wait3A_1185 : memref<200x128xf32, #tpu.memory_space<vmem>>)
    %dma_wait3A_1190 = arith.constant 0 : i32
    %dma_wait3A_1191 = arith.constant 203 : i32
    %dma_wait3A_1192 = arith.constant 0 : i32
    %dma_wait3A_1193 = tpu.memref_slice %arg7[%dma_wait3A_1191, %dma_wait3A_1192] : memref<308x128xf32, #tpu.memory_space<vmem>> -> memref<104x128xf32, #tpu.memory_space<vmem>>
    %dma_wait3A_1194 = arith.constant 0 : i32
    %dma_wait3A_1195 = arith.constant 0 : i32
    %dma_wait3A_1196 = tpu.memref_slice %arg3[%add3A_1172, %dma_wait3A_1194, %dma_wait3A_1195] : memref<256x200x128xf32, #tpu.memory_space<hbm>> -> memref<1x104x128xf32, #tpu.memory_space<hbm>>
    %dma_wait3A_1197 = tpu.memref_squeeze %dma_wait3A_1196 : memref<1x104x128xf32, #tpu.memory_space<hbm>> -> memref<104x128xf32, #tpu.memory_space<hbm>>
    %dma_wait3A_1198 = tpu.memref_slice %arg10[%dma_wait3A_1190] : memref<4x!tpu.dma_semaphore, #tpu.memory_space<semaphore_mem>> -> memref<1x!tpu.dma_semaphore, #tpu.memory_space<semaphore_mem>>
    %dma_wait3A_1199 = tpu.memref_squeeze %dma_wait3A_1198 : memref<1x!tpu.dma_semaphore, #tpu.memory_space<semaphore_mem>> -> memref<!tpu.dma_semaphore, #tpu.memory_space<semaphore_mem>>
    %dma_wait3A_1200 = arith.constant 203 : i32
    %dma_wait3A_1201 = arith.constant 0 : i32
    %dma_wait3A_1202 = tpu.memref_slice %arg7[%dma_wait3A_1200, %dma_wait3A_1201] : memref<308x128xf32, #tpu.memory_space<vmem>> -> memref<104x128xf32, #tpu.memory_space<vmem>>
    %dma_wait3A_1203 = arith.constant 0 : i32
    %dma_wait3A_1204 = arith.constant 0 : i32
    %dma_wait3A_1205 = tpu.memref_slice %arg3[%add3A_1172, %dma_wait3A_1203, %dma_wait3A_1204] : memref<256x200x128xf32, #tpu.memory_space<hbm>> -> memref<1x104x128xf32, #tpu.memory_space<hbm>>
    %dma_wait3A_1206 = tpu.memref_squeeze %dma_wait3A_1205 : memref<1x104x128xf32, #tpu.memory_space<hbm>> -> memref<104x128xf32, #tpu.memory_space<hbm>>
    tpu.wait_dma2 semaphore(%dma_wait3A_1199 : memref<!tpu.dma_semaphore, #tpu.memory_space<semaphore_mem>>) src(%dma_wait3A_1206 : memref<104x128xf32, #tpu.memory_space<hbm>>) dst(%dma_wait3A_1202 : memref<104x128xf32, #tpu.memory_space<vmem>>)
    %add3A_1207 = arith.constant 3 : i32
    %add3A_1208 = arith.addi %mul3A_2, %add3A_1207 : i32
    %dma_start3A_1209 = arith.constant 2 : i32
    %dma_start3A_1210 = arith.constant 0 : i32
    %dma_start3A_1211 = arith.constant 0 : i32
    %dma_start3A_1212 = tpu.memref_slice %arg7[%dma_start3A_1210, %dma_start3A_1211] : memref<308x128xf32, #tpu.memory_space<vmem>> -> memref<304x128xf32, #tpu.memory_space<vmem>>
    %dma_start3A_1213 = arith.constant 0 : i32
    %dma_start3A_1214 = arith.constant 0 : i32
    %dma_start3A_1215 = tpu.memref_slice %arg6[%add3A_1208, %dma_start3A_1213, %dma_start3A_1214] : memref<256x605x128xf32, #tpu.memory_space<hbm>> -> memref<1x304x128xf32, #tpu.memory_space<hbm>>
    %dma_start3A_1216 = tpu.memref_squeeze %dma_start3A_1215 : memref<1x304x128xf32, #tpu.memory_space<hbm>> -> memref<304x128xf32, #tpu.memory_space<hbm>>
    %dma_start3A_1217 = tpu.memref_slice %arg10[%dma_start3A_1209] : memref<4x!tpu.dma_semaphore, #tpu.memory_space<semaphore_mem>> -> memref<1x!tpu.dma_semaphore, #tpu.memory_space<semaphore_mem>>
    %dma_start3A_1218 = tpu.memref_squeeze %dma_start3A_1217 : memref<1x!tpu.dma_semaphore, #tpu.memory_space<semaphore_mem>> -> memref<!tpu.dma_semaphore, #tpu.memory_space<semaphore_mem>>
    %dma_start3A_1219 = arith.constant 0 : i32
    %dma_start3A_1220 = arith.constant 0 : i32
    %dma_start3A_1221 = tpu.memref_slice %arg6[%add3A_1208, %dma_start3A_1219, %dma_start3A_1220] : memref<256x605x128xf32, #tpu.memory_space<hbm>> -> memref<1x304x128xf32, #tpu.memory_space<hbm>>
    %dma_start3A_1222 = tpu.memref_squeeze %dma_start3A_1221 : memref<1x304x128xf32, #tpu.memory_space<hbm>> -> memref<304x128xf32, #tpu.memory_space<hbm>>
    %dma_start3A_1223 = arith.constant 0 : i32
    %dma_start3A_1224 = arith.constant 0 : i32
    %dma_start3A_1225 = tpu.memref_slice %arg7[%dma_start3A_1223, %dma_start3A_1224] : memref<308x128xf32, #tpu.memory_space<vmem>> -> memref<304x128xf32, #tpu.memory_space<vmem>>
    tpu.enqueue_dma source(%dma_start3A_1225 : memref<304x128xf32, #tpu.memory_space<vmem>>) target(%dma_start3A_1222 : memref<304x128xf32, #tpu.memory_space<hbm>>) target_semaphore(%dma_start3A_1218 : memref<!tpu.dma_semaphore, #tpu.memory_space<semaphore_mem>>)
    %add3A_1226 = arith.constant 3 : i32
    %add3A_1227 = arith.addi %mul3A_2, %add3A_1226 : i32
    %dma_wait3A_1228 = arith.constant 1 : i32
    %dma_wait3A_1229 = arith.constant 3 : i32
    %dma_wait3A_1230 = arith.constant 0 : i32
    %dma_wait3A_1231 = tpu.memref_slice %arg8[%dma_wait3A_1229, %dma_wait3A_1230] : memref<309x128xf32, #tpu.memory_space<vmem>> -> memref<104x128xf32, #tpu.memory_space<vmem>>
    %dma_wait3A_1232 = arith.constant 96 : i32
    %dma_wait3A_1233 = arith.constant 0 : i32
    %dma_wait3A_1234 = tpu.memref_slice %arg3[%add3A_1227, %dma_wait3A_1232, %dma_wait3A_1233] : memref<256x200x128xf32, #tpu.memory_space<hbm>> -> memref<1x104x128xf32, #tpu.memory_space<hbm>>
    %dma_wait3A_1235 = tpu.memref_squeeze %dma_wait3A_1234 : memref<1x104x128xf32, #tpu.memory_space<hbm>> -> memref<104x128xf32, #tpu.memory_space<hbm>>
    %dma_wait3A_1236 = tpu.memref_slice %arg10[%dma_wait3A_1228] : memref<4x!tpu.dma_semaphore, #tpu.memory_space<semaphore_mem>> -> memref<1x!tpu.dma_semaphore, #tpu.memory_space<semaphore_mem>>
    %dma_wait3A_1237 = tpu.memref_squeeze %dma_wait3A_1236 : memref<1x!tpu.dma_semaphore, #tpu.memory_space<semaphore_mem>> -> memref<!tpu.dma_semaphore, #tpu.memory_space<semaphore_mem>>
    %dma_wait3A_1238 = arith.constant 3 : i32
    %dma_wait3A_1239 = arith.constant 0 : i32
    %dma_wait3A_1240 = tpu.memref_slice %arg8[%dma_wait3A_1238, %dma_wait3A_1239] : memref<309x128xf32, #tpu.memory_space<vmem>> -> memref<104x128xf32, #tpu.memory_space<vmem>>
    %dma_wait3A_1241 = arith.constant 96 : i32
    %dma_wait3A_1242 = arith.constant 0 : i32
    %dma_wait3A_1243 = tpu.memref_slice %arg3[%add3A_1227, %dma_wait3A_1241, %dma_wait3A_1242] : memref<256x200x128xf32, #tpu.memory_space<hbm>> -> memref<1x104x128xf32, #tpu.memory_space<hbm>>
    %dma_wait3A_1244 = tpu.memref_squeeze %dma_wait3A_1243 : memref<1x104x128xf32, #tpu.memory_space<hbm>> -> memref<104x128xf32, #tpu.memory_space<hbm>>
    tpu.wait_dma2 semaphore(%dma_wait3A_1237 : memref<!tpu.dma_semaphore, #tpu.memory_space<semaphore_mem>>) src(%dma_wait3A_1244 : memref<104x128xf32, #tpu.memory_space<hbm>>) dst(%dma_wait3A_1240 : memref<104x128xf32, #tpu.memory_space<vmem>>)
    %dma_wait3A_1245 = arith.constant 1 : i32
    %dma_wait3A_1246 = arith.constant 108 : i32
    %dma_wait3A_1247 = arith.constant 0 : i32
    %dma_wait3A_1248 = tpu.memref_slice %arg8[%dma_wait3A_1246, %dma_wait3A_1247] : memref<309x128xf32, #tpu.memory_space<vmem>> -> memref<200x128xf32, #tpu.memory_space<vmem>>
    %dma_wait3A_1249 = arith.constant 0 : i32
    %dma_wait3A_1250 = arith.constant 0 : i32
    %dma_wait3A_1251 = tpu.memref_slice %arg4[%add3A_1227, %dma_wait3A_1249, %dma_wait3A_1250] : memref<256x200x128xf32, #tpu.memory_space<hbm>> -> memref<1x200x128xf32, #tpu.memory_space<hbm>>
    %dma_wait3A_1252 = tpu.memref_squeeze %dma_wait3A_1251 : memref<1x200x128xf32, #tpu.memory_space<hbm>> -> memref<200x128xf32, #tpu.memory_space<hbm>>
    %dma_wait3A_1253 = tpu.memref_slice %arg10[%dma_wait3A_1245] : memref<4x!tpu.dma_semaphore, #tpu.memory_space<semaphore_mem>> -> memref<1x!tpu.dma_semaphore, #tpu.memory_space<semaphore_mem>>
    %dma_wait3A_1254 = tpu.memref_squeeze %dma_wait3A_1253 : memref<1x!tpu.dma_semaphore, #tpu.memory_space<semaphore_mem>> -> memref<!tpu.dma_semaphore, #tpu.memory_space<semaphore_mem>>
    %dma_wait3A_1255 = arith.constant 108 : i32
    %dma_wait3A_1256 = arith.constant 0 : i32
    %dma_wait3A_1257 = tpu.memref_slice %arg8[%dma_wait3A_1255, %dma_wait3A_1256] : memref<309x128xf32, #tpu.memory_space<vmem>> -> memref<200x128xf32, #tpu.memory_space<vmem>>
    %dma_wait3A_1258 = arith.constant 0 : i32
    %dma_wait3A_1259 = arith.constant 0 : i32
    %dma_wait3A_1260 = tpu.memref_slice %arg4[%add3A_1227, %dma_wait3A_1258, %dma_wait3A_1259] : memref<256x200x128xf32, #tpu.memory_space<hbm>> -> memref<1x200x128xf32, #tpu.memory_space<hbm>>
    %dma_wait3A_1261 = tpu.memref_squeeze %dma_wait3A_1260 : memref<1x200x128xf32, #tpu.memory_space<hbm>> -> memref<200x128xf32, #tpu.memory_space<hbm>>
    tpu.wait_dma2 semaphore(%dma_wait3A_1254 : memref<!tpu.dma_semaphore, #tpu.memory_space<semaphore_mem>>) src(%dma_wait3A_1261 : memref<200x128xf32, #tpu.memory_space<hbm>>) dst(%dma_wait3A_1257 : memref<200x128xf32, #tpu.memory_space<vmem>>)
    %add3A_1262 = arith.constant 3 : i32
    %add3A_1263 = arith.addi %mul3A_2, %add3A_1262 : i32
    %dma_start3A_1264 = arith.constant 3 : i32
    %dma_start3A_1265 = arith.constant 8 : i32
    %dma_start3A_1266 = arith.constant 0 : i32
    %dma_start3A_1267 = tpu.memref_slice %arg8[%dma_start3A_1265, %dma_start3A_1266] : memref<309x128xf32, #tpu.memory_space<vmem>> -> memref<301x128xf32, #tpu.memory_space<vmem>>
    %dma_start3A_1268 = arith.constant 304 : i32
    %dma_start3A_1269 = arith.constant 0 : i32
    %dma_start3A_1270 = tpu.memref_slice %arg6[%add3A_1263, %dma_start3A_1268, %dma_start3A_1269] : memref<256x605x128xf32, #tpu.memory_space<hbm>> -> memref<1x301x128xf32, #tpu.memory_space<hbm>>
    %dma_start3A_1271 = tpu.memref_squeeze %dma_start3A_1270 : memref<1x301x128xf32, #tpu.memory_space<hbm>> -> memref<301x128xf32, #tpu.memory_space<hbm>>
    %dma_start3A_1272 = tpu.memref_slice %arg10[%dma_start3A_1264] : memref<4x!tpu.dma_semaphore, #tpu.memory_space<semaphore_mem>> -> memref<1x!tpu.dma_semaphore, #tpu.memory_space<semaphore_mem>>
    %dma_start3A_1273 = tpu.memref_squeeze %dma_start3A_1272 : memref<1x!tpu.dma_semaphore, #tpu.memory_space<semaphore_mem>> -> memref<!tpu.dma_semaphore, #tpu.memory_space<semaphore_mem>>
    %dma_start3A_1274 = arith.constant 304 : i32
    %dma_start3A_1275 = arith.constant 0 : i32
    %dma_start3A_1276 = tpu.memref_slice %arg6[%add3A_1263, %dma_start3A_1274, %dma_start3A_1275] : memref<256x605x128xf32, #tpu.memory_space<hbm>> -> memref<1x301x128xf32, #tpu.memory_space<hbm>>
    %dma_start3A_1277 = tpu.memref_squeeze %dma_start3A_1276 : memref<1x301x128xf32, #tpu.memory_space<hbm>> -> memref<301x128xf32, #tpu.memory_space<hbm>>
    %dma_start3A_1278 = arith.constant 8 : i32
    %dma_start3A_1279 = arith.constant 0 : i32
    %dma_start3A_1280 = tpu.memref_slice %arg8[%dma_start3A_1278, %dma_start3A_1279] : memref<309x128xf32, #tpu.memory_space<vmem>> -> memref<301x128xf32, #tpu.memory_space<vmem>>
    tpu.enqueue_dma source(%dma_start3A_1280 : memref<301x128xf32, #tpu.memory_space<vmem>>) target(%dma_start3A_1277 : memref<301x128xf32, #tpu.memory_space<hbm>>) target_semaphore(%dma_start3A_1273 : memref<!tpu.dma_semaphore, #tpu.memory_space<semaphore_mem>>)
    %add3A_1281 = arith.constant 3 : i32
    %add3A_1282 = arith.addi %mul3A_2, %add3A_1281 : i32
    %dma_wait3A_1283 = arith.constant 2 : i32
    %dma_wait3A_1284 = arith.constant 0 : i32
    %dma_wait3A_1285 = arith.constant 0 : i32
    %dma_wait3A_1286 = tpu.memref_slice %arg7[%dma_wait3A_1284, %dma_wait3A_1285] : memref<308x128xf32, #tpu.memory_space<vmem>> -> memref<304x128xf32, #tpu.memory_space<vmem>>
    %dma_wait3A_1287 = arith.constant 0 : i32
    %dma_wait3A_1288 = arith.constant 0 : i32
    %dma_wait3A_1289 = tpu.memref_slice %arg6[%add3A_1282, %dma_wait3A_1287, %dma_wait3A_1288] : memref<256x605x128xf32, #tpu.memory_space<hbm>> -> memref<1x304x128xf32, #tpu.memory_space<hbm>>
    %dma_wait3A_1290 = tpu.memref_squeeze %dma_wait3A_1289 : memref<1x304x128xf32, #tpu.memory_space<hbm>> -> memref<304x128xf32, #tpu.memory_space<hbm>>
    %dma_wait3A_1291 = tpu.memref_slice %arg10[%dma_wait3A_1283] : memref<4x!tpu.dma_semaphore, #tpu.memory_space<semaphore_mem>> -> memref<1x!tpu.dma_semaphore, #tpu.memory_space<semaphore_mem>>
    %dma_wait3A_1292 = tpu.memref_squeeze %dma_wait3A_1291 : memref<1x!tpu.dma_semaphore, #tpu.memory_space<semaphore_mem>> -> memref<!tpu.dma_semaphore, #tpu.memory_space<semaphore_mem>>
    %dma_wait3A_1293 = arith.constant 0 : i32
    %dma_wait3A_1294 = arith.constant 0 : i32
    %dma_wait3A_1295 = tpu.memref_slice %arg6[%add3A_1282, %dma_wait3A_1293, %dma_wait3A_1294] : memref<256x605x128xf32, #tpu.memory_space<hbm>> -> memref<1x304x128xf32, #tpu.memory_space<hbm>>
    %dma_wait3A_1296 = tpu.memref_squeeze %dma_wait3A_1295 : memref<1x304x128xf32, #tpu.memory_space<hbm>> -> memref<304x128xf32, #tpu.memory_space<hbm>>
    %dma_wait3A_1297 = arith.constant 0 : i32
    %dma_wait3A_1298 = arith.constant 0 : i32
    %dma_wait3A_1299 = tpu.memref_slice %arg7[%dma_wait3A_1297, %dma_wait3A_1298] : memref<308x128xf32, #tpu.memory_space<vmem>> -> memref<304x128xf32, #tpu.memory_space<vmem>>
    tpu.wait_dma2 semaphore(%dma_wait3A_1292 : memref<!tpu.dma_semaphore, #tpu.memory_space<semaphore_mem>>) src(%dma_wait3A_1299 : memref<304x128xf32, #tpu.memory_space<vmem>>) dst(%dma_wait3A_1296 : memref<304x128xf32, #tpu.memory_space<hbm>>)
    %add3A_1300 = arith.constant 4 : i32
    %add3A_1301 = arith.addi %mul3A_2, %add3A_1300 : i32
    %dma_start3A_1302 = arith.constant 0 : i32
    %dma_start3A_1303 = arith.constant 2 : i32
    %dma_start3A_1304 = arith.constant 0 : i32
    %dma_start3A_1305 = tpu.memref_slice %arg7[%dma_start3A_1303, %dma_start3A_1304] : memref<308x128xf32, #tpu.memory_space<vmem>> -> memref<200x128xf32, #tpu.memory_space<vmem>>
    %dma_start3A_1306 = arith.constant 0 : i32
    %dma_start3A_1307 = arith.constant 0 : i32
    %dma_start3A_1308 = tpu.memref_slice %arg2[%add3A_1301, %dma_start3A_1306, %dma_start3A_1307] : memref<256x200x128xf32, #tpu.memory_space<hbm>> -> memref<1x200x128xf32, #tpu.memory_space<hbm>>
    %dma_start3A_1309 = tpu.memref_squeeze %dma_start3A_1308 : memref<1x200x128xf32, #tpu.memory_space<hbm>> -> memref<200x128xf32, #tpu.memory_space<hbm>>
    %dma_start3A_1310 = tpu.memref_slice %arg10[%dma_start3A_1302] : memref<4x!tpu.dma_semaphore, #tpu.memory_space<semaphore_mem>> -> memref<1x!tpu.dma_semaphore, #tpu.memory_space<semaphore_mem>>
    %dma_start3A_1311 = tpu.memref_squeeze %dma_start3A_1310 : memref<1x!tpu.dma_semaphore, #tpu.memory_space<semaphore_mem>> -> memref<!tpu.dma_semaphore, #tpu.memory_space<semaphore_mem>>
    %dma_start3A_1312 = arith.constant 2 : i32
    %dma_start3A_1313 = arith.constant 0 : i32
    %dma_start3A_1314 = tpu.memref_slice %arg7[%dma_start3A_1312, %dma_start3A_1313] : memref<308x128xf32, #tpu.memory_space<vmem>> -> memref<200x128xf32, #tpu.memory_space<vmem>>
    %dma_start3A_1315 = arith.constant 0 : i32
    %dma_start3A_1316 = arith.constant 0 : i32
    %dma_start3A_1317 = tpu.memref_slice %arg2[%add3A_1301, %dma_start3A_1315, %dma_start3A_1316] : memref<256x200x128xf32, #tpu.memory_space<hbm>> -> memref<1x200x128xf32, #tpu.memory_space<hbm>>
    %dma_start3A_1318 = tpu.memref_squeeze %dma_start3A_1317 : memref<1x200x128xf32, #tpu.memory_space<hbm>> -> memref<200x128xf32, #tpu.memory_space<hbm>>
    tpu.enqueue_dma source(%dma_start3A_1318 : memref<200x128xf32, #tpu.memory_space<hbm>>) target(%dma_start3A_1314 : memref<200x128xf32, #tpu.memory_space<vmem>>) target_semaphore(%dma_start3A_1311 : memref<!tpu.dma_semaphore, #tpu.memory_space<semaphore_mem>>)
    %dma_start3A_1319 = arith.constant 0 : i32
    %dma_start3A_1320 = arith.constant 203 : i32
    %dma_start3A_1321 = arith.constant 0 : i32
    %dma_start3A_1322 = tpu.memref_slice %arg7[%dma_start3A_1320, %dma_start3A_1321] : memref<308x128xf32, #tpu.memory_space<vmem>> -> memref<104x128xf32, #tpu.memory_space<vmem>>
    %dma_start3A_1323 = arith.constant 0 : i32
    %dma_start3A_1324 = arith.constant 0 : i32
    %dma_start3A_1325 = tpu.memref_slice %arg3[%add3A_1301, %dma_start3A_1323, %dma_start3A_1324] : memref<256x200x128xf32, #tpu.memory_space<hbm>> -> memref<1x104x128xf32, #tpu.memory_space<hbm>>
    %dma_start3A_1326 = tpu.memref_squeeze %dma_start3A_1325 : memref<1x104x128xf32, #tpu.memory_space<hbm>> -> memref<104x128xf32, #tpu.memory_space<hbm>>
    %dma_start3A_1327 = tpu.memref_slice %arg10[%dma_start3A_1319] : memref<4x!tpu.dma_semaphore, #tpu.memory_space<semaphore_mem>> -> memref<1x!tpu.dma_semaphore, #tpu.memory_space<semaphore_mem>>
    %dma_start3A_1328 = tpu.memref_squeeze %dma_start3A_1327 : memref<1x!tpu.dma_semaphore, #tpu.memory_space<semaphore_mem>> -> memref<!tpu.dma_semaphore, #tpu.memory_space<semaphore_mem>>
    %dma_start3A_1329 = arith.constant 203 : i32
    %dma_start3A_1330 = arith.constant 0 : i32
    %dma_start3A_1331 = tpu.memref_slice %arg7[%dma_start3A_1329, %dma_start3A_1330] : memref<308x128xf32, #tpu.memory_space<vmem>> -> memref<104x128xf32, #tpu.memory_space<vmem>>
    %dma_start3A_1332 = arith.constant 0 : i32
    %dma_start3A_1333 = arith.constant 0 : i32
    %dma_start3A_1334 = tpu.memref_slice %arg3[%add3A_1301, %dma_start3A_1332, %dma_start3A_1333] : memref<256x200x128xf32, #tpu.memory_space<hbm>> -> memref<1x104x128xf32, #tpu.memory_space<hbm>>
    %dma_start3A_1335 = tpu.memref_squeeze %dma_start3A_1334 : memref<1x104x128xf32, #tpu.memory_space<hbm>> -> memref<104x128xf32, #tpu.memory_space<hbm>>
    tpu.enqueue_dma source(%dma_start3A_1335 : memref<104x128xf32, #tpu.memory_space<hbm>>) target(%dma_start3A_1331 : memref<104x128xf32, #tpu.memory_space<vmem>>) target_semaphore(%dma_start3A_1328 : memref<!tpu.dma_semaphore, #tpu.memory_space<semaphore_mem>>)
    %add3A_1336 = arith.constant 3 : i32
    %add3A_1337 = arith.addi %mul3A_2, %add3A_1336 : i32
    %dma_wait3A_1338 = arith.constant 3 : i32
    %dma_wait3A_1339 = arith.constant 8 : i32
    %dma_wait3A_1340 = arith.constant 0 : i32
    %dma_wait3A_1341 = tpu.memref_slice %arg8[%dma_wait3A_1339, %dma_wait3A_1340] : memref<309x128xf32, #tpu.memory_space<vmem>> -> memref<301x128xf32, #tpu.memory_space<vmem>>
    %dma_wait3A_1342 = arith.constant 304 : i32
    %dma_wait3A_1343 = arith.constant 0 : i32
    %dma_wait3A_1344 = tpu.memref_slice %arg6[%add3A_1337, %dma_wait3A_1342, %dma_wait3A_1343] : memref<256x605x128xf32, #tpu.memory_space<hbm>> -> memref<1x301x128xf32, #tpu.memory_space<hbm>>
    %dma_wait3A_1345 = tpu.memref_squeeze %dma_wait3A_1344 : memref<1x301x128xf32, #tpu.memory_space<hbm>> -> memref<301x128xf32, #tpu.memory_space<hbm>>
    %dma_wait3A_1346 = tpu.memref_slice %arg10[%dma_wait3A_1338] : memref<4x!tpu.dma_semaphore, #tpu.memory_space<semaphore_mem>> -> memref<1x!tpu.dma_semaphore, #tpu.memory_space<semaphore_mem>>
    %dma_wait3A_1347 = tpu.memref_squeeze %dma_wait3A_1346 : memref<1x!tpu.dma_semaphore, #tpu.memory_space<semaphore_mem>> -> memref<!tpu.dma_semaphore, #tpu.memory_space<semaphore_mem>>
    %dma_wait3A_1348 = arith.constant 304 : i32
    %dma_wait3A_1349 = arith.constant 0 : i32
    %dma_wait3A_1350 = tpu.memref_slice %arg6[%add3A_1337, %dma_wait3A_1348, %dma_wait3A_1349] : memref<256x605x128xf32, #tpu.memory_space<hbm>> -> memref<1x301x128xf32, #tpu.memory_space<hbm>>
    %dma_wait3A_1351 = tpu.memref_squeeze %dma_wait3A_1350 : memref<1x301x128xf32, #tpu.memory_space<hbm>> -> memref<301x128xf32, #tpu.memory_space<hbm>>
    %dma_wait3A_1352 = arith.constant 8 : i32
    %dma_wait3A_1353 = arith.constant 0 : i32
    %dma_wait3A_1354 = tpu.memref_slice %arg8[%dma_wait3A_1352, %dma_wait3A_1353] : memref<309x128xf32, #tpu.memory_space<vmem>> -> memref<301x128xf32, #tpu.memory_space<vmem>>
    tpu.wait_dma2 semaphore(%dma_wait3A_1347 : memref<!tpu.dma_semaphore, #tpu.memory_space<semaphore_mem>>) src(%dma_wait3A_1354 : memref<301x128xf32, #tpu.memory_space<vmem>>) dst(%dma_wait3A_1351 : memref<301x128xf32, #tpu.memory_space<hbm>>)
    %add3A_1355 = arith.constant 4 : i32
    %add3A_1356 = arith.addi %mul3A_2, %add3A_1355 : i32
    %dma_start3A_1357 = arith.constant 1 : i32
    %dma_start3A_1358 = arith.constant 3 : i32
    %dma_start3A_1359 = arith.constant 0 : i32
    %dma_start3A_1360 = tpu.memref_slice %arg8[%dma_start3A_1358, %dma_start3A_1359] : memref<309x128xf32, #tpu.memory_space<vmem>> -> memref<104x128xf32, #tpu.memory_space<vmem>>
    %dma_start3A_1361 = arith.constant 96 : i32
    %dma_start3A_1362 = arith.constant 0 : i32
    %dma_start3A_1363 = tpu.memref_slice %arg3[%add3A_1356, %dma_start3A_1361, %dma_start3A_1362] : memref<256x200x128xf32, #tpu.memory_space<hbm>> -> memref<1x104x128xf32, #tpu.memory_space<hbm>>
    %dma_start3A_1364 = tpu.memref_squeeze %dma_start3A_1363 : memref<1x104x128xf32, #tpu.memory_space<hbm>> -> memref<104x128xf32, #tpu.memory_space<hbm>>
    %dma_start3A_1365 = tpu.memref_slice %arg10[%dma_start3A_1357] : memref<4x!tpu.dma_semaphore, #tpu.memory_space<semaphore_mem>> -> memref<1x!tpu.dma_semaphore, #tpu.memory_space<semaphore_mem>>
    %dma_start3A_1366 = tpu.memref_squeeze %dma_start3A_1365 : memref<1x!tpu.dma_semaphore, #tpu.memory_space<semaphore_mem>> -> memref<!tpu.dma_semaphore, #tpu.memory_space<semaphore_mem>>
    %dma_start3A_1367 = arith.constant 3 : i32
    %dma_start3A_1368 = arith.constant 0 : i32
    %dma_start3A_1369 = tpu.memref_slice %arg8[%dma_start3A_1367, %dma_start3A_1368] : memref<309x128xf32, #tpu.memory_space<vmem>> -> memref<104x128xf32, #tpu.memory_space<vmem>>
    %dma_start3A_1370 = arith.constant 96 : i32
    %dma_start3A_1371 = arith.constant 0 : i32
    %dma_start3A_1372 = tpu.memref_slice %arg3[%add3A_1356, %dma_start3A_1370, %dma_start3A_1371] : memref<256x200x128xf32, #tpu.memory_space<hbm>> -> memref<1x104x128xf32, #tpu.memory_space<hbm>>
    %dma_start3A_1373 = tpu.memref_squeeze %dma_start3A_1372 : memref<1x104x128xf32, #tpu.memory_space<hbm>> -> memref<104x128xf32, #tpu.memory_space<hbm>>
    tpu.enqueue_dma source(%dma_start3A_1373 : memref<104x128xf32, #tpu.memory_space<hbm>>) target(%dma_start3A_1369 : memref<104x128xf32, #tpu.memory_space<vmem>>) target_semaphore(%dma_start3A_1366 : memref<!tpu.dma_semaphore, #tpu.memory_space<semaphore_mem>>)
    %dma_start3A_1374 = arith.constant 1 : i32
    %dma_start3A_1375 = arith.constant 108 : i32
    %dma_start3A_1376 = arith.constant 0 : i32
    %dma_start3A_1377 = tpu.memref_slice %arg8[%dma_start3A_1375, %dma_start3A_1376] : memref<309x128xf32, #tpu.memory_space<vmem>> -> memref<200x128xf32, #tpu.memory_space<vmem>>
    %dma_start3A_1378 = arith.constant 0 : i32
    %dma_start3A_1379 = arith.constant 0 : i32
    %dma_start3A_1380 = tpu.memref_slice %arg4[%add3A_1356, %dma_start3A_1378, %dma_start3A_1379] : memref<256x200x128xf32, #tpu.memory_space<hbm>> -> memref<1x200x128xf32, #tpu.memory_space<hbm>>
    %dma_start3A_1381 = tpu.memref_squeeze %dma_start3A_1380 : memref<1x200x128xf32, #tpu.memory_space<hbm>> -> memref<200x128xf32, #tpu.memory_space<hbm>>
    %dma_start3A_1382 = tpu.memref_slice %arg10[%dma_start3A_1374] : memref<4x!tpu.dma_semaphore, #tpu.memory_space<semaphore_mem>> -> memref<1x!tpu.dma_semaphore, #tpu.memory_space<semaphore_mem>>
    %dma_start3A_1383 = tpu.memref_squeeze %dma_start3A_1382 : memref<1x!tpu.dma_semaphore, #tpu.memory_space<semaphore_mem>> -> memref<!tpu.dma_semaphore, #tpu.memory_space<semaphore_mem>>
    %dma_start3A_1384 = arith.constant 108 : i32
    %dma_start3A_1385 = arith.constant 0 : i32
    %dma_start3A_1386 = tpu.memref_slice %arg8[%dma_start3A_1384, %dma_start3A_1385] : memref<309x128xf32, #tpu.memory_space<vmem>> -> memref<200x128xf32, #tpu.memory_space<vmem>>
    %dma_start3A_1387 = arith.constant 0 : i32
    %dma_start3A_1388 = arith.constant 0 : i32
    %dma_start3A_1389 = tpu.memref_slice %arg4[%add3A_1356, %dma_start3A_1387, %dma_start3A_1388] : memref<256x200x128xf32, #tpu.memory_space<hbm>> -> memref<1x200x128xf32, #tpu.memory_space<hbm>>
    %dma_start3A_1390 = tpu.memref_squeeze %dma_start3A_1389 : memref<1x200x128xf32, #tpu.memory_space<hbm>> -> memref<200x128xf32, #tpu.memory_space<hbm>>
    tpu.enqueue_dma source(%dma_start3A_1390 : memref<200x128xf32, #tpu.memory_space<hbm>>) target(%dma_start3A_1386 : memref<200x128xf32, #tpu.memory_space<vmem>>) target_semaphore(%dma_start3A_1383 : memref<!tpu.dma_semaphore, #tpu.memory_space<semaphore_mem>>)
    %add3A_1391 = arith.constant 4 : i32
    %add3A_1392 = arith.addi %mul3A_2, %add3A_1391 : i32
    %dma_wait3A_1393 = arith.constant 0 : i32
    %dma_wait3A_1394 = arith.constant 2 : i32
    %dma_wait3A_1395 = arith.constant 0 : i32
    %dma_wait3A_1396 = tpu.memref_slice %arg7[%dma_wait3A_1394, %dma_wait3A_1395] : memref<308x128xf32, #tpu.memory_space<vmem>> -> memref<200x128xf32, #tpu.memory_space<vmem>>
    %dma_wait3A_1397 = arith.constant 0 : i32
    %dma_wait3A_1398 = arith.constant 0 : i32
    %dma_wait3A_1399 = tpu.memref_slice %arg2[%add3A_1392, %dma_wait3A_1397, %dma_wait3A_1398] : memref<256x200x128xf32, #tpu.memory_space<hbm>> -> memref<1x200x128xf32, #tpu.memory_space<hbm>>
    %dma_wait3A_1400 = tpu.memref_squeeze %dma_wait3A_1399 : memref<1x200x128xf32, #tpu.memory_space<hbm>> -> memref<200x128xf32, #tpu.memory_space<hbm>>
    %dma_wait3A_1401 = tpu.memref_slice %arg10[%dma_wait3A_1393] : memref<4x!tpu.dma_semaphore, #tpu.memory_space<semaphore_mem>> -> memref<1x!tpu.dma_semaphore, #tpu.memory_space<semaphore_mem>>
    %dma_wait3A_1402 = tpu.memref_squeeze %dma_wait3A_1401 : memref<1x!tpu.dma_semaphore, #tpu.memory_space<semaphore_mem>> -> memref<!tpu.dma_semaphore, #tpu.memory_space<semaphore_mem>>
    %dma_wait3A_1403 = arith.constant 2 : i32
    %dma_wait3A_1404 = arith.constant 0 : i32
    %dma_wait3A_1405 = tpu.memref_slice %arg7[%dma_wait3A_1403, %dma_wait3A_1404] : memref<308x128xf32, #tpu.memory_space<vmem>> -> memref<200x128xf32, #tpu.memory_space<vmem>>
    %dma_wait3A_1406 = arith.constant 0 : i32
    %dma_wait3A_1407 = arith.constant 0 : i32
    %dma_wait3A_1408 = tpu.memref_slice %arg2[%add3A_1392, %dma_wait3A_1406, %dma_wait3A_1407] : memref<256x200x128xf32, #tpu.memory_space<hbm>> -> memref<1x200x128xf32, #tpu.memory_space<hbm>>
    %dma_wait3A_1409 = tpu.memref_squeeze %dma_wait3A_1408 : memref<1x200x128xf32, #tpu.memory_space<hbm>> -> memref<200x128xf32, #tpu.memory_space<hbm>>
    tpu.wait_dma2 semaphore(%dma_wait3A_1402 : memref<!tpu.dma_semaphore, #tpu.memory_space<semaphore_mem>>) src(%dma_wait3A_1409 : memref<200x128xf32, #tpu.memory_space<hbm>>) dst(%dma_wait3A_1405 : memref<200x128xf32, #tpu.memory_space<vmem>>)
    %dma_wait3A_1410 = arith.constant 0 : i32
    %dma_wait3A_1411 = arith.constant 203 : i32
    %dma_wait3A_1412 = arith.constant 0 : i32
    %dma_wait3A_1413 = tpu.memref_slice %arg7[%dma_wait3A_1411, %dma_wait3A_1412] : memref<308x128xf32, #tpu.memory_space<vmem>> -> memref<104x128xf32, #tpu.memory_space<vmem>>
    %dma_wait3A_1414 = arith.constant 0 : i32
    %dma_wait3A_1415 = arith.constant 0 : i32
    %dma_wait3A_1416 = tpu.memref_slice %arg3[%add3A_1392, %dma_wait3A_1414, %dma_wait3A_1415] : memref<256x200x128xf32, #tpu.memory_space<hbm>> -> memref<1x104x128xf32, #tpu.memory_space<hbm>>
    %dma_wait3A_1417 = tpu.memref_squeeze %dma_wait3A_1416 : memref<1x104x128xf32, #tpu.memory_space<hbm>> -> memref<104x128xf32, #tpu.memory_space<hbm>>
    %dma_wait3A_1418 = tpu.memref_slice %arg10[%dma_wait3A_1410] : memref<4x!tpu.dma_semaphore, #tpu.memory_space<semaphore_mem>> -> memref<1x!tpu.dma_semaphore, #tpu.memory_space<semaphore_mem>>
    %dma_wait3A_1419 = tpu.memref_squeeze %dma_wait3A_1418 : memref<1x!tpu.dma_semaphore, #tpu.memory_space<semaphore_mem>> -> memref<!tpu.dma_semaphore, #tpu.memory_space<semaphore_mem>>
    %dma_wait3A_1420 = arith.constant 203 : i32
    %dma_wait3A_1421 = arith.constant 0 : i32
    %dma_wait3A_1422 = tpu.memref_slice %arg7[%dma_wait3A_1420, %dma_wait3A_1421] : memref<308x128xf32, #tpu.memory_space<vmem>> -> memref<104x128xf32, #tpu.memory_space<vmem>>
    %dma_wait3A_1423 = arith.constant 0 : i32
    %dma_wait3A_1424 = arith.constant 0 : i32
    %dma_wait3A_1425 = tpu.memref_slice %arg3[%add3A_1392, %dma_wait3A_1423, %dma_wait3A_1424] : memref<256x200x128xf32, #tpu.memory_space<hbm>> -> memref<1x104x128xf32, #tpu.memory_space<hbm>>
    %dma_wait3A_1426 = tpu.memref_squeeze %dma_wait3A_1425 : memref<1x104x128xf32, #tpu.memory_space<hbm>> -> memref<104x128xf32, #tpu.memory_space<hbm>>
    tpu.wait_dma2 semaphore(%dma_wait3A_1419 : memref<!tpu.dma_semaphore, #tpu.memory_space<semaphore_mem>>) src(%dma_wait3A_1426 : memref<104x128xf32, #tpu.memory_space<hbm>>) dst(%dma_wait3A_1422 : memref<104x128xf32, #tpu.memory_space<vmem>>)
    %add3A_1427 = arith.constant 4 : i32
    %add3A_1428 = arith.addi %mul3A_2, %add3A_1427 : i32
    %dma_start3A_1429 = arith.constant 2 : i32
    %dma_start3A_1430 = arith.constant 0 : i32
    %dma_start3A_1431 = arith.constant 0 : i32
    %dma_start3A_1432 = tpu.memref_slice %arg7[%dma_start3A_1430, %dma_start3A_1431] : memref<308x128xf32, #tpu.memory_space<vmem>> -> memref<304x128xf32, #tpu.memory_space<vmem>>
    %dma_start3A_1433 = arith.constant 0 : i32
    %dma_start3A_1434 = arith.constant 0 : i32
    %dma_start3A_1435 = tpu.memref_slice %arg6[%add3A_1428, %dma_start3A_1433, %dma_start3A_1434] : memref<256x605x128xf32, #tpu.memory_space<hbm>> -> memref<1x304x128xf32, #tpu.memory_space<hbm>>
    %dma_start3A_1436 = tpu.memref_squeeze %dma_start3A_1435 : memref<1x304x128xf32, #tpu.memory_space<hbm>> -> memref<304x128xf32, #tpu.memory_space<hbm>>
    %dma_start3A_1437 = tpu.memref_slice %arg10[%dma_start3A_1429] : memref<4x!tpu.dma_semaphore, #tpu.memory_space<semaphore_mem>> -> memref<1x!tpu.dma_semaphore, #tpu.memory_space<semaphore_mem>>
    %dma_start3A_1438 = tpu.memref_squeeze %dma_start3A_1437 : memref<1x!tpu.dma_semaphore, #tpu.memory_space<semaphore_mem>> -> memref<!tpu.dma_semaphore, #tpu.memory_space<semaphore_mem>>
    %dma_start3A_1439 = arith.constant 0 : i32
    %dma_start3A_1440 = arith.constant 0 : i32
    %dma_start3A_1441 = tpu.memref_slice %arg6[%add3A_1428, %dma_start3A_1439, %dma_start3A_1440] : memref<256x605x128xf32, #tpu.memory_space<hbm>> -> memref<1x304x128xf32, #tpu.memory_space<hbm>>
    %dma_start3A_1442 = tpu.memref_squeeze %dma_start3A_1441 : memref<1x304x128xf32, #tpu.memory_space<hbm>> -> memref<304x128xf32, #tpu.memory_space<hbm>>
    %dma_start3A_1443 = arith.constant 0 : i32
    %dma_start3A_1444 = arith.constant 0 : i32
    %dma_start3A_1445 = tpu.memref_slice %arg7[%dma_start3A_1443, %dma_start3A_1444] : memref<308x128xf32, #tpu.memory_space<vmem>> -> memref<304x128xf32, #tpu.memory_space<vmem>>
    tpu.enqueue_dma source(%dma_start3A_1445 : memref<304x128xf32, #tpu.memory_space<vmem>>) target(%dma_start3A_1442 : memref<304x128xf32, #tpu.memory_space<hbm>>) target_semaphore(%dma_start3A_1438 : memref<!tpu.dma_semaphore, #tpu.memory_space<semaphore_mem>>)
    %add3A_1446 = arith.constant 4 : i32
    %add3A_1447 = arith.addi %mul3A_2, %add3A_1446 : i32
    %dma_wait3A_1448 = arith.constant 1 : i32
    %dma_wait3A_1449 = arith.constant 3 : i32
    %dma_wait3A_1450 = arith.constant 0 : i32
    %dma_wait3A_1451 = tpu.memref_slice %arg8[%dma_wait3A_1449, %dma_wait3A_1450] : memref<309x128xf32, #tpu.memory_space<vmem>> -> memref<104x128xf32, #tpu.memory_space<vmem>>
    %dma_wait3A_1452 = arith.constant 96 : i32
    %dma_wait3A_1453 = arith.constant 0 : i32
    %dma_wait3A_1454 = tpu.memref_slice %arg3[%add3A_1447, %dma_wait3A_1452, %dma_wait3A_1453] : memref<256x200x128xf32, #tpu.memory_space<hbm>> -> memref<1x104x128xf32, #tpu.memory_space<hbm>>
    %dma_wait3A_1455 = tpu.memref_squeeze %dma_wait3A_1454 : memref<1x104x128xf32, #tpu.memory_space<hbm>> -> memref<104x128xf32, #tpu.memory_space<hbm>>
    %dma_wait3A_1456 = tpu.memref_slice %arg10[%dma_wait3A_1448] : memref<4x!tpu.dma_semaphore, #tpu.memory_space<semaphore_mem>> -> memref<1x!tpu.dma_semaphore, #tpu.memory_space<semaphore_mem>>
    %dma_wait3A_1457 = tpu.memref_squeeze %dma_wait3A_1456 : memref<1x!tpu.dma_semaphore, #tpu.memory_space<semaphore_mem>> -> memref<!tpu.dma_semaphore, #tpu.memory_space<semaphore_mem>>
    %dma_wait3A_1458 = arith.constant 3 : i32
    %dma_wait3A_1459 = arith.constant 0 : i32
    %dma_wait3A_1460 = tpu.memref_slice %arg8[%dma_wait3A_1458, %dma_wait3A_1459] : memref<309x128xf32, #tpu.memory_space<vmem>> -> memref<104x128xf32, #tpu.memory_space<vmem>>
    %dma_wait3A_1461 = arith.constant 96 : i32
    %dma_wait3A_1462 = arith.constant 0 : i32
    %dma_wait3A_1463 = tpu.memref_slice %arg3[%add3A_1447, %dma_wait3A_1461, %dma_wait3A_1462] : memref<256x200x128xf32, #tpu.memory_space<hbm>> -> memref<1x104x128xf32, #tpu.memory_space<hbm>>
    %dma_wait3A_1464 = tpu.memref_squeeze %dma_wait3A_1463 : memref<1x104x128xf32, #tpu.memory_space<hbm>> -> memref<104x128xf32, #tpu.memory_space<hbm>>
    tpu.wait_dma2 semaphore(%dma_wait3A_1457 : memref<!tpu.dma_semaphore, #tpu.memory_space<semaphore_mem>>) src(%dma_wait3A_1464 : memref<104x128xf32, #tpu.memory_space<hbm>>) dst(%dma_wait3A_1460 : memref<104x128xf32, #tpu.memory_space<vmem>>)
    %dma_wait3A_1465 = arith.constant 1 : i32
    %dma_wait3A_1466 = arith.constant 108 : i32
    %dma_wait3A_1467 = arith.constant 0 : i32
    %dma_wait3A_1468 = tpu.memref_slice %arg8[%dma_wait3A_1466, %dma_wait3A_1467] : memref<309x128xf32, #tpu.memory_space<vmem>> -> memref<200x128xf32, #tpu.memory_space<vmem>>
    %dma_wait3A_1469 = arith.constant 0 : i32
    %dma_wait3A_1470 = arith.constant 0 : i32
    %dma_wait3A_1471 = tpu.memref_slice %arg4[%add3A_1447, %dma_wait3A_1469, %dma_wait3A_1470] : memref<256x200x128xf32, #tpu.memory_space<hbm>> -> memref<1x200x128xf32, #tpu.memory_space<hbm>>
    %dma_wait3A_1472 = tpu.memref_squeeze %dma_wait3A_1471 : memref<1x200x128xf32, #tpu.memory_space<hbm>> -> memref<200x128xf32, #tpu.memory_space<hbm>>
    %dma_wait3A_1473 = tpu.memref_slice %arg10[%dma_wait3A_1465] : memref<4x!tpu.dma_semaphore, #tpu.memory_space<semaphore_mem>> -> memref<1x!tpu.dma_semaphore, #tpu.memory_space<semaphore_mem>>
    %dma_wait3A_1474 = tpu.memref_squeeze %dma_wait3A_1473 : memref<1x!tpu.dma_semaphore, #tpu.memory_space<semaphore_mem>> -> memref<!tpu.dma_semaphore, #tpu.memory_space<semaphore_mem>>
    %dma_wait3A_1475 = arith.constant 108 : i32
    %dma_wait3A_1476 = arith.constant 0 : i32
    %dma_wait3A_1477 = tpu.memref_slice %arg8[%dma_wait3A_1475, %dma_wait3A_1476] : memref<309x128xf32, #tpu.memory_space<vmem>> -> memref<200x128xf32, #tpu.memory_space<vmem>>
    %dma_wait3A_1478 = arith.constant 0 : i32
    %dma_wait3A_1479 = arith.constant 0 : i32
    %dma_wait3A_1480 = tpu.memref_slice %arg4[%add3A_1447, %dma_wait3A_1478, %dma_wait3A_1479] : memref<256x200x128xf32, #tpu.memory_space<hbm>> -> memref<1x200x128xf32, #tpu.memory_space<hbm>>
    %dma_wait3A_1481 = tpu.memref_squeeze %dma_wait3A_1480 : memref<1x200x128xf32, #tpu.memory_space<hbm>> -> memref<200x128xf32, #tpu.memory_space<hbm>>
    tpu.wait_dma2 semaphore(%dma_wait3A_1474 : memref<!tpu.dma_semaphore, #tpu.memory_space<semaphore_mem>>) src(%dma_wait3A_1481 : memref<200x128xf32, #tpu.memory_space<hbm>>) dst(%dma_wait3A_1477 : memref<200x128xf32, #tpu.memory_space<vmem>>)
    %add3A_1482 = arith.constant 4 : i32
    %add3A_1483 = arith.addi %mul3A_2, %add3A_1482 : i32
    %dma_start3A_1484 = arith.constant 3 : i32
    %dma_start3A_1485 = arith.constant 8 : i32
    %dma_start3A_1486 = arith.constant 0 : i32
    %dma_start3A_1487 = tpu.memref_slice %arg8[%dma_start3A_1485, %dma_start3A_1486] : memref<309x128xf32, #tpu.memory_space<vmem>> -> memref<301x128xf32, #tpu.memory_space<vmem>>
    %dma_start3A_1488 = arith.constant 304 : i32
    %dma_start3A_1489 = arith.constant 0 : i32
    %dma_start3A_1490 = tpu.memref_slice %arg6[%add3A_1483, %dma_start3A_1488, %dma_start3A_1489] : memref<256x605x128xf32, #tpu.memory_space<hbm>> -> memref<1x301x128xf32, #tpu.memory_space<hbm>>
    %dma_start3A_1491 = tpu.memref_squeeze %dma_start3A_1490 : memref<1x301x128xf32, #tpu.memory_space<hbm>> -> memref<301x128xf32, #tpu.memory_space<hbm>>
    %dma_start3A_1492 = tpu.memref_slice %arg10[%dma_start3A_1484] : memref<4x!tpu.dma_semaphore, #tpu.memory_space<semaphore_mem>> -> memref<1x!tpu.dma_semaphore, #tpu.memory_space<semaphore_mem>>
    %dma_start3A_1493 = tpu.memref_squeeze %dma_start3A_1492 : memref<1x!tpu.dma_semaphore, #tpu.memory_space<semaphore_mem>> -> memref<!tpu.dma_semaphore, #tpu.memory_space<semaphore_mem>>
    %dma_start3A_1494 = arith.constant 304 : i32
    %dma_start3A_1495 = arith.constant 0 : i32
    %dma_start3A_1496 = tpu.memref_slice %arg6[%add3A_1483, %dma_start3A_1494, %dma_start3A_1495] : memref<256x605x128xf32, #tpu.memory_space<hbm>> -> memref<1x301x128xf32, #tpu.memory_space<hbm>>
    %dma_start3A_1497 = tpu.memref_squeeze %dma_start3A_1496 : memref<1x301x128xf32, #tpu.memory_space<hbm>> -> memref<301x128xf32, #tpu.memory_space<hbm>>
    %dma_start3A_1498 = arith.constant 8 : i32
    %dma_start3A_1499 = arith.constant 0 : i32
    %dma_start3A_1500 = tpu.memref_slice %arg8[%dma_start3A_1498, %dma_start3A_1499] : memref<309x128xf32, #tpu.memory_space<vmem>> -> memref<301x128xf32, #tpu.memory_space<vmem>>
    tpu.enqueue_dma source(%dma_start3A_1500 : memref<301x128xf32, #tpu.memory_space<vmem>>) target(%dma_start3A_1497 : memref<301x128xf32, #tpu.memory_space<hbm>>) target_semaphore(%dma_start3A_1493 : memref<!tpu.dma_semaphore, #tpu.memory_space<semaphore_mem>>)
    %add3A_1501 = arith.constant 4 : i32
    %add3A_1502 = arith.addi %mul3A_2, %add3A_1501 : i32
    %dma_wait3A_1503 = arith.constant 2 : i32
    %dma_wait3A_1504 = arith.constant 0 : i32
    %dma_wait3A_1505 = arith.constant 0 : i32
    %dma_wait3A_1506 = tpu.memref_slice %arg7[%dma_wait3A_1504, %dma_wait3A_1505] : memref<308x128xf32, #tpu.memory_space<vmem>> -> memref<304x128xf32, #tpu.memory_space<vmem>>
    %dma_wait3A_1507 = arith.constant 0 : i32
    %dma_wait3A_1508 = arith.constant 0 : i32
    %dma_wait3A_1509 = tpu.memref_slice %arg6[%add3A_1502, %dma_wait3A_1507, %dma_wait3A_1508] : memref<256x605x128xf32, #tpu.memory_space<hbm>> -> memref<1x304x128xf32, #tpu.memory_space<hbm>>
    %dma_wait3A_1510 = tpu.memref_squeeze %dma_wait3A_1509 : memref<1x304x128xf32, #tpu.memory_space<hbm>> -> memref<304x128xf32, #tpu.memory_space<hbm>>
    %dma_wait3A_1511 = tpu.memref_slice %arg10[%dma_wait3A_1503] : memref<4x!tpu.dma_semaphore, #tpu.memory_space<semaphore_mem>> -> memref<1x!tpu.dma_semaphore, #tpu.memory_space<semaphore_mem>>
    %dma_wait3A_1512 = tpu.memref_squeeze %dma_wait3A_1511 : memref<1x!tpu.dma_semaphore, #tpu.memory_space<semaphore_mem>> -> memref<!tpu.dma_semaphore, #tpu.memory_space<semaphore_mem>>
    %dma_wait3A_1513 = arith.constant 0 : i32
    %dma_wait3A_1514 = arith.constant 0 : i32
    %dma_wait3A_1515 = tpu.memref_slice %arg6[%add3A_1502, %dma_wait3A_1513, %dma_wait3A_1514] : memref<256x605x128xf32, #tpu.memory_space<hbm>> -> memref<1x304x128xf32, #tpu.memory_space<hbm>>
    %dma_wait3A_1516 = tpu.memref_squeeze %dma_wait3A_1515 : memref<1x304x128xf32, #tpu.memory_space<hbm>> -> memref<304x128xf32, #tpu.memory_space<hbm>>
    %dma_wait3A_1517 = arith.constant 0 : i32
    %dma_wait3A_1518 = arith.constant 0 : i32
    %dma_wait3A_1519 = tpu.memref_slice %arg7[%dma_wait3A_1517, %dma_wait3A_1518] : memref<308x128xf32, #tpu.memory_space<vmem>> -> memref<304x128xf32, #tpu.memory_space<vmem>>
    tpu.wait_dma2 semaphore(%dma_wait3A_1512 : memref<!tpu.dma_semaphore, #tpu.memory_space<semaphore_mem>>) src(%dma_wait3A_1519 : memref<304x128xf32, #tpu.memory_space<vmem>>) dst(%dma_wait3A_1516 : memref<304x128xf32, #tpu.memory_space<hbm>>)
    %add3A_1520 = arith.constant 5 : i32
    %add3A_1521 = arith.addi %mul3A_2, %add3A_1520 : i32
    %dma_start3A_1522 = arith.constant 0 : i32
    %dma_start3A_1523 = arith.constant 2 : i32
    %dma_start3A_1524 = arith.constant 0 : i32
    %dma_start3A_1525 = tpu.memref_slice %arg7[%dma_start3A_1523, %dma_start3A_1524] : memref<308x128xf32, #tpu.memory_space<vmem>> -> memref<200x128xf32, #tpu.memory_space<vmem>>
    %dma_start3A_1526 = arith.constant 0 : i32
    %dma_start3A_1527 = arith.constant 0 : i32
    %dma_start3A_1528 = tpu.memref_slice %arg2[%add3A_1521, %dma_start3A_1526, %dma_start3A_1527] : memref<256x200x128xf32, #tpu.memory_space<hbm>> -> memref<1x200x128xf32, #tpu.memory_space<hbm>>
    %dma_start3A_1529 = tpu.memref_squeeze %dma_start3A_1528 : memref<1x200x128xf32, #tpu.memory_space<hbm>> -> memref<200x128xf32, #tpu.memory_space<hbm>>
    %dma_start3A_1530 = tpu.memref_slice %arg10[%dma_start3A_1522] : memref<4x!tpu.dma_semaphore, #tpu.memory_space<semaphore_mem>> -> memref<1x!tpu.dma_semaphore, #tpu.memory_space<semaphore_mem>>
    %dma_start3A_1531 = tpu.memref_squeeze %dma_start3A_1530 : memref<1x!tpu.dma_semaphore, #tpu.memory_space<semaphore_mem>> -> memref<!tpu.dma_semaphore, #tpu.memory_space<semaphore_mem>>
    %dma_start3A_1532 = arith.constant 2 : i32
    %dma_start3A_1533 = arith.constant 0 : i32
    %dma_start3A_1534 = tpu.memref_slice %arg7[%dma_start3A_1532, %dma_start3A_1533] : memref<308x128xf32, #tpu.memory_space<vmem>> -> memref<200x128xf32, #tpu.memory_space<vmem>>
    %dma_start3A_1535 = arith.constant 0 : i32
    %dma_start3A_1536 = arith.constant 0 : i32
    %dma_start3A_1537 = tpu.memref_slice %arg2[%add3A_1521, %dma_start3A_1535, %dma_start3A_1536] : memref<256x200x128xf32, #tpu.memory_space<hbm>> -> memref<1x200x128xf32, #tpu.memory_space<hbm>>
    %dma_start3A_1538 = tpu.memref_squeeze %dma_start3A_1537 : memref<1x200x128xf32, #tpu.memory_space<hbm>> -> memref<200x128xf32, #tpu.memory_space<hbm>>
    tpu.enqueue_dma source(%dma_start3A_1538 : memref<200x128xf32, #tpu.memory_space<hbm>>) target(%dma_start3A_1534 : memref<200x128xf32, #tpu.memory_space<vmem>>) target_semaphore(%dma_start3A_1531 : memref<!tpu.dma_semaphore, #tpu.memory_space<semaphore_mem>>)
    %dma_start3A_1539 = arith.constant 0 : i32
    %dma_start3A_1540 = arith.constant 203 : i32
    %dma_start3A_1541 = arith.constant 0 : i32
    %dma_start3A_1542 = tpu.memref_slice %arg7[%dma_start3A_1540, %dma_start3A_1541] : memref<308x128xf32, #tpu.memory_space<vmem>> -> memref<104x128xf32, #tpu.memory_space<vmem>>
    %dma_start3A_1543 = arith.constant 0 : i32
    %dma_start3A_1544 = arith.constant 0 : i32
    %dma_start3A_1545 = tpu.memref_slice %arg3[%add3A_1521, %dma_start3A_1543, %dma_start3A_1544] : memref<256x200x128xf32, #tpu.memory_space<hbm>> -> memref<1x104x128xf32, #tpu.memory_space<hbm>>
    %dma_start3A_1546 = tpu.memref_squeeze %dma_start3A_1545 : memref<1x104x128xf32, #tpu.memory_space<hbm>> -> memref<104x128xf32, #tpu.memory_space<hbm>>
    %dma_start3A_1547 = tpu.memref_slice %arg10[%dma_start3A_1539] : memref<4x!tpu.dma_semaphore, #tpu.memory_space<semaphore_mem>> -> memref<1x!tpu.dma_semaphore, #tpu.memory_space<semaphore_mem>>
    %dma_start3A_1548 = tpu.memref_squeeze %dma_start3A_1547 : memref<1x!tpu.dma_semaphore, #tpu.memory_space<semaphore_mem>> -> memref<!tpu.dma_semaphore, #tpu.memory_space<semaphore_mem>>
    %dma_start3A_1549 = arith.constant 203 : i32
    %dma_start3A_1550 = arith.constant 0 : i32
    %dma_start3A_1551 = tpu.memref_slice %arg7[%dma_start3A_1549, %dma_start3A_1550] : memref<308x128xf32, #tpu.memory_space<vmem>> -> memref<104x128xf32, #tpu.memory_space<vmem>>
    %dma_start3A_1552 = arith.constant 0 : i32
    %dma_start3A_1553 = arith.constant 0 : i32
    %dma_start3A_1554 = tpu.memref_slice %arg3[%add3A_1521, %dma_start3A_1552, %dma_start3A_1553] : memref<256x200x128xf32, #tpu.memory_space<hbm>> -> memref<1x104x128xf32, #tpu.memory_space<hbm>>
    %dma_start3A_1555 = tpu.memref_squeeze %dma_start3A_1554 : memref<1x104x128xf32, #tpu.memory_space<hbm>> -> memref<104x128xf32, #tpu.memory_space<hbm>>
    tpu.enqueue_dma source(%dma_start3A_1555 : memref<104x128xf32, #tpu.memory_space<hbm>>) target(%dma_start3A_1551 : memref<104x128xf32, #tpu.memory_space<vmem>>) target_semaphore(%dma_start3A_1548 : memref<!tpu.dma_semaphore, #tpu.memory_space<semaphore_mem>>)
    %add3A_1556 = arith.constant 4 : i32
    %add3A_1557 = arith.addi %mul3A_2, %add3A_1556 : i32
    %dma_wait3A_1558 = arith.constant 3 : i32
    %dma_wait3A_1559 = arith.constant 8 : i32
    %dma_wait3A_1560 = arith.constant 0 : i32
    %dma_wait3A_1561 = tpu.memref_slice %arg8[%dma_wait3A_1559, %dma_wait3A_1560] : memref<309x128xf32, #tpu.memory_space<vmem>> -> memref<301x128xf32, #tpu.memory_space<vmem>>
    %dma_wait3A_1562 = arith.constant 304 : i32
    %dma_wait3A_1563 = arith.constant 0 : i32
    %dma_wait3A_1564 = tpu.memref_slice %arg6[%add3A_1557, %dma_wait3A_1562, %dma_wait3A_1563] : memref<256x605x128xf32, #tpu.memory_space<hbm>> -> memref<1x301x128xf32, #tpu.memory_space<hbm>>
    %dma_wait3A_1565 = tpu.memref_squeeze %dma_wait3A_1564 : memref<1x301x128xf32, #tpu.memory_space<hbm>> -> memref<301x128xf32, #tpu.memory_space<hbm>>
    %dma_wait3A_1566 = tpu.memref_slice %arg10[%dma_wait3A_1558] : memref<4x!tpu.dma_semaphore, #tpu.memory_space<semaphore_mem>> -> memref<1x!tpu.dma_semaphore, #tpu.memory_space<semaphore_mem>>
    %dma_wait3A_1567 = tpu.memref_squeeze %dma_wait3A_1566 : memref<1x!tpu.dma_semaphore, #tpu.memory_space<semaphore_mem>> -> memref<!tpu.dma_semaphore, #tpu.memory_space<semaphore_mem>>
    %dma_wait3A_1568 = arith.constant 304 : i32
    %dma_wait3A_1569 = arith.constant 0 : i32
    %dma_wait3A_1570 = tpu.memref_slice %arg6[%add3A_1557, %dma_wait3A_1568, %dma_wait3A_1569] : memref<256x605x128xf32, #tpu.memory_space<hbm>> -> memref<1x301x128xf32, #tpu.memory_space<hbm>>
    %dma_wait3A_1571 = tpu.memref_squeeze %dma_wait3A_1570 : memref<1x301x128xf32, #tpu.memory_space<hbm>> -> memref<301x128xf32, #tpu.memory_space<hbm>>
    %dma_wait3A_1572 = arith.constant 8 : i32
    %dma_wait3A_1573 = arith.constant 0 : i32
    %dma_wait3A_1574 = tpu.memref_slice %arg8[%dma_wait3A_1572, %dma_wait3A_1573] : memref<309x128xf32, #tpu.memory_space<vmem>> -> memref<301x128xf32, #tpu.memory_space<vmem>>
    tpu.wait_dma2 semaphore(%dma_wait3A_1567 : memref<!tpu.dma_semaphore, #tpu.memory_space<semaphore_mem>>) src(%dma_wait3A_1574 : memref<301x128xf32, #tpu.memory_space<vmem>>) dst(%dma_wait3A_1571 : memref<301x128xf32, #tpu.memory_space<hbm>>)
    %add3A_1575 = arith.constant 5 : i32
    %add3A_1576 = arith.addi %mul3A_2, %add3A_1575 : i32
    %dma_start3A_1577 = arith.constant 1 : i32
    %dma_start3A_1578 = arith.constant 3 : i32
    %dma_start3A_1579 = arith.constant 0 : i32
    %dma_start3A_1580 = tpu.memref_slice %arg8[%dma_start3A_1578, %dma_start3A_1579] : memref<309x128xf32, #tpu.memory_space<vmem>> -> memref<104x128xf32, #tpu.memory_space<vmem>>
    %dma_start3A_1581 = arith.constant 96 : i32
    %dma_start3A_1582 = arith.constant 0 : i32
    %dma_start3A_1583 = tpu.memref_slice %arg3[%add3A_1576, %dma_start3A_1581, %dma_start3A_1582] : memref<256x200x128xf32, #tpu.memory_space<hbm>> -> memref<1x104x128xf32, #tpu.memory_space<hbm>>
    %dma_start3A_1584 = tpu.memref_squeeze %dma_start3A_1583 : memref<1x104x128xf32, #tpu.memory_space<hbm>> -> memref<104x128xf32, #tpu.memory_space<hbm>>
    %dma_start3A_1585 = tpu.memref_slice %arg10[%dma_start3A_1577] : memref<4x!tpu.dma_semaphore, #tpu.memory_space<semaphore_mem>> -> memref<1x!tpu.dma_semaphore, #tpu.memory_space<semaphore_mem>>
    %dma_start3A_1586 = tpu.memref_squeeze %dma_start3A_1585 : memref<1x!tpu.dma_semaphore, #tpu.memory_space<semaphore_mem>> -> memref<!tpu.dma_semaphore, #tpu.memory_space<semaphore_mem>>
    %dma_start3A_1587 = arith.constant 3 : i32
    %dma_start3A_1588 = arith.constant 0 : i32
    %dma_start3A_1589 = tpu.memref_slice %arg8[%dma_start3A_1587, %dma_start3A_1588] : memref<309x128xf32, #tpu.memory_space<vmem>> -> memref<104x128xf32, #tpu.memory_space<vmem>>
    %dma_start3A_1590 = arith.constant 96 : i32
    %dma_start3A_1591 = arith.constant 0 : i32
    %dma_start3A_1592 = tpu.memref_slice %arg3[%add3A_1576, %dma_start3A_1590, %dma_start3A_1591] : memref<256x200x128xf32, #tpu.memory_space<hbm>> -> memref<1x104x128xf32, #tpu.memory_space<hbm>>
    %dma_start3A_1593 = tpu.memref_squeeze %dma_start3A_1592 : memref<1x104x128xf32, #tpu.memory_space<hbm>> -> memref<104x128xf32, #tpu.memory_space<hbm>>
    tpu.enqueue_dma source(%dma_start3A_1593 : memref<104x128xf32, #tpu.memory_space<hbm>>) target(%dma_start3A_1589 : memref<104x128xf32, #tpu.memory_space<vmem>>) target_semaphore(%dma_start3A_1586 : memref<!tpu.dma_semaphore, #tpu.memory_space<semaphore_mem>>)
    %dma_start3A_1594 = arith.constant 1 : i32
    %dma_start3A_1595 = arith.constant 108 : i32
    %dma_start3A_1596 = arith.constant 0 : i32
    %dma_start3A_1597 = tpu.memref_slice %arg8[%dma_start3A_1595, %dma_start3A_1596] : memref<309x128xf32, #tpu.memory_space<vmem>> -> memref<200x128xf32, #tpu.memory_space<vmem>>
    %dma_start3A_1598 = arith.constant 0 : i32
    %dma_start3A_1599 = arith.constant 0 : i32
    %dma_start3A_1600 = tpu.memref_slice %arg4[%add3A_1576, %dma_start3A_1598, %dma_start3A_1599] : memref<256x200x128xf32, #tpu.memory_space<hbm>> -> memref<1x200x128xf32, #tpu.memory_space<hbm>>
    %dma_start3A_1601 = tpu.memref_squeeze %dma_start3A_1600 : memref<1x200x128xf32, #tpu.memory_space<hbm>> -> memref<200x128xf32, #tpu.memory_space<hbm>>
    %dma_start3A_1602 = tpu.memref_slice %arg10[%dma_start3A_1594] : memref<4x!tpu.dma_semaphore, #tpu.memory_space<semaphore_mem>> -> memref<1x!tpu.dma_semaphore, #tpu.memory_space<semaphore_mem>>
    %dma_start3A_1603 = tpu.memref_squeeze %dma_start3A_1602 : memref<1x!tpu.dma_semaphore, #tpu.memory_space<semaphore_mem>> -> memref<!tpu.dma_semaphore, #tpu.memory_space<semaphore_mem>>
    %dma_start3A_1604 = arith.constant 108 : i32
    %dma_start3A_1605 = arith.constant 0 : i32
    %dma_start3A_1606 = tpu.memref_slice %arg8[%dma_start3A_1604, %dma_start3A_1605] : memref<309x128xf32, #tpu.memory_space<vmem>> -> memref<200x128xf32, #tpu.memory_space<vmem>>
    %dma_start3A_1607 = arith.constant 0 : i32
    %dma_start3A_1608 = arith.constant 0 : i32
    %dma_start3A_1609 = tpu.memref_slice %arg4[%add3A_1576, %dma_start3A_1607, %dma_start3A_1608] : memref<256x200x128xf32, #tpu.memory_space<hbm>> -> memref<1x200x128xf32, #tpu.memory_space<hbm>>
    %dma_start3A_1610 = tpu.memref_squeeze %dma_start3A_1609 : memref<1x200x128xf32, #tpu.memory_space<hbm>> -> memref<200x128xf32, #tpu.memory_space<hbm>>
    tpu.enqueue_dma source(%dma_start3A_1610 : memref<200x128xf32, #tpu.memory_space<hbm>>) target(%dma_start3A_1606 : memref<200x128xf32, #tpu.memory_space<vmem>>) target_semaphore(%dma_start3A_1603 : memref<!tpu.dma_semaphore, #tpu.memory_space<semaphore_mem>>)
    %add3A_1611 = arith.constant 5 : i32
    %add3A_1612 = arith.addi %mul3A_2, %add3A_1611 : i32
    %dma_wait3A_1613 = arith.constant 0 : i32
    %dma_wait3A_1614 = arith.constant 2 : i32
    %dma_wait3A_1615 = arith.constant 0 : i32
    %dma_wait3A_1616 = tpu.memref_slice %arg7[%dma_wait3A_1614, %dma_wait3A_1615] : memref<308x128xf32, #tpu.memory_space<vmem>> -> memref<200x128xf32, #tpu.memory_space<vmem>>
    %dma_wait3A_1617 = arith.constant 0 : i32
    %dma_wait3A_1618 = arith.constant 0 : i32
    %dma_wait3A_1619 = tpu.memref_slice %arg2[%add3A_1612, %dma_wait3A_1617, %dma_wait3A_1618] : memref<256x200x128xf32, #tpu.memory_space<hbm>> -> memref<1x200x128xf32, #tpu.memory_space<hbm>>
    %dma_wait3A_1620 = tpu.memref_squeeze %dma_wait3A_1619 : memref<1x200x128xf32, #tpu.memory_space<hbm>> -> memref<200x128xf32, #tpu.memory_space<hbm>>
    %dma_wait3A_1621 = tpu.memref_slice %arg10[%dma_wait3A_1613] : memref<4x!tpu.dma_semaphore, #tpu.memory_space<semaphore_mem>> -> memref<1x!tpu.dma_semaphore, #tpu.memory_space<semaphore_mem>>
    %dma_wait3A_1622 = tpu.memref_squeeze %dma_wait3A_1621 : memref<1x!tpu.dma_semaphore, #tpu.memory_space<semaphore_mem>> -> memref<!tpu.dma_semaphore, #tpu.memory_space<semaphore_mem>>
    %dma_wait3A_1623 = arith.constant 2 : i32
    %dma_wait3A_1624 = arith.constant 0 : i32
    %dma_wait3A_1625 = tpu.memref_slice %arg7[%dma_wait3A_1623, %dma_wait3A_1624] : memref<308x128xf32, #tpu.memory_space<vmem>> -> memref<200x128xf32, #tpu.memory_space<vmem>>
    %dma_wait3A_1626 = arith.constant 0 : i32
    %dma_wait3A_1627 = arith.constant 0 : i32
    %dma_wait3A_1628 = tpu.memref_slice %arg2[%add3A_1612, %dma_wait3A_1626, %dma_wait3A_1627] : memref<256x200x128xf32, #tpu.memory_space<hbm>> -> memref<1x200x128xf32, #tpu.memory_space<hbm>>
    %dma_wait3A_1629 = tpu.memref_squeeze %dma_wait3A_1628 : memref<1x200x128xf32, #tpu.memory_space<hbm>> -> memref<200x128xf32, #tpu.memory_space<hbm>>
    tpu.wait_dma2 semaphore(%dma_wait3A_1622 : memref<!tpu.dma_semaphore, #tpu.memory_space<semaphore_mem>>) src(%dma_wait3A_1629 : memref<200x128xf32, #tpu.memory_space<hbm>>) dst(%dma_wait3A_1625 : memref<200x128xf32, #tpu.memory_space<vmem>>)
    %dma_wait3A_1630 = arith.constant 0 : i32
    %dma_wait3A_1631 = arith.constant 203 : i32
    %dma_wait3A_1632 = arith.constant 0 : i32
    %dma_wait3A_1633 = tpu.memref_slice %arg7[%dma_wait3A_1631, %dma_wait3A_1632] : memref<308x128xf32, #tpu.memory_space<vmem>> -> memref<104x128xf32, #tpu.memory_space<vmem>>
    %dma_wait3A_1634 = arith.constant 0 : i32
    %dma_wait3A_1635 = arith.constant 0 : i32
    %dma_wait3A_1636 = tpu.memref_slice %arg3[%add3A_1612, %dma_wait3A_1634, %dma_wait3A_1635] : memref<256x200x128xf32, #tpu.memory_space<hbm>> -> memref<1x104x128xf32, #tpu.memory_space<hbm>>
    %dma_wait3A_1637 = tpu.memref_squeeze %dma_wait3A_1636 : memref<1x104x128xf32, #tpu.memory_space<hbm>> -> memref<104x128xf32, #tpu.memory_space<hbm>>
    %dma_wait3A_1638 = tpu.memref_slice %arg10[%dma_wait3A_1630] : memref<4x!tpu.dma_semaphore, #tpu.memory_space<semaphore_mem>> -> memref<1x!tpu.dma_semaphore, #tpu.memory_space<semaphore_mem>>
    %dma_wait3A_1639 = tpu.memref_squeeze %dma_wait3A_1638 : memref<1x!tpu.dma_semaphore, #tpu.memory_space<semaphore_mem>> -> memref<!tpu.dma_semaphore, #tpu.memory_space<semaphore_mem>>
    %dma_wait3A_1640 = arith.constant 203 : i32
    %dma_wait3A_1641 = arith.constant 0 : i32
    %dma_wait3A_1642 = tpu.memref_slice %arg7[%dma_wait3A_1640, %dma_wait3A_1641] : memref<308x128xf32, #tpu.memory_space<vmem>> -> memref<104x128xf32, #tpu.memory_space<vmem>>
    %dma_wait3A_1643 = arith.constant 0 : i32
    %dma_wait3A_1644 = arith.constant 0 : i32
    %dma_wait3A_1645 = tpu.memref_slice %arg3[%add3A_1612, %dma_wait3A_1643, %dma_wait3A_1644] : memref<256x200x128xf32, #tpu.memory_space<hbm>> -> memref<1x104x128xf32, #tpu.memory_space<hbm>>
    %dma_wait3A_1646 = tpu.memref_squeeze %dma_wait3A_1645 : memref<1x104x128xf32, #tpu.memory_space<hbm>> -> memref<104x128xf32, #tpu.memory_space<hbm>>
    tpu.wait_dma2 semaphore(%dma_wait3A_1639 : memref<!tpu.dma_semaphore, #tpu.memory_space<semaphore_mem>>) src(%dma_wait3A_1646 : memref<104x128xf32, #tpu.memory_space<hbm>>) dst(%dma_wait3A_1642 : memref<104x128xf32, #tpu.memory_space<vmem>>)
    %add3A_1647 = arith.constant 5 : i32
    %add3A_1648 = arith.addi %mul3A_2, %add3A_1647 : i32
    %dma_start3A_1649 = arith.constant 2 : i32
    %dma_start3A_1650 = arith.constant 0 : i32
    %dma_start3A_1651 = arith.constant 0 : i32
    %dma_start3A_1652 = tpu.memref_slice %arg7[%dma_start3A_1650, %dma_start3A_1651] : memref<308x128xf32, #tpu.memory_space<vmem>> -> memref<304x128xf32, #tpu.memory_space<vmem>>
    %dma_start3A_1653 = arith.constant 0 : i32
    %dma_start3A_1654 = arith.constant 0 : i32
    %dma_start3A_1655 = tpu.memref_slice %arg6[%add3A_1648, %dma_start3A_1653, %dma_start3A_1654] : memref<256x605x128xf32, #tpu.memory_space<hbm>> -> memref<1x304x128xf32, #tpu.memory_space<hbm>>
    %dma_start3A_1656 = tpu.memref_squeeze %dma_start3A_1655 : memref<1x304x128xf32, #tpu.memory_space<hbm>> -> memref<304x128xf32, #tpu.memory_space<hbm>>
    %dma_start3A_1657 = tpu.memref_slice %arg10[%dma_start3A_1649] : memref<4x!tpu.dma_semaphore, #tpu.memory_space<semaphore_mem>> -> memref<1x!tpu.dma_semaphore, #tpu.memory_space<semaphore_mem>>
    %dma_start3A_1658 = tpu.memref_squeeze %dma_start3A_1657 : memref<1x!tpu.dma_semaphore, #tpu.memory_space<semaphore_mem>> -> memref<!tpu.dma_semaphore, #tpu.memory_space<semaphore_mem>>
    %dma_start3A_1659 = arith.constant 0 : i32
    %dma_start3A_1660 = arith.constant 0 : i32
    %dma_start3A_1661 = tpu.memref_slice %arg6[%add3A_1648, %dma_start3A_1659, %dma_start3A_1660] : memref<256x605x128xf32, #tpu.memory_space<hbm>> -> memref<1x304x128xf32, #tpu.memory_space<hbm>>
    %dma_start3A_1662 = tpu.memref_squeeze %dma_start3A_1661 : memref<1x304x128xf32, #tpu.memory_space<hbm>> -> memref<304x128xf32, #tpu.memory_space<hbm>>
    %dma_start3A_1663 = arith.constant 0 : i32
    %dma_start3A_1664 = arith.constant 0 : i32
    %dma_start3A_1665 = tpu.memref_slice %arg7[%dma_start3A_1663, %dma_start3A_1664] : memref<308x128xf32, #tpu.memory_space<vmem>> -> memref<304x128xf32, #tpu.memory_space<vmem>>
    tpu.enqueue_dma source(%dma_start3A_1665 : memref<304x128xf32, #tpu.memory_space<vmem>>) target(%dma_start3A_1662 : memref<304x128xf32, #tpu.memory_space<hbm>>) target_semaphore(%dma_start3A_1658 : memref<!tpu.dma_semaphore, #tpu.memory_space<semaphore_mem>>)
    %add3A_1666 = arith.constant 5 : i32
    %add3A_1667 = arith.addi %mul3A_2, %add3A_1666 : i32
    %dma_wait3A_1668 = arith.constant 1 : i32
    %dma_wait3A_1669 = arith.constant 3 : i32
    %dma_wait3A_1670 = arith.constant 0 : i32
    %dma_wait3A_1671 = tpu.memref_slice %arg8[%dma_wait3A_1669, %dma_wait3A_1670] : memref<309x128xf32, #tpu.memory_space<vmem>> -> memref<104x128xf32, #tpu.memory_space<vmem>>
    %dma_wait3A_1672 = arith.constant 96 : i32
    %dma_wait3A_1673 = arith.constant 0 : i32
    %dma_wait3A_1674 = tpu.memref_slice %arg3[%add3A_1667, %dma_wait3A_1672, %dma_wait3A_1673] : memref<256x200x128xf32, #tpu.memory_space<hbm>> -> memref<1x104x128xf32, #tpu.memory_space<hbm>>
    %dma_wait3A_1675 = tpu.memref_squeeze %dma_wait3A_1674 : memref<1x104x128xf32, #tpu.memory_space<hbm>> -> memref<104x128xf32, #tpu.memory_space<hbm>>
    %dma_wait3A_1676 = tpu.memref_slice %arg10[%dma_wait3A_1668] : memref<4x!tpu.dma_semaphore, #tpu.memory_space<semaphore_mem>> -> memref<1x!tpu.dma_semaphore, #tpu.memory_space<semaphore_mem>>
    %dma_wait3A_1677 = tpu.memref_squeeze %dma_wait3A_1676 : memref<1x!tpu.dma_semaphore, #tpu.memory_space<semaphore_mem>> -> memref<!tpu.dma_semaphore, #tpu.memory_space<semaphore_mem>>
    %dma_wait3A_1678 = arith.constant 3 : i32
    %dma_wait3A_1679 = arith.constant 0 : i32
    %dma_wait3A_1680 = tpu.memref_slice %arg8[%dma_wait3A_1678, %dma_wait3A_1679] : memref<309x128xf32, #tpu.memory_space<vmem>> -> memref<104x128xf32, #tpu.memory_space<vmem>>
    %dma_wait3A_1681 = arith.constant 96 : i32
    %dma_wait3A_1682 = arith.constant 0 : i32
    %dma_wait3A_1683 = tpu.memref_slice %arg3[%add3A_1667, %dma_wait3A_1681, %dma_wait3A_1682] : memref<256x200x128xf32, #tpu.memory_space<hbm>> -> memref<1x104x128xf32, #tpu.memory_space<hbm>>
    %dma_wait3A_1684 = tpu.memref_squeeze %dma_wait3A_1683 : memref<1x104x128xf32, #tpu.memory_space<hbm>> -> memref<104x128xf32, #tpu.memory_space<hbm>>
    tpu.wait_dma2 semaphore(%dma_wait3A_1677 : memref<!tpu.dma_semaphore, #tpu.memory_space<semaphore_mem>>) src(%dma_wait3A_1684 : memref<104x128xf32, #tpu.memory_space<hbm>>) dst(%dma_wait3A_1680 : memref<104x128xf32, #tpu.memory_space<vmem>>)
    %dma_wait3A_1685 = arith.constant 1 : i32
    %dma_wait3A_1686 = arith.constant 108 : i32
    %dma_wait3A_1687 = arith.constant 0 : i32
    %dma_wait3A_1688 = tpu.memref_slice %arg8[%dma_wait3A_1686, %dma_wait3A_1687] : memref<309x128xf32, #tpu.memory_space<vmem>> -> memref<200x128xf32, #tpu.memory_space<vmem>>
    %dma_wait3A_1689 = arith.constant 0 : i32
    %dma_wait3A_1690 = arith.constant 0 : i32
    %dma_wait3A_1691 = tpu.memref_slice %arg4[%add3A_1667, %dma_wait3A_1689, %dma_wait3A_1690] : memref<256x200x128xf32, #tpu.memory_space<hbm>> -> memref<1x200x128xf32, #tpu.memory_space<hbm>>
    %dma_wait3A_1692 = tpu.memref_squeeze %dma_wait3A_1691 : memref<1x200x128xf32, #tpu.memory_space<hbm>> -> memref<200x128xf32, #tpu.memory_space<hbm>>
    %dma_wait3A_1693 = tpu.memref_slice %arg10[%dma_wait3A_1685] : memref<4x!tpu.dma_semaphore, #tpu.memory_space<semaphore_mem>> -> memref<1x!tpu.dma_semaphore, #tpu.memory_space<semaphore_mem>>
    %dma_wait3A_1694 = tpu.memref_squeeze %dma_wait3A_1693 : memref<1x!tpu.dma_semaphore, #tpu.memory_space<semaphore_mem>> -> memref<!tpu.dma_semaphore, #tpu.memory_space<semaphore_mem>>
    %dma_wait3A_1695 = arith.constant 108 : i32
    %dma_wait3A_1696 = arith.constant 0 : i32
    %dma_wait3A_1697 = tpu.memref_slice %arg8[%dma_wait3A_1695, %dma_wait3A_1696] : memref<309x128xf32, #tpu.memory_space<vmem>> -> memref<200x128xf32, #tpu.memory_space<vmem>>
    %dma_wait3A_1698 = arith.constant 0 : i32
    %dma_wait3A_1699 = arith.constant 0 : i32
    %dma_wait3A_1700 = tpu.memref_slice %arg4[%add3A_1667, %dma_wait3A_1698, %dma_wait3A_1699] : memref<256x200x128xf32, #tpu.memory_space<hbm>> -> memref<1x200x128xf32, #tpu.memory_space<hbm>>
    %dma_wait3A_1701 = tpu.memref_squeeze %dma_wait3A_1700 : memref<1x200x128xf32, #tpu.memory_space<hbm>> -> memref<200x128xf32, #tpu.memory_space<hbm>>
    tpu.wait_dma2 semaphore(%dma_wait3A_1694 : memref<!tpu.dma_semaphore, #tpu.memory_space<semaphore_mem>>) src(%dma_wait3A_1701 : memref<200x128xf32, #tpu.memory_space<hbm>>) dst(%dma_wait3A_1697 : memref<200x128xf32, #tpu.memory_space<vmem>>)
    %add3A_1702 = arith.constant 5 : i32
    %add3A_1703 = arith.addi %mul3A_2, %add3A_1702 : i32
    %dma_start3A_1704 = arith.constant 3 : i32
    %dma_start3A_1705 = arith.constant 8 : i32
    %dma_start3A_1706 = arith.constant 0 : i32
    %dma_start3A_1707 = tpu.memref_slice %arg8[%dma_start3A_1705, %dma_start3A_1706] : memref<309x128xf32, #tpu.memory_space<vmem>> -> memref<301x128xf32, #tpu.memory_space<vmem>>
    %dma_start3A_1708 = arith.constant 304 : i32
    %dma_start3A_1709 = arith.constant 0 : i32
    %dma_start3A_1710 = tpu.memref_slice %arg6[%add3A_1703, %dma_start3A_1708, %dma_start3A_1709] : memref<256x605x128xf32, #tpu.memory_space<hbm>> -> memref<1x301x128xf32, #tpu.memory_space<hbm>>
    %dma_start3A_1711 = tpu.memref_squeeze %dma_start3A_1710 : memref<1x301x128xf32, #tpu.memory_space<hbm>> -> memref<301x128xf32, #tpu.memory_space<hbm>>
    %dma_start3A_1712 = tpu.memref_slice %arg10[%dma_start3A_1704] : memref<4x!tpu.dma_semaphore, #tpu.memory_space<semaphore_mem>> -> memref<1x!tpu.dma_semaphore, #tpu.memory_space<semaphore_mem>>
    %dma_start3A_1713 = tpu.memref_squeeze %dma_start3A_1712 : memref<1x!tpu.dma_semaphore, #tpu.memory_space<semaphore_mem>> -> memref<!tpu.dma_semaphore, #tpu.memory_space<semaphore_mem>>
    %dma_start3A_1714 = arith.constant 304 : i32
    %dma_start3A_1715 = arith.constant 0 : i32
    %dma_start3A_1716 = tpu.memref_slice %arg6[%add3A_1703, %dma_start3A_1714, %dma_start3A_1715] : memref<256x605x128xf32, #tpu.memory_space<hbm>> -> memref<1x301x128xf32, #tpu.memory_space<hbm>>
    %dma_start3A_1717 = tpu.memref_squeeze %dma_start3A_1716 : memref<1x301x128xf32, #tpu.memory_space<hbm>> -> memref<301x128xf32, #tpu.memory_space<hbm>>
    %dma_start3A_1718 = arith.constant 8 : i32
    %dma_start3A_1719 = arith.constant 0 : i32
    %dma_start3A_1720 = tpu.memref_slice %arg8[%dma_start3A_1718, %dma_start3A_1719] : memref<309x128xf32, #tpu.memory_space<vmem>> -> memref<301x128xf32, #tpu.memory_space<vmem>>
    tpu.enqueue_dma source(%dma_start3A_1720 : memref<301x128xf32, #tpu.memory_space<vmem>>) target(%dma_start3A_1717 : memref<301x128xf32, #tpu.memory_space<hbm>>) target_semaphore(%dma_start3A_1713 : memref<!tpu.dma_semaphore, #tpu.memory_space<semaphore_mem>>)
    %add3A_1721 = arith.constant 5 : i32
    %add3A_1722 = arith.addi %mul3A_2, %add3A_1721 : i32
    %dma_wait3A_1723 = arith.constant 2 : i32
    %dma_wait3A_1724 = arith.constant 0 : i32
    %dma_wait3A_1725 = arith.constant 0 : i32
    %dma_wait3A_1726 = tpu.memref_slice %arg7[%dma_wait3A_1724, %dma_wait3A_1725] : memref<308x128xf32, #tpu.memory_space<vmem>> -> memref<304x128xf32, #tpu.memory_space<vmem>>
    %dma_wait3A_1727 = arith.constant 0 : i32
    %dma_wait3A_1728 = arith.constant 0 : i32
    %dma_wait3A_1729 = tpu.memref_slice %arg6[%add3A_1722, %dma_wait3A_1727, %dma_wait3A_1728] : memref<256x605x128xf32, #tpu.memory_space<hbm>> -> memref<1x304x128xf32, #tpu.memory_space<hbm>>
    %dma_wait3A_1730 = tpu.memref_squeeze %dma_wait3A_1729 : memref<1x304x128xf32, #tpu.memory_space<hbm>> -> memref<304x128xf32, #tpu.memory_space<hbm>>
    %dma_wait3A_1731 = tpu.memref_slice %arg10[%dma_wait3A_1723] : memref<4x!tpu.dma_semaphore, #tpu.memory_space<semaphore_mem>> -> memref<1x!tpu.dma_semaphore, #tpu.memory_space<semaphore_mem>>
    %dma_wait3A_1732 = tpu.memref_squeeze %dma_wait3A_1731 : memref<1x!tpu.dma_semaphore, #tpu.memory_space<semaphore_mem>> -> memref<!tpu.dma_semaphore, #tpu.memory_space<semaphore_mem>>
    %dma_wait3A_1733 = arith.constant 0 : i32
    %dma_wait3A_1734 = arith.constant 0 : i32
    %dma_wait3A_1735 = tpu.memref_slice %arg6[%add3A_1722, %dma_wait3A_1733, %dma_wait3A_1734] : memref<256x605x128xf32, #tpu.memory_space<hbm>> -> memref<1x304x128xf32, #tpu.memory_space<hbm>>
    %dma_wait3A_1736 = tpu.memref_squeeze %dma_wait3A_1735 : memref<1x304x128xf32, #tpu.memory_space<hbm>> -> memref<304x128xf32, #tpu.memory_space<hbm>>
    %dma_wait3A_1737 = arith.constant 0 : i32
    %dma_wait3A_1738 = arith.constant 0 : i32
    %dma_wait3A_1739 = tpu.memref_slice %arg7[%dma_wait3A_1737, %dma_wait3A_1738] : memref<308x128xf32, #tpu.memory_space<vmem>> -> memref<304x128xf32, #tpu.memory_space<vmem>>
    tpu.wait_dma2 semaphore(%dma_wait3A_1732 : memref<!tpu.dma_semaphore, #tpu.memory_space<semaphore_mem>>) src(%dma_wait3A_1739 : memref<304x128xf32, #tpu.memory_space<vmem>>) dst(%dma_wait3A_1736 : memref<304x128xf32, #tpu.memory_space<hbm>>)
    %add3A_1740 = arith.constant 6 : i32
    %add3A_1741 = arith.addi %mul3A_2, %add3A_1740 : i32
    %dma_start3A_1742 = arith.constant 0 : i32
    %dma_start3A_1743 = arith.constant 2 : i32
    %dma_start3A_1744 = arith.constant 0 : i32
    %dma_start3A_1745 = tpu.memref_slice %arg7[%dma_start3A_1743, %dma_start3A_1744] : memref<308x128xf32, #tpu.memory_space<vmem>> -> memref<200x128xf32, #tpu.memory_space<vmem>>
    %dma_start3A_1746 = arith.constant 0 : i32
    %dma_start3A_1747 = arith.constant 0 : i32
    %dma_start3A_1748 = tpu.memref_slice %arg2[%add3A_1741, %dma_start3A_1746, %dma_start3A_1747] : memref<256x200x128xf32, #tpu.memory_space<hbm>> -> memref<1x200x128xf32, #tpu.memory_space<hbm>>
    %dma_start3A_1749 = tpu.memref_squeeze %dma_start3A_1748 : memref<1x200x128xf32, #tpu.memory_space<hbm>> -> memref<200x128xf32, #tpu.memory_space<hbm>>
    %dma_start3A_1750 = tpu.memref_slice %arg10[%dma_start3A_1742] : memref<4x!tpu.dma_semaphore, #tpu.memory_space<semaphore_mem>> -> memref<1x!tpu.dma_semaphore, #tpu.memory_space<semaphore_mem>>
    %dma_start3A_1751 = tpu.memref_squeeze %dma_start3A_1750 : memref<1x!tpu.dma_semaphore, #tpu.memory_space<semaphore_mem>> -> memref<!tpu.dma_semaphore, #tpu.memory_space<semaphore_mem>>
    %dma_start3A_1752 = arith.constant 2 : i32
    %dma_start3A_1753 = arith.constant 0 : i32
    %dma_start3A_1754 = tpu.memref_slice %arg7[%dma_start3A_1752, %dma_start3A_1753] : memref<308x128xf32, #tpu.memory_space<vmem>> -> memref<200x128xf32, #tpu.memory_space<vmem>>
    %dma_start3A_1755 = arith.constant 0 : i32
    %dma_start3A_1756 = arith.constant 0 : i32
    %dma_start3A_1757 = tpu.memref_slice %arg2[%add3A_1741, %dma_start3A_1755, %dma_start3A_1756] : memref<256x200x128xf32, #tpu.memory_space<hbm>> -> memref<1x200x128xf32, #tpu.memory_space<hbm>>
    %dma_start3A_1758 = tpu.memref_squeeze %dma_start3A_1757 : memref<1x200x128xf32, #tpu.memory_space<hbm>> -> memref<200x128xf32, #tpu.memory_space<hbm>>
    tpu.enqueue_dma source(%dma_start3A_1758 : memref<200x128xf32, #tpu.memory_space<hbm>>) target(%dma_start3A_1754 : memref<200x128xf32, #tpu.memory_space<vmem>>) target_semaphore(%dma_start3A_1751 : memref<!tpu.dma_semaphore, #tpu.memory_space<semaphore_mem>>)
    %dma_start3A_1759 = arith.constant 0 : i32
    %dma_start3A_1760 = arith.constant 203 : i32
    %dma_start3A_1761 = arith.constant 0 : i32
    %dma_start3A_1762 = tpu.memref_slice %arg7[%dma_start3A_1760, %dma_start3A_1761] : memref<308x128xf32, #tpu.memory_space<vmem>> -> memref<104x128xf32, #tpu.memory_space<vmem>>
    %dma_start3A_1763 = arith.constant 0 : i32
    %dma_start3A_1764 = arith.constant 0 : i32
    %dma_start3A_1765 = tpu.memref_slice %arg3[%add3A_1741, %dma_start3A_1763, %dma_start3A_1764] : memref<256x200x128xf32, #tpu.memory_space<hbm>> -> memref<1x104x128xf32, #tpu.memory_space<hbm>>
    %dma_start3A_1766 = tpu.memref_squeeze %dma_start3A_1765 : memref<1x104x128xf32, #tpu.memory_space<hbm>> -> memref<104x128xf32, #tpu.memory_space<hbm>>
    %dma_start3A_1767 = tpu.memref_slice %arg10[%dma_start3A_1759] : memref<4x!tpu.dma_semaphore, #tpu.memory_space<semaphore_mem>> -> memref<1x!tpu.dma_semaphore, #tpu.memory_space<semaphore_mem>>
    %dma_start3A_1768 = tpu.memref_squeeze %dma_start3A_1767 : memref<1x!tpu.dma_semaphore, #tpu.memory_space<semaphore_mem>> -> memref<!tpu.dma_semaphore, #tpu.memory_space<semaphore_mem>>
    %dma_start3A_1769 = arith.constant 203 : i32
    %dma_start3A_1770 = arith.constant 0 : i32
    %dma_start3A_1771 = tpu.memref_slice %arg7[%dma_start3A_1769, %dma_start3A_1770] : memref<308x128xf32, #tpu.memory_space<vmem>> -> memref<104x128xf32, #tpu.memory_space<vmem>>
    %dma_start3A_1772 = arith.constant 0 : i32
    %dma_start3A_1773 = arith.constant 0 : i32
    %dma_start3A_1774 = tpu.memref_slice %arg3[%add3A_1741, %dma_start3A_1772, %dma_start3A_1773] : memref<256x200x128xf32, #tpu.memory_space<hbm>> -> memref<1x104x128xf32, #tpu.memory_space<hbm>>
    %dma_start3A_1775 = tpu.memref_squeeze %dma_start3A_1774 : memref<1x104x128xf32, #tpu.memory_space<hbm>> -> memref<104x128xf32, #tpu.memory_space<hbm>>
    tpu.enqueue_dma source(%dma_start3A_1775 : memref<104x128xf32, #tpu.memory_space<hbm>>) target(%dma_start3A_1771 : memref<104x128xf32, #tpu.memory_space<vmem>>) target_semaphore(%dma_start3A_1768 : memref<!tpu.dma_semaphore, #tpu.memory_space<semaphore_mem>>)
    %add3A_1776 = arith.constant 5 : i32
    %add3A_1777 = arith.addi %mul3A_2, %add3A_1776 : i32
    %dma_wait3A_1778 = arith.constant 3 : i32
    %dma_wait3A_1779 = arith.constant 8 : i32
    %dma_wait3A_1780 = arith.constant 0 : i32
    %dma_wait3A_1781 = tpu.memref_slice %arg8[%dma_wait3A_1779, %dma_wait3A_1780] : memref<309x128xf32, #tpu.memory_space<vmem>> -> memref<301x128xf32, #tpu.memory_space<vmem>>
    %dma_wait3A_1782 = arith.constant 304 : i32
    %dma_wait3A_1783 = arith.constant 0 : i32
    %dma_wait3A_1784 = tpu.memref_slice %arg6[%add3A_1777, %dma_wait3A_1782, %dma_wait3A_1783] : memref<256x605x128xf32, #tpu.memory_space<hbm>> -> memref<1x301x128xf32, #tpu.memory_space<hbm>>
    %dma_wait3A_1785 = tpu.memref_squeeze %dma_wait3A_1784 : memref<1x301x128xf32, #tpu.memory_space<hbm>> -> memref<301x128xf32, #tpu.memory_space<hbm>>
    %dma_wait3A_1786 = tpu.memref_slice %arg10[%dma_wait3A_1778] : memref<4x!tpu.dma_semaphore, #tpu.memory_space<semaphore_mem>> -> memref<1x!tpu.dma_semaphore, #tpu.memory_space<semaphore_mem>>
    %dma_wait3A_1787 = tpu.memref_squeeze %dma_wait3A_1786 : memref<1x!tpu.dma_semaphore, #tpu.memory_space<semaphore_mem>> -> memref<!tpu.dma_semaphore, #tpu.memory_space<semaphore_mem>>
    %dma_wait3A_1788 = arith.constant 304 : i32
    %dma_wait3A_1789 = arith.constant 0 : i32
    %dma_wait3A_1790 = tpu.memref_slice %arg6[%add3A_1777, %dma_wait3A_1788, %dma_wait3A_1789] : memref<256x605x128xf32, #tpu.memory_space<hbm>> -> memref<1x301x128xf32, #tpu.memory_space<hbm>>
    %dma_wait3A_1791 = tpu.memref_squeeze %dma_wait3A_1790 : memref<1x301x128xf32, #tpu.memory_space<hbm>> -> memref<301x128xf32, #tpu.memory_space<hbm>>
    %dma_wait3A_1792 = arith.constant 8 : i32
    %dma_wait3A_1793 = arith.constant 0 : i32
    %dma_wait3A_1794 = tpu.memref_slice %arg8[%dma_wait3A_1792, %dma_wait3A_1793] : memref<309x128xf32, #tpu.memory_space<vmem>> -> memref<301x128xf32, #tpu.memory_space<vmem>>
    tpu.wait_dma2 semaphore(%dma_wait3A_1787 : memref<!tpu.dma_semaphore, #tpu.memory_space<semaphore_mem>>) src(%dma_wait3A_1794 : memref<301x128xf32, #tpu.memory_space<vmem>>) dst(%dma_wait3A_1791 : memref<301x128xf32, #tpu.memory_space<hbm>>)
    %add3A_1795 = arith.constant 6 : i32
    %add3A_1796 = arith.addi %mul3A_2, %add3A_1795 : i32
    %dma_start3A_1797 = arith.constant 1 : i32
    %dma_start3A_1798 = arith.constant 3 : i32
    %dma_start3A_1799 = arith.constant 0 : i32
    %dma_start3A_1800 = tpu.memref_slice %arg8[%dma_start3A_1798, %dma_start3A_1799] : memref<309x128xf32, #tpu.memory_space<vmem>> -> memref<104x128xf32, #tpu.memory_space<vmem>>
    %dma_start3A_1801 = arith.constant 96 : i32
    %dma_start3A_1802 = arith.constant 0 : i32
    %dma_start3A_1803 = tpu.memref_slice %arg3[%add3A_1796, %dma_start3A_1801, %dma_start3A_1802] : memref<256x200x128xf32, #tpu.memory_space<hbm>> -> memref<1x104x128xf32, #tpu.memory_space<hbm>>
    %dma_start3A_1804 = tpu.memref_squeeze %dma_start3A_1803 : memref<1x104x128xf32, #tpu.memory_space<hbm>> -> memref<104x128xf32, #tpu.memory_space<hbm>>
    %dma_start3A_1805 = tpu.memref_slice %arg10[%dma_start3A_1797] : memref<4x!tpu.dma_semaphore, #tpu.memory_space<semaphore_mem>> -> memref<1x!tpu.dma_semaphore, #tpu.memory_space<semaphore_mem>>
    %dma_start3A_1806 = tpu.memref_squeeze %dma_start3A_1805 : memref<1x!tpu.dma_semaphore, #tpu.memory_space<semaphore_mem>> -> memref<!tpu.dma_semaphore, #tpu.memory_space<semaphore_mem>>
    %dma_start3A_1807 = arith.constant 3 : i32
    %dma_start3A_1808 = arith.constant 0 : i32
    %dma_start3A_1809 = tpu.memref_slice %arg8[%dma_start3A_1807, %dma_start3A_1808] : memref<309x128xf32, #tpu.memory_space<vmem>> -> memref<104x128xf32, #tpu.memory_space<vmem>>
    %dma_start3A_1810 = arith.constant 96 : i32
    %dma_start3A_1811 = arith.constant 0 : i32
    %dma_start3A_1812 = tpu.memref_slice %arg3[%add3A_1796, %dma_start3A_1810, %dma_start3A_1811] : memref<256x200x128xf32, #tpu.memory_space<hbm>> -> memref<1x104x128xf32, #tpu.memory_space<hbm>>
    %dma_start3A_1813 = tpu.memref_squeeze %dma_start3A_1812 : memref<1x104x128xf32, #tpu.memory_space<hbm>> -> memref<104x128xf32, #tpu.memory_space<hbm>>
    tpu.enqueue_dma source(%dma_start3A_1813 : memref<104x128xf32, #tpu.memory_space<hbm>>) target(%dma_start3A_1809 : memref<104x128xf32, #tpu.memory_space<vmem>>) target_semaphore(%dma_start3A_1806 : memref<!tpu.dma_semaphore, #tpu.memory_space<semaphore_mem>>)
    %dma_start3A_1814 = arith.constant 1 : i32
    %dma_start3A_1815 = arith.constant 108 : i32
    %dma_start3A_1816 = arith.constant 0 : i32
    %dma_start3A_1817 = tpu.memref_slice %arg8[%dma_start3A_1815, %dma_start3A_1816] : memref<309x128xf32, #tpu.memory_space<vmem>> -> memref<200x128xf32, #tpu.memory_space<vmem>>
    %dma_start3A_1818 = arith.constant 0 : i32
    %dma_start3A_1819 = arith.constant 0 : i32
    %dma_start3A_1820 = tpu.memref_slice %arg4[%add3A_1796, %dma_start3A_1818, %dma_start3A_1819] : memref<256x200x128xf32, #tpu.memory_space<hbm>> -> memref<1x200x128xf32, #tpu.memory_space<hbm>>
    %dma_start3A_1821 = tpu.memref_squeeze %dma_start3A_1820 : memref<1x200x128xf32, #tpu.memory_space<hbm>> -> memref<200x128xf32, #tpu.memory_space<hbm>>
    %dma_start3A_1822 = tpu.memref_slice %arg10[%dma_start3A_1814] : memref<4x!tpu.dma_semaphore, #tpu.memory_space<semaphore_mem>> -> memref<1x!tpu.dma_semaphore, #tpu.memory_space<semaphore_mem>>
    %dma_start3A_1823 = tpu.memref_squeeze %dma_start3A_1822 : memref<1x!tpu.dma_semaphore, #tpu.memory_space<semaphore_mem>> -> memref<!tpu.dma_semaphore, #tpu.memory_space<semaphore_mem>>
    %dma_start3A_1824 = arith.constant 108 : i32
    %dma_start3A_1825 = arith.constant 0 : i32
    %dma_start3A_1826 = tpu.memref_slice %arg8[%dma_start3A_1824, %dma_start3A_1825] : memref<309x128xf32, #tpu.memory_space<vmem>> -> memref<200x128xf32, #tpu.memory_space<vmem>>
    %dma_start3A_1827 = arith.constant 0 : i32
    %dma_start3A_1828 = arith.constant 0 : i32
    %dma_start3A_1829 = tpu.memref_slice %arg4[%add3A_1796, %dma_start3A_1827, %dma_start3A_1828] : memref<256x200x128xf32, #tpu.memory_space<hbm>> -> memref<1x200x128xf32, #tpu.memory_space<hbm>>
    %dma_start3A_1830 = tpu.memref_squeeze %dma_start3A_1829 : memref<1x200x128xf32, #tpu.memory_space<hbm>> -> memref<200x128xf32, #tpu.memory_space<hbm>>
    tpu.enqueue_dma source(%dma_start3A_1830 : memref<200x128xf32, #tpu.memory_space<hbm>>) target(%dma_start3A_1826 : memref<200x128xf32, #tpu.memory_space<vmem>>) target_semaphore(%dma_start3A_1823 : memref<!tpu.dma_semaphore, #tpu.memory_space<semaphore_mem>>)
    %add3A_1831 = arith.constant 6 : i32
    %add3A_1832 = arith.addi %mul3A_2, %add3A_1831 : i32
    %dma_wait3A_1833 = arith.constant 0 : i32
    %dma_wait3A_1834 = arith.constant 2 : i32
    %dma_wait3A_1835 = arith.constant 0 : i32
    %dma_wait3A_1836 = tpu.memref_slice %arg7[%dma_wait3A_1834, %dma_wait3A_1835] : memref<308x128xf32, #tpu.memory_space<vmem>> -> memref<200x128xf32, #tpu.memory_space<vmem>>
    %dma_wait3A_1837 = arith.constant 0 : i32
    %dma_wait3A_1838 = arith.constant 0 : i32
    %dma_wait3A_1839 = tpu.memref_slice %arg2[%add3A_1832, %dma_wait3A_1837, %dma_wait3A_1838] : memref<256x200x128xf32, #tpu.memory_space<hbm>> -> memref<1x200x128xf32, #tpu.memory_space<hbm>>
    %dma_wait3A_1840 = tpu.memref_squeeze %dma_wait3A_1839 : memref<1x200x128xf32, #tpu.memory_space<hbm>> -> memref<200x128xf32, #tpu.memory_space<hbm>>
    %dma_wait3A_1841 = tpu.memref_slice %arg10[%dma_wait3A_1833] : memref<4x!tpu.dma_semaphore, #tpu.memory_space<semaphore_mem>> -> memref<1x!tpu.dma_semaphore, #tpu.memory_space<semaphore_mem>>
    %dma_wait3A_1842 = tpu.memref_squeeze %dma_wait3A_1841 : memref<1x!tpu.dma_semaphore, #tpu.memory_space<semaphore_mem>> -> memref<!tpu.dma_semaphore, #tpu.memory_space<semaphore_mem>>
    %dma_wait3A_1843 = arith.constant 2 : i32
    %dma_wait3A_1844 = arith.constant 0 : i32
    %dma_wait3A_1845 = tpu.memref_slice %arg7[%dma_wait3A_1843, %dma_wait3A_1844] : memref<308x128xf32, #tpu.memory_space<vmem>> -> memref<200x128xf32, #tpu.memory_space<vmem>>
    %dma_wait3A_1846 = arith.constant 0 : i32
    %dma_wait3A_1847 = arith.constant 0 : i32
    %dma_wait3A_1848 = tpu.memref_slice %arg2[%add3A_1832, %dma_wait3A_1846, %dma_wait3A_1847] : memref<256x200x128xf32, #tpu.memory_space<hbm>> -> memref<1x200x128xf32, #tpu.memory_space<hbm>>
    %dma_wait3A_1849 = tpu.memref_squeeze %dma_wait3A_1848 : memref<1x200x128xf32, #tpu.memory_space<hbm>> -> memref<200x128xf32, #tpu.memory_space<hbm>>
    tpu.wait_dma2 semaphore(%dma_wait3A_1842 : memref<!tpu.dma_semaphore, #tpu.memory_space<semaphore_mem>>) src(%dma_wait3A_1849 : memref<200x128xf32, #tpu.memory_space<hbm>>) dst(%dma_wait3A_1845 : memref<200x128xf32, #tpu.memory_space<vmem>>)
    %dma_wait3A_1850 = arith.constant 0 : i32
    %dma_wait3A_1851 = arith.constant 203 : i32
    %dma_wait3A_1852 = arith.constant 0 : i32
    %dma_wait3A_1853 = tpu.memref_slice %arg7[%dma_wait3A_1851, %dma_wait3A_1852] : memref<308x128xf32, #tpu.memory_space<vmem>> -> memref<104x128xf32, #tpu.memory_space<vmem>>
    %dma_wait3A_1854 = arith.constant 0 : i32
    %dma_wait3A_1855 = arith.constant 0 : i32
    %dma_wait3A_1856 = tpu.memref_slice %arg3[%add3A_1832, %dma_wait3A_1854, %dma_wait3A_1855] : memref<256x200x128xf32, #tpu.memory_space<hbm>> -> memref<1x104x128xf32, #tpu.memory_space<hbm>>
    %dma_wait3A_1857 = tpu.memref_squeeze %dma_wait3A_1856 : memref<1x104x128xf32, #tpu.memory_space<hbm>> -> memref<104x128xf32, #tpu.memory_space<hbm>>
    %dma_wait3A_1858 = tpu.memref_slice %arg10[%dma_wait3A_1850] : memref<4x!tpu.dma_semaphore, #tpu.memory_space<semaphore_mem>> -> memref<1x!tpu.dma_semaphore, #tpu.memory_space<semaphore_mem>>
    %dma_wait3A_1859 = tpu.memref_squeeze %dma_wait3A_1858 : memref<1x!tpu.dma_semaphore, #tpu.memory_space<semaphore_mem>> -> memref<!tpu.dma_semaphore, #tpu.memory_space<semaphore_mem>>
    %dma_wait3A_1860 = arith.constant 203 : i32
    %dma_wait3A_1861 = arith.constant 0 : i32
    %dma_wait3A_1862 = tpu.memref_slice %arg7[%dma_wait3A_1860, %dma_wait3A_1861] : memref<308x128xf32, #tpu.memory_space<vmem>> -> memref<104x128xf32, #tpu.memory_space<vmem>>
    %dma_wait3A_1863 = arith.constant 0 : i32
    %dma_wait3A_1864 = arith.constant 0 : i32
    %dma_wait3A_1865 = tpu.memref_slice %arg3[%add3A_1832, %dma_wait3A_1863, %dma_wait3A_1864] : memref<256x200x128xf32, #tpu.memory_space<hbm>> -> memref<1x104x128xf32, #tpu.memory_space<hbm>>
    %dma_wait3A_1866 = tpu.memref_squeeze %dma_wait3A_1865 : memref<1x104x128xf32, #tpu.memory_space<hbm>> -> memref<104x128xf32, #tpu.memory_space<hbm>>
    tpu.wait_dma2 semaphore(%dma_wait3A_1859 : memref<!tpu.dma_semaphore, #tpu.memory_space<semaphore_mem>>) src(%dma_wait3A_1866 : memref<104x128xf32, #tpu.memory_space<hbm>>) dst(%dma_wait3A_1862 : memref<104x128xf32, #tpu.memory_space<vmem>>)
    %add3A_1867 = arith.constant 6 : i32
    %add3A_1868 = arith.addi %mul3A_2, %add3A_1867 : i32
    %dma_start3A_1869 = arith.constant 2 : i32
    %dma_start3A_1870 = arith.constant 0 : i32
    %dma_start3A_1871 = arith.constant 0 : i32
    %dma_start3A_1872 = tpu.memref_slice %arg7[%dma_start3A_1870, %dma_start3A_1871] : memref<308x128xf32, #tpu.memory_space<vmem>> -> memref<304x128xf32, #tpu.memory_space<vmem>>
    %dma_start3A_1873 = arith.constant 0 : i32
    %dma_start3A_1874 = arith.constant 0 : i32
    %dma_start3A_1875 = tpu.memref_slice %arg6[%add3A_1868, %dma_start3A_1873, %dma_start3A_1874] : memref<256x605x128xf32, #tpu.memory_space<hbm>> -> memref<1x304x128xf32, #tpu.memory_space<hbm>>
    %dma_start3A_1876 = tpu.memref_squeeze %dma_start3A_1875 : memref<1x304x128xf32, #tpu.memory_space<hbm>> -> memref<304x128xf32, #tpu.memory_space<hbm>>
    %dma_start3A_1877 = tpu.memref_slice %arg10[%dma_start3A_1869] : memref<4x!tpu.dma_semaphore, #tpu.memory_space<semaphore_mem>> -> memref<1x!tpu.dma_semaphore, #tpu.memory_space<semaphore_mem>>
    %dma_start3A_1878 = tpu.memref_squeeze %dma_start3A_1877 : memref<1x!tpu.dma_semaphore, #tpu.memory_space<semaphore_mem>> -> memref<!tpu.dma_semaphore, #tpu.memory_space<semaphore_mem>>
    %dma_start3A_1879 = arith.constant 0 : i32
    %dma_start3A_1880 = arith.constant 0 : i32
    %dma_start3A_1881 = tpu.memref_slice %arg6[%add3A_1868, %dma_start3A_1879, %dma_start3A_1880] : memref<256x605x128xf32, #tpu.memory_space<hbm>> -> memref<1x304x128xf32, #tpu.memory_space<hbm>>
    %dma_start3A_1882 = tpu.memref_squeeze %dma_start3A_1881 : memref<1x304x128xf32, #tpu.memory_space<hbm>> -> memref<304x128xf32, #tpu.memory_space<hbm>>
    %dma_start3A_1883 = arith.constant 0 : i32
    %dma_start3A_1884 = arith.constant 0 : i32
    %dma_start3A_1885 = tpu.memref_slice %arg7[%dma_start3A_1883, %dma_start3A_1884] : memref<308x128xf32, #tpu.memory_space<vmem>> -> memref<304x128xf32, #tpu.memory_space<vmem>>
    tpu.enqueue_dma source(%dma_start3A_1885 : memref<304x128xf32, #tpu.memory_space<vmem>>) target(%dma_start3A_1882 : memref<304x128xf32, #tpu.memory_space<hbm>>) target_semaphore(%dma_start3A_1878 : memref<!tpu.dma_semaphore, #tpu.memory_space<semaphore_mem>>)
    %add3A_1886 = arith.constant 6 : i32
    %add3A_1887 = arith.addi %mul3A_2, %add3A_1886 : i32
    %dma_wait3A_1888 = arith.constant 1 : i32
    %dma_wait3A_1889 = arith.constant 3 : i32
    %dma_wait3A_1890 = arith.constant 0 : i32
    %dma_wait3A_1891 = tpu.memref_slice %arg8[%dma_wait3A_1889, %dma_wait3A_1890] : memref<309x128xf32, #tpu.memory_space<vmem>> -> memref<104x128xf32, #tpu.memory_space<vmem>>
    %dma_wait3A_1892 = arith.constant 96 : i32
    %dma_wait3A_1893 = arith.constant 0 : i32
    %dma_wait3A_1894 = tpu.memref_slice %arg3[%add3A_1887, %dma_wait3A_1892, %dma_wait3A_1893] : memref<256x200x128xf32, #tpu.memory_space<hbm>> -> memref<1x104x128xf32, #tpu.memory_space<hbm>>
    %dma_wait3A_1895 = tpu.memref_squeeze %dma_wait3A_1894 : memref<1x104x128xf32, #tpu.memory_space<hbm>> -> memref<104x128xf32, #tpu.memory_space<hbm>>
    %dma_wait3A_1896 = tpu.memref_slice %arg10[%dma_wait3A_1888] : memref<4x!tpu.dma_semaphore, #tpu.memory_space<semaphore_mem>> -> memref<1x!tpu.dma_semaphore, #tpu.memory_space<semaphore_mem>>
    %dma_wait3A_1897 = tpu.memref_squeeze %dma_wait3A_1896 : memref<1x!tpu.dma_semaphore, #tpu.memory_space<semaphore_mem>> -> memref<!tpu.dma_semaphore, #tpu.memory_space<semaphore_mem>>
    %dma_wait3A_1898 = arith.constant 3 : i32
    %dma_wait3A_1899 = arith.constant 0 : i32
    %dma_wait3A_1900 = tpu.memref_slice %arg8[%dma_wait3A_1898, %dma_wait3A_1899] : memref<309x128xf32, #tpu.memory_space<vmem>> -> memref<104x128xf32, #tpu.memory_space<vmem>>
    %dma_wait3A_1901 = arith.constant 96 : i32
    %dma_wait3A_1902 = arith.constant 0 : i32
    %dma_wait3A_1903 = tpu.memref_slice %arg3[%add3A_1887, %dma_wait3A_1901, %dma_wait3A_1902] : memref<256x200x128xf32, #tpu.memory_space<hbm>> -> memref<1x104x128xf32, #tpu.memory_space<hbm>>
    %dma_wait3A_1904 = tpu.memref_squeeze %dma_wait3A_1903 : memref<1x104x128xf32, #tpu.memory_space<hbm>> -> memref<104x128xf32, #tpu.memory_space<hbm>>
    tpu.wait_dma2 semaphore(%dma_wait3A_1897 : memref<!tpu.dma_semaphore, #tpu.memory_space<semaphore_mem>>) src(%dma_wait3A_1904 : memref<104x128xf32, #tpu.memory_space<hbm>>) dst(%dma_wait3A_1900 : memref<104x128xf32, #tpu.memory_space<vmem>>)
    %dma_wait3A_1905 = arith.constant 1 : i32
    %dma_wait3A_1906 = arith.constant 108 : i32
    %dma_wait3A_1907 = arith.constant 0 : i32
    %dma_wait3A_1908 = tpu.memref_slice %arg8[%dma_wait3A_1906, %dma_wait3A_1907] : memref<309x128xf32, #tpu.memory_space<vmem>> -> memref<200x128xf32, #tpu.memory_space<vmem>>
    %dma_wait3A_1909 = arith.constant 0 : i32
    %dma_wait3A_1910 = arith.constant 0 : i32
    %dma_wait3A_1911 = tpu.memref_slice %arg4[%add3A_1887, %dma_wait3A_1909, %dma_wait3A_1910] : memref<256x200x128xf32, #tpu.memory_space<hbm>> -> memref<1x200x128xf32, #tpu.memory_space<hbm>>
    %dma_wait3A_1912 = tpu.memref_squeeze %dma_wait3A_1911 : memref<1x200x128xf32, #tpu.memory_space<hbm>> -> memref<200x128xf32, #tpu.memory_space<hbm>>
    %dma_wait3A_1913 = tpu.memref_slice %arg10[%dma_wait3A_1905] : memref<4x!tpu.dma_semaphore, #tpu.memory_space<semaphore_mem>> -> memref<1x!tpu.dma_semaphore, #tpu.memory_space<semaphore_mem>>
    %dma_wait3A_1914 = tpu.memref_squeeze %dma_wait3A_1913 : memref<1x!tpu.dma_semaphore, #tpu.memory_space<semaphore_mem>> -> memref<!tpu.dma_semaphore, #tpu.memory_space<semaphore_mem>>
    %dma_wait3A_1915 = arith.constant 108 : i32
    %dma_wait3A_1916 = arith.constant 0 : i32
    %dma_wait3A_1917 = tpu.memref_slice %arg8[%dma_wait3A_1915, %dma_wait3A_1916] : memref<309x128xf32, #tpu.memory_space<vmem>> -> memref<200x128xf32, #tpu.memory_space<vmem>>
    %dma_wait3A_1918 = arith.constant 0 : i32
    %dma_wait3A_1919 = arith.constant 0 : i32
    %dma_wait3A_1920 = tpu.memref_slice %arg4[%add3A_1887, %dma_wait3A_1918, %dma_wait3A_1919] : memref<256x200x128xf32, #tpu.memory_space<hbm>> -> memref<1x200x128xf32, #tpu.memory_space<hbm>>
    %dma_wait3A_1921 = tpu.memref_squeeze %dma_wait3A_1920 : memref<1x200x128xf32, #tpu.memory_space<hbm>> -> memref<200x128xf32, #tpu.memory_space<hbm>>
    tpu.wait_dma2 semaphore(%dma_wait3A_1914 : memref<!tpu.dma_semaphore, #tpu.memory_space<semaphore_mem>>) src(%dma_wait3A_1921 : memref<200x128xf32, #tpu.memory_space<hbm>>) dst(%dma_wait3A_1917 : memref<200x128xf32, #tpu.memory_space<vmem>>)
    %add3A_1922 = arith.constant 6 : i32
    %add3A_1923 = arith.addi %mul3A_2, %add3A_1922 : i32
    %dma_start3A_1924 = arith.constant 3 : i32
    %dma_start3A_1925 = arith.constant 8 : i32
    %dma_start3A_1926 = arith.constant 0 : i32
    %dma_start3A_1927 = tpu.memref_slice %arg8[%dma_start3A_1925, %dma_start3A_1926] : memref<309x128xf32, #tpu.memory_space<vmem>> -> memref<301x128xf32, #tpu.memory_space<vmem>>
    %dma_start3A_1928 = arith.constant 304 : i32
    %dma_start3A_1929 = arith.constant 0 : i32
    %dma_start3A_1930 = tpu.memref_slice %arg6[%add3A_1923, %dma_start3A_1928, %dma_start3A_1929] : memref<256x605x128xf32, #tpu.memory_space<hbm>> -> memref<1x301x128xf32, #tpu.memory_space<hbm>>
    %dma_start3A_1931 = tpu.memref_squeeze %dma_start3A_1930 : memref<1x301x128xf32, #tpu.memory_space<hbm>> -> memref<301x128xf32, #tpu.memory_space<hbm>>
    %dma_start3A_1932 = tpu.memref_slice %arg10[%dma_start3A_1924] : memref<4x!tpu.dma_semaphore, #tpu.memory_space<semaphore_mem>> -> memref<1x!tpu.dma_semaphore, #tpu.memory_space<semaphore_mem>>
    %dma_start3A_1933 = tpu.memref_squeeze %dma_start3A_1932 : memref<1x!tpu.dma_semaphore, #tpu.memory_space<semaphore_mem>> -> memref<!tpu.dma_semaphore, #tpu.memory_space<semaphore_mem>>
    %dma_start3A_1934 = arith.constant 304 : i32
    %dma_start3A_1935 = arith.constant 0 : i32
    %dma_start3A_1936 = tpu.memref_slice %arg6[%add3A_1923, %dma_start3A_1934, %dma_start3A_1935] : memref<256x605x128xf32, #tpu.memory_space<hbm>> -> memref<1x301x128xf32, #tpu.memory_space<hbm>>
    %dma_start3A_1937 = tpu.memref_squeeze %dma_start3A_1936 : memref<1x301x128xf32, #tpu.memory_space<hbm>> -> memref<301x128xf32, #tpu.memory_space<hbm>>
    %dma_start3A_1938 = arith.constant 8 : i32
    %dma_start3A_1939 = arith.constant 0 : i32
    %dma_start3A_1940 = tpu.memref_slice %arg8[%dma_start3A_1938, %dma_start3A_1939] : memref<309x128xf32, #tpu.memory_space<vmem>> -> memref<301x128xf32, #tpu.memory_space<vmem>>
    tpu.enqueue_dma source(%dma_start3A_1940 : memref<301x128xf32, #tpu.memory_space<vmem>>) target(%dma_start3A_1937 : memref<301x128xf32, #tpu.memory_space<hbm>>) target_semaphore(%dma_start3A_1933 : memref<!tpu.dma_semaphore, #tpu.memory_space<semaphore_mem>>)
    %add3A_1941 = arith.constant 6 : i32
    %add3A_1942 = arith.addi %mul3A_2, %add3A_1941 : i32
    %dma_wait3A_1943 = arith.constant 2 : i32
    %dma_wait3A_1944 = arith.constant 0 : i32
    %dma_wait3A_1945 = arith.constant 0 : i32
    %dma_wait3A_1946 = tpu.memref_slice %arg7[%dma_wait3A_1944, %dma_wait3A_1945] : memref<308x128xf32, #tpu.memory_space<vmem>> -> memref<304x128xf32, #tpu.memory_space<vmem>>
    %dma_wait3A_1947 = arith.constant 0 : i32
    %dma_wait3A_1948 = arith.constant 0 : i32
    %dma_wait3A_1949 = tpu.memref_slice %arg6[%add3A_1942, %dma_wait3A_1947, %dma_wait3A_1948] : memref<256x605x128xf32, #tpu.memory_space<hbm>> -> memref<1x304x128xf32, #tpu.memory_space<hbm>>
    %dma_wait3A_1950 = tpu.memref_squeeze %dma_wait3A_1949 : memref<1x304x128xf32, #tpu.memory_space<hbm>> -> memref<304x128xf32, #tpu.memory_space<hbm>>
    %dma_wait3A_1951 = tpu.memref_slice %arg10[%dma_wait3A_1943] : memref<4x!tpu.dma_semaphore, #tpu.memory_space<semaphore_mem>> -> memref<1x!tpu.dma_semaphore, #tpu.memory_space<semaphore_mem>>
    %dma_wait3A_1952 = tpu.memref_squeeze %dma_wait3A_1951 : memref<1x!tpu.dma_semaphore, #tpu.memory_space<semaphore_mem>> -> memref<!tpu.dma_semaphore, #tpu.memory_space<semaphore_mem>>
    %dma_wait3A_1953 = arith.constant 0 : i32
    %dma_wait3A_1954 = arith.constant 0 : i32
    %dma_wait3A_1955 = tpu.memref_slice %arg6[%add3A_1942, %dma_wait3A_1953, %dma_wait3A_1954] : memref<256x605x128xf32, #tpu.memory_space<hbm>> -> memref<1x304x128xf32, #tpu.memory_space<hbm>>
    %dma_wait3A_1956 = tpu.memref_squeeze %dma_wait3A_1955 : memref<1x304x128xf32, #tpu.memory_space<hbm>> -> memref<304x128xf32, #tpu.memory_space<hbm>>
    %dma_wait3A_1957 = arith.constant 0 : i32
    %dma_wait3A_1958 = arith.constant 0 : i32
    %dma_wait3A_1959 = tpu.memref_slice %arg7[%dma_wait3A_1957, %dma_wait3A_1958] : memref<308x128xf32, #tpu.memory_space<vmem>> -> memref<304x128xf32, #tpu.memory_space<vmem>>
    tpu.wait_dma2 semaphore(%dma_wait3A_1952 : memref<!tpu.dma_semaphore, #tpu.memory_space<semaphore_mem>>) src(%dma_wait3A_1959 : memref<304x128xf32, #tpu.memory_space<vmem>>) dst(%dma_wait3A_1956 : memref<304x128xf32, #tpu.memory_space<hbm>>)
    %add3A_1960 = arith.constant 7 : i32
    %add3A_1961 = arith.addi %mul3A_2, %add3A_1960 : i32
    %dma_start3A_1962 = arith.constant 0 : i32
    %dma_start3A_1963 = arith.constant 2 : i32
    %dma_start3A_1964 = arith.constant 0 : i32
    %dma_start3A_1965 = tpu.memref_slice %arg7[%dma_start3A_1963, %dma_start3A_1964] : memref<308x128xf32, #tpu.memory_space<vmem>> -> memref<200x128xf32, #tpu.memory_space<vmem>>
    %dma_start3A_1966 = arith.constant 0 : i32
    %dma_start3A_1967 = arith.constant 0 : i32
    %dma_start3A_1968 = tpu.memref_slice %arg2[%add3A_1961, %dma_start3A_1966, %dma_start3A_1967] : memref<256x200x128xf32, #tpu.memory_space<hbm>> -> memref<1x200x128xf32, #tpu.memory_space<hbm>>
    %dma_start3A_1969 = tpu.memref_squeeze %dma_start3A_1968 : memref<1x200x128xf32, #tpu.memory_space<hbm>> -> memref<200x128xf32, #tpu.memory_space<hbm>>
    %dma_start3A_1970 = tpu.memref_slice %arg10[%dma_start3A_1962] : memref<4x!tpu.dma_semaphore, #tpu.memory_space<semaphore_mem>> -> memref<1x!tpu.dma_semaphore, #tpu.memory_space<semaphore_mem>>
    %dma_start3A_1971 = tpu.memref_squeeze %dma_start3A_1970 : memref<1x!tpu.dma_semaphore, #tpu.memory_space<semaphore_mem>> -> memref<!tpu.dma_semaphore, #tpu.memory_space<semaphore_mem>>
    %dma_start3A_1972 = arith.constant 2 : i32
    %dma_start3A_1973 = arith.constant 0 : i32
    %dma_start3A_1974 = tpu.memref_slice %arg7[%dma_start3A_1972, %dma_start3A_1973] : memref<308x128xf32, #tpu.memory_space<vmem>> -> memref<200x128xf32, #tpu.memory_space<vmem>>
    %dma_start3A_1975 = arith.constant 0 : i32
    %dma_start3A_1976 = arith.constant 0 : i32
    %dma_start3A_1977 = tpu.memref_slice %arg2[%add3A_1961, %dma_start3A_1975, %dma_start3A_1976] : memref<256x200x128xf32, #tpu.memory_space<hbm>> -> memref<1x200x128xf32, #tpu.memory_space<hbm>>
    %dma_start3A_1978 = tpu.memref_squeeze %dma_start3A_1977 : memref<1x200x128xf32, #tpu.memory_space<hbm>> -> memref<200x128xf32, #tpu.memory_space<hbm>>
    tpu.enqueue_dma source(%dma_start3A_1978 : memref<200x128xf32, #tpu.memory_space<hbm>>) target(%dma_start3A_1974 : memref<200x128xf32, #tpu.memory_space<vmem>>) target_semaphore(%dma_start3A_1971 : memref<!tpu.dma_semaphore, #tpu.memory_space<semaphore_mem>>)
    %dma_start3A_1979 = arith.constant 0 : i32
    %dma_start3A_1980 = arith.constant 203 : i32
    %dma_start3A_1981 = arith.constant 0 : i32
    %dma_start3A_1982 = tpu.memref_slice %arg7[%dma_start3A_1980, %dma_start3A_1981] : memref<308x128xf32, #tpu.memory_space<vmem>> -> memref<104x128xf32, #tpu.memory_space<vmem>>
    %dma_start3A_1983 = arith.constant 0 : i32
    %dma_start3A_1984 = arith.constant 0 : i32
    %dma_start3A_1985 = tpu.memref_slice %arg3[%add3A_1961, %dma_start3A_1983, %dma_start3A_1984] : memref<256x200x128xf32, #tpu.memory_space<hbm>> -> memref<1x104x128xf32, #tpu.memory_space<hbm>>
    %dma_start3A_1986 = tpu.memref_squeeze %dma_start3A_1985 : memref<1x104x128xf32, #tpu.memory_space<hbm>> -> memref<104x128xf32, #tpu.memory_space<hbm>>
    %dma_start3A_1987 = tpu.memref_slice %arg10[%dma_start3A_1979] : memref<4x!tpu.dma_semaphore, #tpu.memory_space<semaphore_mem>> -> memref<1x!tpu.dma_semaphore, #tpu.memory_space<semaphore_mem>>
    %dma_start3A_1988 = tpu.memref_squeeze %dma_start3A_1987 : memref<1x!tpu.dma_semaphore, #tpu.memory_space<semaphore_mem>> -> memref<!tpu.dma_semaphore, #tpu.memory_space<semaphore_mem>>
    %dma_start3A_1989 = arith.constant 203 : i32
    %dma_start3A_1990 = arith.constant 0 : i32
    %dma_start3A_1991 = tpu.memref_slice %arg7[%dma_start3A_1989, %dma_start3A_1990] : memref<308x128xf32, #tpu.memory_space<vmem>> -> memref<104x128xf32, #tpu.memory_space<vmem>>
    %dma_start3A_1992 = arith.constant 0 : i32
    %dma_start3A_1993 = arith.constant 0 : i32
    %dma_start3A_1994 = tpu.memref_slice %arg3[%add3A_1961, %dma_start3A_1992, %dma_start3A_1993] : memref<256x200x128xf32, #tpu.memory_space<hbm>> -> memref<1x104x128xf32, #tpu.memory_space<hbm>>
    %dma_start3A_1995 = tpu.memref_squeeze %dma_start3A_1994 : memref<1x104x128xf32, #tpu.memory_space<hbm>> -> memref<104x128xf32, #tpu.memory_space<hbm>>
    tpu.enqueue_dma source(%dma_start3A_1995 : memref<104x128xf32, #tpu.memory_space<hbm>>) target(%dma_start3A_1991 : memref<104x128xf32, #tpu.memory_space<vmem>>) target_semaphore(%dma_start3A_1988 : memref<!tpu.dma_semaphore, #tpu.memory_space<semaphore_mem>>)
    %add3A_1996 = arith.constant 6 : i32
    %add3A_1997 = arith.addi %mul3A_2, %add3A_1996 : i32
    %dma_wait3A_1998 = arith.constant 3 : i32
    %dma_wait3A_1999 = arith.constant 8 : i32
    %dma_wait3A_2000 = arith.constant 0 : i32
    %dma_wait3A_2001 = tpu.memref_slice %arg8[%dma_wait3A_1999, %dma_wait3A_2000] : memref<309x128xf32, #tpu.memory_space<vmem>> -> memref<301x128xf32, #tpu.memory_space<vmem>>
    %dma_wait3A_2002 = arith.constant 304 : i32
    %dma_wait3A_2003 = arith.constant 0 : i32
    %dma_wait3A_2004 = tpu.memref_slice %arg6[%add3A_1997, %dma_wait3A_2002, %dma_wait3A_2003] : memref<256x605x128xf32, #tpu.memory_space<hbm>> -> memref<1x301x128xf32, #tpu.memory_space<hbm>>
    %dma_wait3A_2005 = tpu.memref_squeeze %dma_wait3A_2004 : memref<1x301x128xf32, #tpu.memory_space<hbm>> -> memref<301x128xf32, #tpu.memory_space<hbm>>
    %dma_wait3A_2006 = tpu.memref_slice %arg10[%dma_wait3A_1998] : memref<4x!tpu.dma_semaphore, #tpu.memory_space<semaphore_mem>> -> memref<1x!tpu.dma_semaphore, #tpu.memory_space<semaphore_mem>>
    %dma_wait3A_2007 = tpu.memref_squeeze %dma_wait3A_2006 : memref<1x!tpu.dma_semaphore, #tpu.memory_space<semaphore_mem>> -> memref<!tpu.dma_semaphore, #tpu.memory_space<semaphore_mem>>
    %dma_wait3A_2008 = arith.constant 304 : i32
    %dma_wait3A_2009 = arith.constant 0 : i32
    %dma_wait3A_2010 = tpu.memref_slice %arg6[%add3A_1997, %dma_wait3A_2008, %dma_wait3A_2009] : memref<256x605x128xf32, #tpu.memory_space<hbm>> -> memref<1x301x128xf32, #tpu.memory_space<hbm>>
    %dma_wait3A_2011 = tpu.memref_squeeze %dma_wait3A_2010 : memref<1x301x128xf32, #tpu.memory_space<hbm>> -> memref<301x128xf32, #tpu.memory_space<hbm>>
    %dma_wait3A_2012 = arith.constant 8 : i32
    %dma_wait3A_2013 = arith.constant 0 : i32
    %dma_wait3A_2014 = tpu.memref_slice %arg8[%dma_wait3A_2012, %dma_wait3A_2013] : memref<309x128xf32, #tpu.memory_space<vmem>> -> memref<301x128xf32, #tpu.memory_space<vmem>>
    tpu.wait_dma2 semaphore(%dma_wait3A_2007 : memref<!tpu.dma_semaphore, #tpu.memory_space<semaphore_mem>>) src(%dma_wait3A_2014 : memref<301x128xf32, #tpu.memory_space<vmem>>) dst(%dma_wait3A_2011 : memref<301x128xf32, #tpu.memory_space<hbm>>)
    %add3A_2015 = arith.constant 7 : i32
    %add3A_2016 = arith.addi %mul3A_2, %add3A_2015 : i32
    %dma_start3A_2017 = arith.constant 1 : i32
    %dma_start3A_2018 = arith.constant 3 : i32
    %dma_start3A_2019 = arith.constant 0 : i32
    %dma_start3A_2020 = tpu.memref_slice %arg8[%dma_start3A_2018, %dma_start3A_2019] : memref<309x128xf32, #tpu.memory_space<vmem>> -> memref<104x128xf32, #tpu.memory_space<vmem>>
    %dma_start3A_2021 = arith.constant 96 : i32
    %dma_start3A_2022 = arith.constant 0 : i32
    %dma_start3A_2023 = tpu.memref_slice %arg3[%add3A_2016, %dma_start3A_2021, %dma_start3A_2022] : memref<256x200x128xf32, #tpu.memory_space<hbm>> -> memref<1x104x128xf32, #tpu.memory_space<hbm>>
    %dma_start3A_2024 = tpu.memref_squeeze %dma_start3A_2023 : memref<1x104x128xf32, #tpu.memory_space<hbm>> -> memref<104x128xf32, #tpu.memory_space<hbm>>
    %dma_start3A_2025 = tpu.memref_slice %arg10[%dma_start3A_2017] : memref<4x!tpu.dma_semaphore, #tpu.memory_space<semaphore_mem>> -> memref<1x!tpu.dma_semaphore, #tpu.memory_space<semaphore_mem>>
    %dma_start3A_2026 = tpu.memref_squeeze %dma_start3A_2025 : memref<1x!tpu.dma_semaphore, #tpu.memory_space<semaphore_mem>> -> memref<!tpu.dma_semaphore, #tpu.memory_space<semaphore_mem>>
    %dma_start3A_2027 = arith.constant 3 : i32
    %dma_start3A_2028 = arith.constant 0 : i32
    %dma_start3A_2029 = tpu.memref_slice %arg8[%dma_start3A_2027, %dma_start3A_2028] : memref<309x128xf32, #tpu.memory_space<vmem>> -> memref<104x128xf32, #tpu.memory_space<vmem>>
    %dma_start3A_2030 = arith.constant 96 : i32
    %dma_start3A_2031 = arith.constant 0 : i32
    %dma_start3A_2032 = tpu.memref_slice %arg3[%add3A_2016, %dma_start3A_2030, %dma_start3A_2031] : memref<256x200x128xf32, #tpu.memory_space<hbm>> -> memref<1x104x128xf32, #tpu.memory_space<hbm>>
    %dma_start3A_2033 = tpu.memref_squeeze %dma_start3A_2032 : memref<1x104x128xf32, #tpu.memory_space<hbm>> -> memref<104x128xf32, #tpu.memory_space<hbm>>
    tpu.enqueue_dma source(%dma_start3A_2033 : memref<104x128xf32, #tpu.memory_space<hbm>>) target(%dma_start3A_2029 : memref<104x128xf32, #tpu.memory_space<vmem>>) target_semaphore(%dma_start3A_2026 : memref<!tpu.dma_semaphore, #tpu.memory_space<semaphore_mem>>)
    %dma_start3A_2034 = arith.constant 1 : i32
    %dma_start3A_2035 = arith.constant 108 : i32
    %dma_start3A_2036 = arith.constant 0 : i32
    %dma_start3A_2037 = tpu.memref_slice %arg8[%dma_start3A_2035, %dma_start3A_2036] : memref<309x128xf32, #tpu.memory_space<vmem>> -> memref<200x128xf32, #tpu.memory_space<vmem>>
    %dma_start3A_2038 = arith.constant 0 : i32
    %dma_start3A_2039 = arith.constant 0 : i32
    %dma_start3A_2040 = tpu.memref_slice %arg4[%add3A_2016, %dma_start3A_2038, %dma_start3A_2039] : memref<256x200x128xf32, #tpu.memory_space<hbm>> -> memref<1x200x128xf32, #tpu.memory_space<hbm>>
    %dma_start3A_2041 = tpu.memref_squeeze %dma_start3A_2040 : memref<1x200x128xf32, #tpu.memory_space<hbm>> -> memref<200x128xf32, #tpu.memory_space<hbm>>
    %dma_start3A_2042 = tpu.memref_slice %arg10[%dma_start3A_2034] : memref<4x!tpu.dma_semaphore, #tpu.memory_space<semaphore_mem>> -> memref<1x!tpu.dma_semaphore, #tpu.memory_space<semaphore_mem>>
    %dma_start3A_2043 = tpu.memref_squeeze %dma_start3A_2042 : memref<1x!tpu.dma_semaphore, #tpu.memory_space<semaphore_mem>> -> memref<!tpu.dma_semaphore, #tpu.memory_space<semaphore_mem>>
    %dma_start3A_2044 = arith.constant 108 : i32
    %dma_start3A_2045 = arith.constant 0 : i32
    %dma_start3A_2046 = tpu.memref_slice %arg8[%dma_start3A_2044, %dma_start3A_2045] : memref<309x128xf32, #tpu.memory_space<vmem>> -> memref<200x128xf32, #tpu.memory_space<vmem>>
    %dma_start3A_2047 = arith.constant 0 : i32
    %dma_start3A_2048 = arith.constant 0 : i32
    %dma_start3A_2049 = tpu.memref_slice %arg4[%add3A_2016, %dma_start3A_2047, %dma_start3A_2048] : memref<256x200x128xf32, #tpu.memory_space<hbm>> -> memref<1x200x128xf32, #tpu.memory_space<hbm>>
    %dma_start3A_2050 = tpu.memref_squeeze %dma_start3A_2049 : memref<1x200x128xf32, #tpu.memory_space<hbm>> -> memref<200x128xf32, #tpu.memory_space<hbm>>
    tpu.enqueue_dma source(%dma_start3A_2050 : memref<200x128xf32, #tpu.memory_space<hbm>>) target(%dma_start3A_2046 : memref<200x128xf32, #tpu.memory_space<vmem>>) target_semaphore(%dma_start3A_2043 : memref<!tpu.dma_semaphore, #tpu.memory_space<semaphore_mem>>)
    %add3A_2051 = arith.constant 7 : i32
    %add3A_2052 = arith.addi %mul3A_2, %add3A_2051 : i32
    %dma_wait3A_2053 = arith.constant 0 : i32
    %dma_wait3A_2054 = arith.constant 2 : i32
    %dma_wait3A_2055 = arith.constant 0 : i32
    %dma_wait3A_2056 = tpu.memref_slice %arg7[%dma_wait3A_2054, %dma_wait3A_2055] : memref<308x128xf32, #tpu.memory_space<vmem>> -> memref<200x128xf32, #tpu.memory_space<vmem>>
    %dma_wait3A_2057 = arith.constant 0 : i32
    %dma_wait3A_2058 = arith.constant 0 : i32
    %dma_wait3A_2059 = tpu.memref_slice %arg2[%add3A_2052, %dma_wait3A_2057, %dma_wait3A_2058] : memref<256x200x128xf32, #tpu.memory_space<hbm>> -> memref<1x200x128xf32, #tpu.memory_space<hbm>>
    %dma_wait3A_2060 = tpu.memref_squeeze %dma_wait3A_2059 : memref<1x200x128xf32, #tpu.memory_space<hbm>> -> memref<200x128xf32, #tpu.memory_space<hbm>>
    %dma_wait3A_2061 = tpu.memref_slice %arg10[%dma_wait3A_2053] : memref<4x!tpu.dma_semaphore, #tpu.memory_space<semaphore_mem>> -> memref<1x!tpu.dma_semaphore, #tpu.memory_space<semaphore_mem>>
    %dma_wait3A_2062 = tpu.memref_squeeze %dma_wait3A_2061 : memref<1x!tpu.dma_semaphore, #tpu.memory_space<semaphore_mem>> -> memref<!tpu.dma_semaphore, #tpu.memory_space<semaphore_mem>>
    %dma_wait3A_2063 = arith.constant 2 : i32
    %dma_wait3A_2064 = arith.constant 0 : i32
    %dma_wait3A_2065 = tpu.memref_slice %arg7[%dma_wait3A_2063, %dma_wait3A_2064] : memref<308x128xf32, #tpu.memory_space<vmem>> -> memref<200x128xf32, #tpu.memory_space<vmem>>
    %dma_wait3A_2066 = arith.constant 0 : i32
    %dma_wait3A_2067 = arith.constant 0 : i32
    %dma_wait3A_2068 = tpu.memref_slice %arg2[%add3A_2052, %dma_wait3A_2066, %dma_wait3A_2067] : memref<256x200x128xf32, #tpu.memory_space<hbm>> -> memref<1x200x128xf32, #tpu.memory_space<hbm>>
    %dma_wait3A_2069 = tpu.memref_squeeze %dma_wait3A_2068 : memref<1x200x128xf32, #tpu.memory_space<hbm>> -> memref<200x128xf32, #tpu.memory_space<hbm>>
    tpu.wait_dma2 semaphore(%dma_wait3A_2062 : memref<!tpu.dma_semaphore, #tpu.memory_space<semaphore_mem>>) src(%dma_wait3A_2069 : memref<200x128xf32, #tpu.memory_space<hbm>>) dst(%dma_wait3A_2065 : memref<200x128xf32, #tpu.memory_space<vmem>>)
    %dma_wait3A_2070 = arith.constant 0 : i32
    %dma_wait3A_2071 = arith.constant 203 : i32
    %dma_wait3A_2072 = arith.constant 0 : i32
    %dma_wait3A_2073 = tpu.memref_slice %arg7[%dma_wait3A_2071, %dma_wait3A_2072] : memref<308x128xf32, #tpu.memory_space<vmem>> -> memref<104x128xf32, #tpu.memory_space<vmem>>
    %dma_wait3A_2074 = arith.constant 0 : i32
    %dma_wait3A_2075 = arith.constant 0 : i32
    %dma_wait3A_2076 = tpu.memref_slice %arg3[%add3A_2052, %dma_wait3A_2074, %dma_wait3A_2075] : memref<256x200x128xf32, #tpu.memory_space<hbm>> -> memref<1x104x128xf32, #tpu.memory_space<hbm>>
    %dma_wait3A_2077 = tpu.memref_squeeze %dma_wait3A_2076 : memref<1x104x128xf32, #tpu.memory_space<hbm>> -> memref<104x128xf32, #tpu.memory_space<hbm>>
    %dma_wait3A_2078 = tpu.memref_slice %arg10[%dma_wait3A_2070] : memref<4x!tpu.dma_semaphore, #tpu.memory_space<semaphore_mem>> -> memref<1x!tpu.dma_semaphore, #tpu.memory_space<semaphore_mem>>
    %dma_wait3A_2079 = tpu.memref_squeeze %dma_wait3A_2078 : memref<1x!tpu.dma_semaphore, #tpu.memory_space<semaphore_mem>> -> memref<!tpu.dma_semaphore, #tpu.memory_space<semaphore_mem>>
    %dma_wait3A_2080 = arith.constant 203 : i32
    %dma_wait3A_2081 = arith.constant 0 : i32
    %dma_wait3A_2082 = tpu.memref_slice %arg7[%dma_wait3A_2080, %dma_wait3A_2081] : memref<308x128xf32, #tpu.memory_space<vmem>> -> memref<104x128xf32, #tpu.memory_space<vmem>>
    %dma_wait3A_2083 = arith.constant 0 : i32
    %dma_wait3A_2084 = arith.constant 0 : i32
    %dma_wait3A_2085 = tpu.memref_slice %arg3[%add3A_2052, %dma_wait3A_2083, %dma_wait3A_2084] : memref<256x200x128xf32, #tpu.memory_space<hbm>> -> memref<1x104x128xf32, #tpu.memory_space<hbm>>
    %dma_wait3A_2086 = tpu.memref_squeeze %dma_wait3A_2085 : memref<1x104x128xf32, #tpu.memory_space<hbm>> -> memref<104x128xf32, #tpu.memory_space<hbm>>
    tpu.wait_dma2 semaphore(%dma_wait3A_2079 : memref<!tpu.dma_semaphore, #tpu.memory_space<semaphore_mem>>) src(%dma_wait3A_2086 : memref<104x128xf32, #tpu.memory_space<hbm>>) dst(%dma_wait3A_2082 : memref<104x128xf32, #tpu.memory_space<vmem>>)
    %add3A_2087 = arith.constant 7 : i32
    %add3A_2088 = arith.addi %mul3A_2, %add3A_2087 : i32
    %dma_start3A_2089 = arith.constant 2 : i32
    %dma_start3A_2090 = arith.constant 0 : i32
    %dma_start3A_2091 = arith.constant 0 : i32
    %dma_start3A_2092 = tpu.memref_slice %arg7[%dma_start3A_2090, %dma_start3A_2091] : memref<308x128xf32, #tpu.memory_space<vmem>> -> memref<304x128xf32, #tpu.memory_space<vmem>>
    %dma_start3A_2093 = arith.constant 0 : i32
    %dma_start3A_2094 = arith.constant 0 : i32
    %dma_start3A_2095 = tpu.memref_slice %arg6[%add3A_2088, %dma_start3A_2093, %dma_start3A_2094] : memref<256x605x128xf32, #tpu.memory_space<hbm>> -> memref<1x304x128xf32, #tpu.memory_space<hbm>>
    %dma_start3A_2096 = tpu.memref_squeeze %dma_start3A_2095 : memref<1x304x128xf32, #tpu.memory_space<hbm>> -> memref<304x128xf32, #tpu.memory_space<hbm>>
    %dma_start3A_2097 = tpu.memref_slice %arg10[%dma_start3A_2089] : memref<4x!tpu.dma_semaphore, #tpu.memory_space<semaphore_mem>> -> memref<1x!tpu.dma_semaphore, #tpu.memory_space<semaphore_mem>>
    %dma_start3A_2098 = tpu.memref_squeeze %dma_start3A_2097 : memref<1x!tpu.dma_semaphore, #tpu.memory_space<semaphore_mem>> -> memref<!tpu.dma_semaphore, #tpu.memory_space<semaphore_mem>>
    %dma_start3A_2099 = arith.constant 0 : i32
    %dma_start3A_2100 = arith.constant 0 : i32
    %dma_start3A_2101 = tpu.memref_slice %arg6[%add3A_2088, %dma_start3A_2099, %dma_start3A_2100] : memref<256x605x128xf32, #tpu.memory_space<hbm>> -> memref<1x304x128xf32, #tpu.memory_space<hbm>>
    %dma_start3A_2102 = tpu.memref_squeeze %dma_start3A_2101 : memref<1x304x128xf32, #tpu.memory_space<hbm>> -> memref<304x128xf32, #tpu.memory_space<hbm>>
    %dma_start3A_2103 = arith.constant 0 : i32
    %dma_start3A_2104 = arith.constant 0 : i32
    %dma_start3A_2105 = tpu.memref_slice %arg7[%dma_start3A_2103, %dma_start3A_2104] : memref<308x128xf32, #tpu.memory_space<vmem>> -> memref<304x128xf32, #tpu.memory_space<vmem>>
    tpu.enqueue_dma source(%dma_start3A_2105 : memref<304x128xf32, #tpu.memory_space<vmem>>) target(%dma_start3A_2102 : memref<304x128xf32, #tpu.memory_space<hbm>>) target_semaphore(%dma_start3A_2098 : memref<!tpu.dma_semaphore, #tpu.memory_space<semaphore_mem>>)
    %add3A_2106 = arith.constant 7 : i32
    %add3A_2107 = arith.addi %mul3A_2, %add3A_2106 : i32
    %dma_wait3A_2108 = arith.constant 1 : i32
    %dma_wait3A_2109 = arith.constant 3 : i32
    %dma_wait3A_2110 = arith.constant 0 : i32
    %dma_wait3A_2111 = tpu.memref_slice %arg8[%dma_wait3A_2109, %dma_wait3A_2110] : memref<309x128xf32, #tpu.memory_space<vmem>> -> memref<104x128xf32, #tpu.memory_space<vmem>>
    %dma_wait3A_2112 = arith.constant 96 : i32
    %dma_wait3A_2113 = arith.constant 0 : i32
    %dma_wait3A_2114 = tpu.memref_slice %arg3[%add3A_2107, %dma_wait3A_2112, %dma_wait3A_2113] : memref<256x200x128xf32, #tpu.memory_space<hbm>> -> memref<1x104x128xf32, #tpu.memory_space<hbm>>
    %dma_wait3A_2115 = tpu.memref_squeeze %dma_wait3A_2114 : memref<1x104x128xf32, #tpu.memory_space<hbm>> -> memref<104x128xf32, #tpu.memory_space<hbm>>
    %dma_wait3A_2116 = tpu.memref_slice %arg10[%dma_wait3A_2108] : memref<4x!tpu.dma_semaphore, #tpu.memory_space<semaphore_mem>> -> memref<1x!tpu.dma_semaphore, #tpu.memory_space<semaphore_mem>>
    %dma_wait3A_2117 = tpu.memref_squeeze %dma_wait3A_2116 : memref<1x!tpu.dma_semaphore, #tpu.memory_space<semaphore_mem>> -> memref<!tpu.dma_semaphore, #tpu.memory_space<semaphore_mem>>
    %dma_wait3A_2118 = arith.constant 3 : i32
    %dma_wait3A_2119 = arith.constant 0 : i32
    %dma_wait3A_2120 = tpu.memref_slice %arg8[%dma_wait3A_2118, %dma_wait3A_2119] : memref<309x128xf32, #tpu.memory_space<vmem>> -> memref<104x128xf32, #tpu.memory_space<vmem>>
    %dma_wait3A_2121 = arith.constant 96 : i32
    %dma_wait3A_2122 = arith.constant 0 : i32
    %dma_wait3A_2123 = tpu.memref_slice %arg3[%add3A_2107, %dma_wait3A_2121, %dma_wait3A_2122] : memref<256x200x128xf32, #tpu.memory_space<hbm>> -> memref<1x104x128xf32, #tpu.memory_space<hbm>>
    %dma_wait3A_2124 = tpu.memref_squeeze %dma_wait3A_2123 : memref<1x104x128xf32, #tpu.memory_space<hbm>> -> memref<104x128xf32, #tpu.memory_space<hbm>>
    tpu.wait_dma2 semaphore(%dma_wait3A_2117 : memref<!tpu.dma_semaphore, #tpu.memory_space<semaphore_mem>>) src(%dma_wait3A_2124 : memref<104x128xf32, #tpu.memory_space<hbm>>) dst(%dma_wait3A_2120 : memref<104x128xf32, #tpu.memory_space<vmem>>)
    %dma_wait3A_2125 = arith.constant 1 : i32
    %dma_wait3A_2126 = arith.constant 108 : i32
    %dma_wait3A_2127 = arith.constant 0 : i32
    %dma_wait3A_2128 = tpu.memref_slice %arg8[%dma_wait3A_2126, %dma_wait3A_2127] : memref<309x128xf32, #tpu.memory_space<vmem>> -> memref<200x128xf32, #tpu.memory_space<vmem>>
    %dma_wait3A_2129 = arith.constant 0 : i32
    %dma_wait3A_2130 = arith.constant 0 : i32
    %dma_wait3A_2131 = tpu.memref_slice %arg4[%add3A_2107, %dma_wait3A_2129, %dma_wait3A_2130] : memref<256x200x128xf32, #tpu.memory_space<hbm>> -> memref<1x200x128xf32, #tpu.memory_space<hbm>>
    %dma_wait3A_2132 = tpu.memref_squeeze %dma_wait3A_2131 : memref<1x200x128xf32, #tpu.memory_space<hbm>> -> memref<200x128xf32, #tpu.memory_space<hbm>>
    %dma_wait3A_2133 = tpu.memref_slice %arg10[%dma_wait3A_2125] : memref<4x!tpu.dma_semaphore, #tpu.memory_space<semaphore_mem>> -> memref<1x!tpu.dma_semaphore, #tpu.memory_space<semaphore_mem>>
    %dma_wait3A_2134 = tpu.memref_squeeze %dma_wait3A_2133 : memref<1x!tpu.dma_semaphore, #tpu.memory_space<semaphore_mem>> -> memref<!tpu.dma_semaphore, #tpu.memory_space<semaphore_mem>>
    %dma_wait3A_2135 = arith.constant 108 : i32
    %dma_wait3A_2136 = arith.constant 0 : i32
    %dma_wait3A_2137 = tpu.memref_slice %arg8[%dma_wait3A_2135, %dma_wait3A_2136] : memref<309x128xf32, #tpu.memory_space<vmem>> -> memref<200x128xf32, #tpu.memory_space<vmem>>
    %dma_wait3A_2138 = arith.constant 0 : i32
    %dma_wait3A_2139 = arith.constant 0 : i32
    %dma_wait3A_2140 = tpu.memref_slice %arg4[%add3A_2107, %dma_wait3A_2138, %dma_wait3A_2139] : memref<256x200x128xf32, #tpu.memory_space<hbm>> -> memref<1x200x128xf32, #tpu.memory_space<hbm>>
    %dma_wait3A_2141 = tpu.memref_squeeze %dma_wait3A_2140 : memref<1x200x128xf32, #tpu.memory_space<hbm>> -> memref<200x128xf32, #tpu.memory_space<hbm>>
    tpu.wait_dma2 semaphore(%dma_wait3A_2134 : memref<!tpu.dma_semaphore, #tpu.memory_space<semaphore_mem>>) src(%dma_wait3A_2141 : memref<200x128xf32, #tpu.memory_space<hbm>>) dst(%dma_wait3A_2137 : memref<200x128xf32, #tpu.memory_space<vmem>>)
    %add3A_2142 = arith.constant 7 : i32
    %add3A_2143 = arith.addi %mul3A_2, %add3A_2142 : i32
    %dma_start3A_2144 = arith.constant 3 : i32
    %dma_start3A_2145 = arith.constant 8 : i32
    %dma_start3A_2146 = arith.constant 0 : i32
    %dma_start3A_2147 = tpu.memref_slice %arg8[%dma_start3A_2145, %dma_start3A_2146] : memref<309x128xf32, #tpu.memory_space<vmem>> -> memref<301x128xf32, #tpu.memory_space<vmem>>
    %dma_start3A_2148 = arith.constant 304 : i32
    %dma_start3A_2149 = arith.constant 0 : i32
    %dma_start3A_2150 = tpu.memref_slice %arg6[%add3A_2143, %dma_start3A_2148, %dma_start3A_2149] : memref<256x605x128xf32, #tpu.memory_space<hbm>> -> memref<1x301x128xf32, #tpu.memory_space<hbm>>
    %dma_start3A_2151 = tpu.memref_squeeze %dma_start3A_2150 : memref<1x301x128xf32, #tpu.memory_space<hbm>> -> memref<301x128xf32, #tpu.memory_space<hbm>>
    %dma_start3A_2152 = tpu.memref_slice %arg10[%dma_start3A_2144] : memref<4x!tpu.dma_semaphore, #tpu.memory_space<semaphore_mem>> -> memref<1x!tpu.dma_semaphore, #tpu.memory_space<semaphore_mem>>
    %dma_start3A_2153 = tpu.memref_squeeze %dma_start3A_2152 : memref<1x!tpu.dma_semaphore, #tpu.memory_space<semaphore_mem>> -> memref<!tpu.dma_semaphore, #tpu.memory_space<semaphore_mem>>
    %dma_start3A_2154 = arith.constant 304 : i32
    %dma_start3A_2155 = arith.constant 0 : i32
    %dma_start3A_2156 = tpu.memref_slice %arg6[%add3A_2143, %dma_start3A_2154, %dma_start3A_2155] : memref<256x605x128xf32, #tpu.memory_space<hbm>> -> memref<1x301x128xf32, #tpu.memory_space<hbm>>
    %dma_start3A_2157 = tpu.memref_squeeze %dma_start3A_2156 : memref<1x301x128xf32, #tpu.memory_space<hbm>> -> memref<301x128xf32, #tpu.memory_space<hbm>>
    %dma_start3A_2158 = arith.constant 8 : i32
    %dma_start3A_2159 = arith.constant 0 : i32
    %dma_start3A_2160 = tpu.memref_slice %arg8[%dma_start3A_2158, %dma_start3A_2159] : memref<309x128xf32, #tpu.memory_space<vmem>> -> memref<301x128xf32, #tpu.memory_space<vmem>>
    tpu.enqueue_dma source(%dma_start3A_2160 : memref<301x128xf32, #tpu.memory_space<vmem>>) target(%dma_start3A_2157 : memref<301x128xf32, #tpu.memory_space<hbm>>) target_semaphore(%dma_start3A_2153 : memref<!tpu.dma_semaphore, #tpu.memory_space<semaphore_mem>>)
    %add3A_2161 = arith.constant 7 : i32
    %add3A_2162 = arith.addi %mul3A_2, %add3A_2161 : i32
    %dma_wait3A_2163 = arith.constant 2 : i32
    %dma_wait3A_2164 = arith.constant 0 : i32
    %dma_wait3A_2165 = arith.constant 0 : i32
    %dma_wait3A_2166 = tpu.memref_slice %arg7[%dma_wait3A_2164, %dma_wait3A_2165] : memref<308x128xf32, #tpu.memory_space<vmem>> -> memref<304x128xf32, #tpu.memory_space<vmem>>
    %dma_wait3A_2167 = arith.constant 0 : i32
    %dma_wait3A_2168 = arith.constant 0 : i32
    %dma_wait3A_2169 = tpu.memref_slice %arg6[%add3A_2162, %dma_wait3A_2167, %dma_wait3A_2168] : memref<256x605x128xf32, #tpu.memory_space<hbm>> -> memref<1x304x128xf32, #tpu.memory_space<hbm>>
    %dma_wait3A_2170 = tpu.memref_squeeze %dma_wait3A_2169 : memref<1x304x128xf32, #tpu.memory_space<hbm>> -> memref<304x128xf32, #tpu.memory_space<hbm>>
    %dma_wait3A_2171 = tpu.memref_slice %arg10[%dma_wait3A_2163] : memref<4x!tpu.dma_semaphore, #tpu.memory_space<semaphore_mem>> -> memref<1x!tpu.dma_semaphore, #tpu.memory_space<semaphore_mem>>
    %dma_wait3A_2172 = tpu.memref_squeeze %dma_wait3A_2171 : memref<1x!tpu.dma_semaphore, #tpu.memory_space<semaphore_mem>> -> memref<!tpu.dma_semaphore, #tpu.memory_space<semaphore_mem>>
    %dma_wait3A_2173 = arith.constant 0 : i32
    %dma_wait3A_2174 = arith.constant 0 : i32
    %dma_wait3A_2175 = tpu.memref_slice %arg6[%add3A_2162, %dma_wait3A_2173, %dma_wait3A_2174] : memref<256x605x128xf32, #tpu.memory_space<hbm>> -> memref<1x304x128xf32, #tpu.memory_space<hbm>>
    %dma_wait3A_2176 = tpu.memref_squeeze %dma_wait3A_2175 : memref<1x304x128xf32, #tpu.memory_space<hbm>> -> memref<304x128xf32, #tpu.memory_space<hbm>>
    %dma_wait3A_2177 = arith.constant 0 : i32
    %dma_wait3A_2178 = arith.constant 0 : i32
    %dma_wait3A_2179 = tpu.memref_slice %arg7[%dma_wait3A_2177, %dma_wait3A_2178] : memref<308x128xf32, #tpu.memory_space<vmem>> -> memref<304x128xf32, #tpu.memory_space<vmem>>
    tpu.wait_dma2 semaphore(%dma_wait3A_2172 : memref<!tpu.dma_semaphore, #tpu.memory_space<semaphore_mem>>) src(%dma_wait3A_2179 : memref<304x128xf32, #tpu.memory_space<vmem>>) dst(%dma_wait3A_2176 : memref<304x128xf32, #tpu.memory_space<hbm>>)
    %add3A_2180 = arith.constant 7 : i32
    %add3A_2181 = arith.addi %mul3A_2, %add3A_2180 : i32
    %dma_wait3A_2182 = arith.constant 3 : i32
    %dma_wait3A_2183 = arith.constant 8 : i32
    %dma_wait3A_2184 = arith.constant 0 : i32
    %dma_wait3A_2185 = tpu.memref_slice %arg8[%dma_wait3A_2183, %dma_wait3A_2184] : memref<309x128xf32, #tpu.memory_space<vmem>> -> memref<301x128xf32, #tpu.memory_space<vmem>>
    %dma_wait3A_2186 = arith.constant 304 : i32
    %dma_wait3A_2187 = arith.constant 0 : i32
    %dma_wait3A_2188 = tpu.memref_slice %arg6[%add3A_2181, %dma_wait3A_2186, %dma_wait3A_2187] : memref<256x605x128xf32, #tpu.memory_space<hbm>> -> memref<1x301x128xf32, #tpu.memory_space<hbm>>
    %dma_wait3A_2189 = tpu.memref_squeeze %dma_wait3A_2188 : memref<1x301x128xf32, #tpu.memory_space<hbm>> -> memref<301x128xf32, #tpu.memory_space<hbm>>
    %dma_wait3A_2190 = tpu.memref_slice %arg10[%dma_wait3A_2182] : memref<4x!tpu.dma_semaphore, #tpu.memory_space<semaphore_mem>> -> memref<1x!tpu.dma_semaphore, #tpu.memory_space<semaphore_mem>>
    %dma_wait3A_2191 = tpu.memref_squeeze %dma_wait3A_2190 : memref<1x!tpu.dma_semaphore, #tpu.memory_space<semaphore_mem>> -> memref<!tpu.dma_semaphore, #tpu.memory_space<semaphore_mem>>
    %dma_wait3A_2192 = arith.constant 304 : i32
    %dma_wait3A_2193 = arith.constant 0 : i32
    %dma_wait3A_2194 = tpu.memref_slice %arg6[%add3A_2181, %dma_wait3A_2192, %dma_wait3A_2193] : memref<256x605x128xf32, #tpu.memory_space<hbm>> -> memref<1x301x128xf32, #tpu.memory_space<hbm>>
    %dma_wait3A_2195 = tpu.memref_squeeze %dma_wait3A_2194 : memref<1x301x128xf32, #tpu.memory_space<hbm>> -> memref<301x128xf32, #tpu.memory_space<hbm>>
    %dma_wait3A_2196 = arith.constant 8 : i32
    %dma_wait3A_2197 = arith.constant 0 : i32
    %dma_wait3A_2198 = tpu.memref_slice %arg8[%dma_wait3A_2196, %dma_wait3A_2197] : memref<309x128xf32, #tpu.memory_space<vmem>> -> memref<301x128xf32, #tpu.memory_space<vmem>>
    tpu.wait_dma2 semaphore(%dma_wait3A_2191 : memref<!tpu.dma_semaphore, #tpu.memory_space<semaphore_mem>>) src(%dma_wait3A_2198 : memref<301x128xf32, #tpu.memory_space<vmem>>) dst(%dma_wait3A_2195 : memref<301x128xf32, #tpu.memory_space<hbm>>)
    return
  }
}

module attributes {stable_mosaic.version = 14 : i64} {
  func.func @_spec_body(%arg0: memref<1x1xf32, #tpu.memory_space<smem>>, %arg1: memref<6x128xf32, #tpu.memory_space<vmem>>, %arg2: memref<8x128xf32, #tpu.memory_space<vmem>>) attributes {dimension_semantics = [], scalar_prefetch = 0 : i64, scratch_operands = 0 : i64, tpu.core_type = #tpu.core_type<tc>} {
    %get3A = arith.constant 0 : index
    %get3A_0 = arith.constant 0 : index
    %get3A_1 = vector.load %arg1[%get3A, %get3A_0] : memref<6x128xf32, #tpu.memory_space<vmem>>, vector<6x128xf32>
    %mul3A = arith.mulf %get3A_1, %get3A_1 : vector<6x128xf32>
    %reduce_sum3A = arith.constant dense<0.000000e+00> : vector<6xf32>
    %reduce_sum3A_2 = vector.multi_reduction <add>, %mul3A, %reduce_sum3A [1] : vector<6x128xf32> to vector<6xf32>
    %broadcast_in_dim3A = vector.shape_cast %reduce_sum3A_2 : vector<6xf32> to vector<6x1xf32>
    %sqrt3A = math.sqrt %broadcast_in_dim3A : vector<6x1xf32>
    %max3A = arith.constant 9.99999996E-13 : f32
    %max3A_3 = vector.broadcast %max3A : f32 to vector<6x1xf32>
    %max3A_4 = arith.maximumf %sqrt3A, %max3A_3 : vector<6x1xf32>
    %div3A = arith.constant 1.000000e+00 : f32
    %div3A_5 = vector.broadcast %div3A : f32 to vector<6x1xf32>
    %div3A_6 = arith.divf %div3A_5, %max3A_4 : vector<6x1xf32>
    %min3A = arith.constant 1.000000e+00 : f32
    %min3A_7 = vector.broadcast %min3A : f32 to vector<6x1xf32>
    %min3A_8 = arith.minimumf %min3A_7, %div3A_6 : vector<6x1xf32>
    %mul3A_9 = vector.broadcast %min3A_8 : vector<6x1xf32> to vector<6x128xf32>
    %mul3A_10 = arith.mulf %get3A_1, %mul3A_9 : vector<6x128xf32>
    %slice3A = vector.extract_strided_slice %mul3A_10 {offsets = [4, 0], sizes = [1, 128], strides = [1, 1]} : vector<6x128xf32> to vector<1x128xf32>
    %squeeze3A = vector.shape_cast %slice3A : vector<1x128xf32> to vector<128xf32>
    %get3A_11 = arith.constant 0 : index
    %get3A_12 = arith.constant 0 : index
    %get3A_13 = memref.load %arg0[%get3A_11, %get3A_12] : memref<1x1xf32, #tpu.memory_space<smem>>
    %mul3A_14 = vector.broadcast %get3A_13 : f32 to vector<128xf32>
    %mul3A_15 = arith.mulf %squeeze3A, %mul3A_14 : vector<128xf32>
    %slice3A_16 = vector.extract_strided_slice %mul3A_10 {offsets = [1, 0], sizes = [1, 128], strides = [1, 1]} : vector<6x128xf32> to vector<1x128xf32>
    %squeeze3A_17 = vector.shape_cast %slice3A_16 : vector<1x128xf32> to vector<128xf32>
    %slice3A_18 = vector.extract_strided_slice %mul3A_10 {offsets = [3, 0], sizes = [1, 128], strides = [1, 1]} : vector<6x128xf32> to vector<1x128xf32>
    %squeeze3A_19 = vector.shape_cast %slice3A_18 : vector<1x128xf32> to vector<128xf32>
    %slice3A_20 = vector.extract_strided_slice %mul3A_10 {offsets = [2, 0], sizes = [1, 128], strides = [1, 1]} : vector<6x128xf32> to vector<1x128xf32>
    %squeeze3A_21 = vector.shape_cast %slice3A_20 : vector<1x128xf32> to vector<128xf32>
    %stack3A = vector.shape_cast %mul3A_15 : vector<128xf32> to vector<1x128xf32>
    %stack3A_22 = vector.shape_cast %squeeze3A_17 : vector<128xf32> to vector<1x128xf32>
    %stack3A_23 = vector.shape_cast %squeeze3A_19 : vector<128xf32> to vector<1x128xf32>
    %stack3A_24 = vector.shape_cast %squeeze3A_21 : vector<128xf32> to vector<1x128xf32>
    %stack3A_25 = vector.shape_cast %mul3A_15 : vector<128xf32> to vector<1x128xf32>
    %stack3A_26 = vector.shape_cast %mul3A_15 : vector<128xf32> to vector<1x128xf32>
    %stack3A_27 = vector.shape_cast %mul3A_15 : vector<128xf32> to vector<1x128xf32>
    %stack3A_28 = vector.shape_cast %mul3A_15 : vector<128xf32> to vector<1x128xf32>
    %stack3A_29 = tpu.concatenate %stack3A, %stack3A_22, %stack3A_23, %stack3A_24, %stack3A_25, %stack3A_26, %stack3A_27, %stack3A_28 in 0 : vector<1x128xf32>, vector<1x128xf32>, vector<1x128xf32>, vector<1x128xf32>, vector<1x128xf32>, vector<1x128xf32>, vector<1x128xf32>, vector<1x128xf32> -> vector<8x128xf32>
    %swap3A = arith.constant 0 : index
    %swap3A_30 = arith.constant 0 : index
    %swap3A_31 = vector.load %arg2[%swap3A, %swap3A_30] : memref<8x128xf32, #tpu.memory_space<vmem>>, vector<8x128xf32>
    tpu.vector_store %arg2[%swap3A, %swap3A_30], %stack3A_29 {strides = array<i32>} : memref<8x128xf32, #tpu.memory_space<vmem>>, vector<8x128xf32>,
    return
  }
}

</mosaic_0001>

<sc_bundles>
// kernel: kernel.4.cloned.1.call-start
scs
__scs_entry_jumppad:
0x0: {  	(pc) =	sbr.rel $0x88, $3  }
0x1: {  	(tag) =	ssettag $0x0;
	lr =	simm.s32 $0x1  }
0x2: {  	[smem:$0x3F9C] =	sst lr;
	_ =	strace $0xD0000000  }
0x3: {  	_ = 	snop  }
0x4: {  	_ = 	snop  }
0x5: {  	_ = 	snop  }
0x6: {  	_ = 	snop  }
0x7: {  	_ = 	snop  }
__scs_overlays_trampoline_lowered:
0x8: {  	[smem:$0x3FAB] =	sst s0  }
0x9: {  	[smem:$0x3FAC] =	sst s1  }
0xa: {  	[smem:$0x3FAD] =	sst s2  }
0xb: {  	[smem:$0x3FAE] =	sst s3  }
0xc: {  	[smem:$0x3FAF] =	sst s4  }
0xd: {  	[smem:$0x3FB0] =	sst s5  }
0xe: {  	[smem:$0x3FB1] =	sst s6  }
0xf: {  	[smem:$0x3FB2] =	sst s7  }
0x10: {  	[smem:$0x3FB3] =	sst s8  }
0x11: {  	[smem:$0x3FB4] =	sst s9;
	s0 =	simm.s32 @!p0 $0x0  }
0x12: {  	s1 =	sld [smem:$0x3F9A];
	s0 =	simm.s32 @p0 $0x1  }
0x13: {  	[smem:$0x3FB5] =	sst s0;
	s0 =	simm.s32 @!p1 $0x0  }
0x14: {  	s2 =	sld [smem:$0x3F99];
	s0 =	simm.s32 @p1 $0x1  }
0x15: {  	[smem:$0x3FB6] =	sst s0;
	s0 =	simm.s32 @!p2 $0x0  }
0x16: {  	s3 =	sld [smem:$0x3FDB];
	s0 =	simm.s32 @p2 $0x1  }
0x17: {  	s4 =	simm.s32 $0x1BF5;
	[smem:$0x3FB8] =	sst s0  }
0x18: {  	s0 =	sld [smem:$0x3F9B];
	_ =	swait.ge [sflag:s4], $0x0  }
0x19: {  	s7 =	sld [smem:$0x3F9C]  }
0x1a: {  	s8 =	sadd.s32 $0xFFFFE003, lr  }
0x1b: {  	s9 =	sadd.s32 $0xFFFFFEF7, lr;
	s5 =	simm.s32 $0xFFFFFFFF;
	p2 =	slt.u32 s8, $0xFFFFF086  }
0x1c: {  	p1 =	slt.u32 s9, $0xF7A;
	s5 =	simm.s32 @!p2 $0x0  }
0x1d: {  	s5 =	simm.s32 @p1 $0x1;
	p0 =	seq.s32 s7, s2  }
0x1e: {  	s7 =	smul.u32 @!p0 $0xF7A, s2;
	p2 =	seq.s32 @!p0 s5, $0x0  }
0x1f: {  	s9 =	smul.u32 $0xF7A, s1;
	s8 =	simm.s32 @!p0 $0x1BF5;
	p2 =	por !p2, p0  }
0x20: {  	[sflag:s8] =	ssyncset.s32 @!p0 $0xFFFFF086;
	s6 =	sadd.s32 @!p0 s3, s7;
	s7 =	simm.s32 @!p0 $0x108  }
0x21: {  	s3 =	sadd.s32 s3, s9;
	s6 =	sadd.s32 @!p0 $0x88, s6;
	s7 =	simm.s32 @p2 $0x1082  }
0x22: {  	[simem:s7], [sflag:s8] =	dma.local @!p0 [hbm:s6], $0xF7A  }
0x23: {  	s9 =	sor.u32 $0xD0000000, s2;
	s6 =	simm.s32 $0x108;
	_ =	swait.ge @!p0 [sflag:s8], $0x0  }
0x24: {  	s3 =	sadd.s32 $0x88, s3;
	s6 =	simm.s32 @!p1 $0x1082;
	[sflag:s4] =	ssyncset.s32 $0xFFFFF086  }
0x25: {  	[simem:s6], [sflag:s4] =	dma.local [hbm:s3], $0xF7A  }
0x26: {  	[smem:$0x3F9C] =	sst s1;
	(tag) =	ssettag s2;
	_ =	strace s9  }
0x27: {  	s1 =	sld [smem:$0x3FAC]  }
0x28: {  	s2 =	sld [smem:$0x3FAD]  }
0x29: {  	s4 =	sld [smem:$0x3FAF]  }
0x2a: {  	p0 =	seq.s32 s5, $0x0;
	s5 =	sld [smem:$0x3FB0]  }
0x2b: {  	s6 =	sld [smem:$0x3FB1]  }
0x2c: {  	s7 =	sld [smem:$0x3FB2]  }
0x2d: {  	s3 =	simm.s32 $0x108;
	s8 =	sld [smem:$0x3FB3]  }
0x2e: {  	s3 =	simm.s32 @!p0 $0x1082;
	s9 =	sld [smem:$0x3FB4]  }
0x2f: {  	lr =	sadd.s32 s0, s3;
	s0 =	sld [smem:$0x3FAB]  }
0x30: {  	s3 =	sld [smem:$0x3FAE]  }
0x31: {  	[smem:$0x3FB7] =	sst s10  }
0x32: {  	s10 =	sld [smem:$0x3FB5];
	_ =	sdelay $0x3  }
0x33: {  	p0 =	seq.s32 s10, $0x1;
	s10 =	sld [smem:$0x3FB7];
	_ =	sdelay $0x3  }
0x34: {  	[smem:$0x3FB7] =	sst s10  }
0x35: {  	s10 =	sld [smem:$0x3FB6];
	_ =	sdelay $0x3  }
0x36: {  	p1 =	seq.s32 s10, $0x1;
	s10 =	sld [smem:$0x3FB7];
	_ =	sdelay $0x3  }
0x37: {  	[smem:$0x3FB7] =	sst s10  }
0x38: {  	s10 =	sld [smem:$0x3FB8]  }
0x39: {  	_ = 	snop;
	(pc) =	sbr.ind lr, $3  }
0x3a: {  	_ = 	snop  }
0x3b: {  	_ = 	snop  }
0x3c: {  	p2 =	seq.s32 s10, $0x1;
	s10 =	sld [smem:$0x3FB7]  }
0x3d: {  	_ =	shalt  }
0x3e: {  	_ =	shalt  }
0x3f: {  	_ =	shalt  }
0x40: {  	_ =	shalt  }
0x41: {  	_ =	shalt  }
0x42: {  	_ =	shalt  }
0x43: {  	_ =	shalt  }
0x44: {  	_ =	shalt  }
0x45: {  	_ =	shalt  }
0x46: {  	_ =	shalt  }
0x47: {  	_ =	shalt  }
0x48: {  	_ =	shalt  }
0x49: {  	_ =	shalt  }
0x4a: {  	_ =	shalt  }
0x4b: {  	_ =	shalt  }
0x4c: {  	_ =	shalt  }
0x4d: {  	_ =	shalt  }
0x4e: {  	_ =	shalt  }
0x4f: {  	_ =	shalt  }
0x50: {  	_ =	shalt  }
0x51: {  	_ =	shalt  }
0x52: {  	_ =	shalt  }
0x53: {  	_ =	shalt  }
0x54: {  	_ =	shalt  }
0x55: {  	_ =	shalt  }
0x56: {  	_ =	shalt  }
0x57: {  	_ =	shalt  }
0x58: {  	_ =	shalt  }
0x59: {  	_ =	shalt  }
0x5a: {  	_ =	shalt  }
0x5b: {  	_ =	shalt  }
0x5c: {  	_ =	shalt  }
0x5d: {  	_ =	shalt  }
0x5e: {  	_ =	shalt  }
0x5f: {  	_ =	shalt  }
0x60: {  	_ =	shalt  }
0x61: {  	_ =	shalt  }
0x62: {  	_ =	shalt  }
0x63: {  	_ =	shalt  }
0x64: {  	_ =	shalt  }
0x65: {  	_ =	shalt  }
0x66: {  	_ =	shalt  }
0x67: {  	_ =	shalt  }
0x68: {  	_ =	shalt  }
0x69: {  	_ =	shalt  }
0x6a: {  	_ =	shalt  }
0x6b: {  	_ =	shalt  }
0x6c: {  	_ =	shalt  }
0x6d: {  	_ =	shalt  }
0x6e: {  	_ =	shalt  }
0x6f: {  	_ =	shalt  }
0x70: {  	_ =	shalt  }
0x71: {  	_ =	shalt  }
0x72: {  	_ =	shalt  }
0x73: {  	_ =	shalt  }
0x74: {  	_ =	shalt  }
0x75: {  	_ =	shalt  }
0x76: {  	_ =	shalt  }
0x77: {  	_ =	shalt  }
0x78: {  	_ =	shalt  }
0x79: {  	_ =	shalt  }
0x7a: {  	_ =	shalt  }
0x7b: {  	_ =	shalt  }
0x7c: {  	_ =	shalt  }
0x7d: {  	_ =	shalt  }
0x7e: {  	_ =	shalt  }
0x7f: {  	_ =	shalt  }
0x80: {  	_ =	shalt  }
0x81: {  	_ =	shalt  }
0x82: {  	_ =	shalt  }
0x83: {  	_ =	shalt  }
0x84: {  	_ =	shalt  }
0x85: {  	_ =	shalt  }
0x86: {  	_ =	shalt  }
0x87: {  	_ =	shalt  }
.Lfunc_end0:
.L_simem_size_0:
called_computation_lowered:
.L_overlay_start_0:
0x88: {  	s2 =	sld [smem:$0x3FD9]  }
0x89: {  	s3 =	sld [smem:$0x3FFE];
	_ =	sdelay $0x1  }
0x8a: {  	s1 =	srdreg.scid  }
0x8b: {  	s0 =	sand.u32 $0x1, s1  }
0x8c: {  	s14 =	sshll.u32 s0, $0xA;
	s2 =	sadd.s32 s3, s2  }
0x8d: {  	s2 =	sadd.s32 s2, s14  }
0x8e: {  	[smem:$0x3FC3] =	sst s2  }
0x8f: {  	_ = 	snop  }
0x90: {  	s2 =	sld [smem:$0x3FD0]  }
0x91: {  	s15 =	sld [smem:$0x3FC9]  }
0x92: {  	s4 =	sld [smem:$0x3FC8]  }
0x93: {  	s6 =	simm.s32 $0xA;
	s7 =	simm.s32 $0x10;
	s5 =	sld [smem:$0x3FC7]  }
0x94: {  	[smem:s7], [sflag:s6] =	dma.local [hbm:s2], $0x1  }
0x95: {  	_ =	swait.eq [sflag:s6], $0x1  }
0x96: {  	[sflag:s6] =	ssyncset.done $0x0  }
0x97: {  	[sflag:s6] =	ssyncadd.s32 $0xFFFFFFFF  }
0x98: {  	s16 =	sld [smem:$0x11];
	(tm) =	ssettm $0x1  }
0x99: {  	s17 =	sld [smem:$0x3FFB];
	_ =	sdelay $0x3  }
0x9a: {  	_ =	strace s17  }
0x9b: {  	s6 =	sld [smem:$0x3FFC];
	_ =	sdelay $0x3  }
0x9c: {  	_ =	strace s6  }
0x9d: {  	s6 =	sld [smem:$0x3FFD];
	_ =	sdelay $0x3  }
0x9e: {  	_ =	strace s6  }
0x9f: {  	_ =	strace $0x8FFFFFFF  }
0xa0: {  	s18 =	sld [smem:$0x3FDB];
	_ =	sdelay $0x1  }
0xa1: {  	s19 =	simm.s32 $_scs_section_size  }
0xa2: {  	s8 =	simm.s32 $_size__tile_overlayer_lowered;
	s9 =	simm.s32 $_tile_overlayer_lowered  }
0xa3: {  	s22 =	simm.s32 $0x1BFF;
	s21 =	sshll.u32 s9, $0x1;
	s6 =	sadd.s32 s19, s18  }
0xa4: {  	s10 =	simm.s32 $0x0;
	s20 =	sshll.u32 s8, $0x1;
	s8 =	sadd.s32 s21, s6  }
0xa5: {  	[timem:s10], [sflag:s22] =	dma.local [hbm:s8], s20  }
0xa6: {  	_ =	swait.ge [sflag:s22], s20  }
0xa7: {  	s7 =	ssub.s32 $0x0, s20;
	[sflag:s22] =	ssyncset.done $0x0  }
0xa8: {  	[sflag:s22] =	ssyncadd.s32 s7;
	_ =	sdelay $0x1  }
0xa9: {  	s23 =	simm.s32 $0x1B8B  }
0xaa: {  	_ =	swait.ge [sflag:s23], $0x1  }
0xab: {  	[sflag:s23] =	ssyncset.done $0x0  }
0xac: {  	s25 =	simm.s32 $0x1B8E;
	s24 =	sld [smem:$0x3FFE];
	[sflag:s23] =	ssyncadd.s32 $0xFFFFFFFF  }
0xad: {  	s26 =	simm.s32 $execute0_lowered;
	[smem:$0x3FD2] =	sst s25  }
0xae: {  	s8 =	sshll.u32 s26, $0x1;
	_ =	strace $0x80000046;
	[dreg:$0x1] =	wrdreg $0xFFFFFFFF  }
0xaf: {  	s28 =	simm.s32 $_size_execute0_lowered;
	s6 =	sadd.s32 s6, s8;
	[dreg:$0x0] =	wrdreg $0x0  }
0xb0: {  	s8 =	sshll.u32 s28, $0x1;
	[dreg:$0x2] =	wrdreg s6  }
0xb1: {  	[dreg:$0x3] =	wrdreg s8  }
0xb2: {  	[dreg:$0x4] =	wrdreg $0xC0  }
0xb3: {  	_ =	task [dreg:s10], $0x5FFFF  }
0xb4: {  	[dreg:$0x1] =	wrdreg $0xFFFFFFFF  }
0xb5: {  	[dreg:$0x0] =	wrdreg $0x60  }
0xb6: {  	[dreg:$0x2] =	wrdreg s15  }
0xb7: {  	[dreg:$0x3] =	wrdreg s4  }
0xb8: {  	[dreg:$0x4] =	wrdreg s5  }
0xb9: {  	[dreg:$0x5] =	wrdreg s16  }
0xba: {  	[dreg:$0x6] =	wrdreg s24  }
0xbb: {  	[dreg:$0x7] =	wrdreg $0x9  }
0xbc: {  	_ =	task.clear_ibuf [dreg:s10], $0x8FFFF;
	_ =	strace $0x90000046  }
0xbd: {  	s29 =	simm.s32 $0x9;
	_ =	strace $0x80000048  }
0xbe: {  	_ =	swait.ge [sflag:s29], $0x1  }
0xbf: {  	[sflag:s29] =	ssyncadd.s32 $0xFFFFFFFF  }
0xc0: {  	_ =	strace $0x90000048  }
0xc1: {  	_ =	sfence  }
0xc2: {  	s30 =	sld [smem:$0x0];
	_ =	sdelay $0x2  }
0xc3: {  	s31 =	sshll.u32 s1, $0xD;
	s1 =	sshrl.u32 s1, $0x2  }
0xc4: {  	s3 =	sand.u32 $0x4000, s31;
	s1 =	sadd.s32 s1, s30  }
0xc5: {  	s0 =	sor.u32 s3, s0;
	s1 =	sshll.u32 s1, $0x11  }
0xc6: {  	s0 =	sor.u32 s1, s0  }
0xc7: {  	s0 =	sadd.s32 $0x8F2B, s0  }
0xc8: {  	[sflag:s0] =	ssyncadd.remote.s32 $0x1  }
0xc9: {  	_ =	sfence.sel $0xFFFF  }
0xca: {  	[dreg:$0x0] =	wrdreg $0xFFFFFFFF;
	(pc) =	sbr.abs _section_cstart, $3  }
0xcb: {  	[dreg:$0x1] =	wrdreg $0xFFFFFFFF  }
0xcc: {  	_ =	task.clear_ibuf [dreg:s10], $0x2FFFF;
	_ =	strace $0x9FFFFFFF  }
0xcd: {  	(tm) =	ssettm $0x7FFFFFFF  }
tec
execute0_lowered:
.L_overlay_start_1:
0x0: {  	(tag) =	ssettag $0x1  }
0x1: {  	s16 =	rddreg [dreg:$0x0]  }
0x2: {  	s17 =	rddreg [dreg:$0x1]  }
0x3: {  	s1 =	rddreg [dreg:$0x2]  }
0x4: {  	s2 =	rddreg [dreg:$0x3]  }
0x5: {  	s3 =	srdreg.scid;
	s0 =	stileid.u32  }
0x6: {  	s23 =	rddreg [dreg:$0x4];
	s28 =	simm.s32 $0x1;
	s29 =	simm.s32 $0x2  }
0x7: {  	s30 =	simm.s32 $0xA000;
	s14 =	sand.u32 $0x1, s3;
	s22 =	sshll.u32 s0, $0x1  }
0x8: {  	s31 =	simm.s32 $0x3;
	[dreg:$0x6] =	wrdreg s2;
	s15 =	sor.u32 s14, s22  }
0x9: {  	s2 =	simm.s32 $0x0;
	s18 =	sadd.s32 $0xA00, s23;
	s4 =	smul.u32 $0x32000, s15  }
0xa: {  	[smem:$0x7FF] =	sst s2;
	s13 =	sshll.u32 s15, $0x3;
	s6 =	smul.u32 $0x98000, s15  }
0xb: {  	_ =	strace $0x80000047;
	s25 =	smul.u32 $0x13000, s15;
	s0 =	sor.u32 $0x1, s13  }
0xc: {  	s10 =	sor.u32 $0x2, s13;
	s21 =	sor.u32 $0x3, s13;
	s7 =	smul.u32 $0x6400, s0  }
0xd: {  	s4 =	sshrl.u32 s4, $0x3;
	s26 =	sshrl.u32 s6, $0x3;
	s6 =	smul.u32 $0x13000, s0  }
0xe: {  	s11 =	smul.u32 $0x6400, s10;
	s0 =	sor.u32 $0x5, s13;
	s5 =	sadd.s32 s16, s4  }
0xf: {  	s3 =	sadd.s32 s17, s4;
	s4 =	sadd.s32 s1, s4;
	[dreg:$0x7] =	wrdreg s5  }
0x10: {  	s24 =	sadd.s32 $0x600, s3;
	[dreg:$0x9] =	wrdreg s4;
	s5 =	sadd.s32 s18, s25  }
0x11: {  	s4 =	sadd.s32 s18, s26;
	s8 =	sshrl.u32 s7, $0x3;
	[dreg:$0x8] =	wrdreg s24  }
0x12: {  	s6 =	sshrl.u32 s6, $0x3;
	s19 =	sshrl.u32 s11, $0x3;
	[dreg:$0xa] =	wrdreg s5  }
0x13: {  	s4 =	sadd.s32 $0x1300, s4;
	s7 =	sadd.s32 s16, s8;
	s5 =	sadd.s32 s18, s6  }
0x14: {  	s6 =	sadd.s32 s17, s19;
	s24 =	sor.u32 $0x4, s13;
	[dreg:$0xb] =	wrdreg s4  }
0x15: {  	s4 =	sadd.s32 s17, s8;
	[dreg:$0xc] =	wrdreg s7;
	s8 =	sadd.s32 s1, s8  }
0x16: {  	s12 =	sadd.s32 $0x1300, s5;
	s7 =	smul.u32 $0x13000, s10;
	[dreg:$0xe] =	wrdreg s8  }
0x17: {  	s20 =	sadd.s32 $0x600, s6;
	s10 =	smul.u32 $0x6400, s21;
	[dreg:$0xf] =	wrdreg s12  }
0x18: {  	s9 =	sadd.s32 $0x600, s4;
	[dreg:$0x11] =	wrdreg s20;
	s12 =	smul.u32 $0x6400, s24  }
0x19: {  	s8 =	sadd.s32 s1, s19;
	s20 =	smul.u32 $0x6400, s0;
	[dreg:$0xd] =	wrdreg s9  }
0x1a: {  	s9 =	sadd.s32 s16, s19;
	s7 =	sshrl.u32 s7, $0x3;
	[dreg:$0x12] =	wrdreg s8  }
0x1b: {  	s10 =	sshrl.u32 s10, $0x3;
	[dreg:$0x10] =	wrdreg s9;
	s7 =	sadd.s32 s18, s7  }
0x1c: {  	s11 =	sadd.s32 s16, s10;
	s8 =	sadd.s32 s17, s10;
	s9 =	smul.u32 $0x13000, s21  }
0x1d: {  	s10 =	sadd.s32 s1, s10;
	s12 =	sshrl.u32 s12, $0x3;
	[dreg:$0x14] =	wrdreg s11  }
0x1e: {  	s20 =	sshrl.u32 s20, $0x3;
	s22 =	sadd.s32 $0x1300, s7;
	[dreg:$0x16] =	wrdreg s10  }
0x1f: {  	s23 =	sadd.s32 $0x600, s8;
	s19 =	sadd.s32 s16, s12;
	[dreg:$0x13] =	wrdreg s22  }
0x20: {  	s10 =	sadd.s32 s17, s12;
	s11 =	smul.u32 $0x13000, s24;
	[dreg:$0x15] =	wrdreg s23  }
0x21: {  	s12 =	sadd.s32 s1, s12;
	s9 =	sshrl.u32 s9, $0x3;
	[dreg:$0x18] =	wrdreg s19  }
0x22: {  	s26 =	sadd.s32 $0x600, s10;
	[dreg:$0x1a] =	wrdreg s12;
	s12 =	sadd.s32 s17, s20  }
0x23: {  	s19 =	smul.u32 $0x13000, s0;
	s23 =	sor.u32 $0x6, s13;
	s9 =	sadd.s32 s18, s9  }
0x24: {  	[dreg:$0x19] =	wrdreg s26;
	s11 =	sshrl.u32 s11, $0x3;
	s22 =	sadd.s32 $0x600, s12  }
0x25: {  	s24 =	smul.u32 $0x6400, s23;
	s25 =	sadd.s32 $0x1300, s9;
	s11 =	sadd.s32 s18, s11  }
0x26: {  	[dreg:$0x1d] =	wrdreg s22;
	s19 =	sshrl.u32 s19, $0x3;
	s22 =	ssub.s32 $0x2, s14  }
0x27: {  	[dreg:$0x17] =	wrdreg s25;
	s21 =	sadd.s32 $0x1300, s11;
	s13 =	sadd.s32 s18, s19  }
0x28: {  	s19 =	sshrl.u32 s24, $0x3;
	[dreg:$0x1b] =	wrdreg s21;
	s21 =	sadd.s32 s16, s20  }
0x29: {  	s20 =	sadd.s32 s1, s20;
	s25 =	sadd.s32 $0x1300, s13;
	[dreg:$0x1c] =	wrdreg s21  }
0x2a: {  	s26 =	sadd.s32 s16, s19;
	s14 =	sadd.s32 s17, s19;
	[dreg:$0x1e] =	wrdreg s20  }
0x2b: {  	s19 =	sadd.s32 s1, s19;
	[dreg:$0x1f] =	wrdreg s25;
	s21 =	smul.u32 $0x13000, s23  }
0x2c: {  	s23 =	sshrl.u32 s22, $0x1;
	[smem:$0x7F8] =	sst s26;
	s25 =	sshllo.u32 s15, $0x3  }
0x2d: {  	s0 =	sadd.s32 $0x600, s14;
	[smem:$0x7FA] =	sst s19;
	s26 =	smul.u32 $0x6400, s25  }
0x2e: {  	[smem:$0x7F9] =	sst s0;
	s22 =	ssub.s32 s22, s23;
	s24 =	sshrl.u32 s21, $0x3  }
0x2f: {  	s21 =	smul.u32 $0x13000, s25;
	s15 =	sadd.s32 s18, s24;
	s24 =	sshrl.u32 s26, $0x3  }
0x30: {  	s23 =	simm.s32 $0x100;
	s0 =	sadd.s32 $0x1300, s15;
	s20 =	sadd.s32 s16, s24  }
0x31: {  	s16 =	sadd.s32 s17, s24;
	s25 =	sshrl.u32 s21, $0x3;
	[smem:$0x7FB] =	sst s0  }
0x32: {  	[smem:$0x7FC] =	sst s20;
	s26 =	sadd.s32 $0x600, s16;
	s17 =	sadd.s32 s18, s25  }
0x33: {  	s18 =	sadd.s32 s1, s24;
	s20 =	smax.u32 s22, $0x1;
	s22 =	simm.s32 $0x5  }
0x34: {  	s24 =	simm.s32 $0x6580;
	s25 =	simm.s32 $0x9D80;
	s1 =	simm.s32 $0x4  }
0x35: {  	[smem:$0x7FD] =	sst s26;
	s19 =	sadd.s32 $0x1300, s17;
	s26 =	simm.s32 $0xD200  }
.LBB2_1:
0x36: {  	s0 =	rddreg [dreg:$0x6];
	s21 =	simm.s32 $0x13800  }
0x37: {  	[tilespmem:s21], [sflag:$0x5] =	stream.linear.gather [hbm4b:s0+s2], $0x400, $0x38;
	[tilespmem:$0x13C00] =	vst v63  }
0x38: {  	_ =	swait.ge [sflag:s22], $0x400  }
0x39: {  	[sflag:s22] =	ssyncset.done $0x0  }
0x3a: {  	[sflag:s22] =	ssyncadd.s32 $0xFFFFFC00  }
0x3b: {  	v0 =	vld [tilespmem:$0x13800]  }
0x3c: {  	v1 =	vld [tilespmem:$0x13810]  }
0x3d: {  	v2 =	vld [tilespmem:$0x13820]  }
0x3e: {  	v3 =	vld [tilespmem:$0x13830]  }
0x3f: {  	v4 =	vld [tilespmem:$0x13840]  }
0x40: {  	v29 =	vld [tilespmem:$0x13850];
	[tilespmem:$0x0] =	vst v0  }
0x41: {  	v30 =	vld [tilespmem:$0x13860];
	[tilespmem:$0x10] =	vst v1  }
0x42: {  	v31 =	vld [tilespmem:$0x13870];
	[tilespmem:$0x20] =	vst v2  }
0x43: {  	v32 =	vld [tilespmem:$0x13880];
	[tilespmem:$0x30] =	vst v3  }
0x44: {  	v33 =	vld [tilespmem:$0x13890];
	[tilespmem:$0x40] =	vst v4  }
0x45: {  	v34 =	vld [tilespmem:$0x138A0];
	[tilespmem:$0x50] =	vst v29  }
0x46: {  	v35 =	vld [tilespmem:$0x138B0];
	[tilespmem:$0x60] =	vst v30  }
0x47: {  	v36 =	vld [tilespmem:$0x138C0];
	[tilespmem:$0x70] =	vst v31  }
0x48: {  	v37 =	vld [tilespmem:$0x138D0];
	[tilespmem:$0x80] =	vst v32  }
0x49: {  	v38 =	vld [tilespmem:$0x138E0];
	[tilespmem:$0x90] =	vst v33  }
0x4a: {  	v39 =	vld [tilespmem:$0x138F0];
	[tilespmem:$0xA0] =	vst v34  }
0x4b: {  	v40 =	vld [tilespmem:$0x13900];
	[tilespmem:$0xB0] =	vst v35  }
0x4c: {  	v41 =	vld [tilespmem:$0x13910];
	[tilespmem:$0xC0] =	vst v36  }
0x4d: {  	v42 =	vld [tilespmem:$0x13920];
	[tilespmem:$0xD0] =	vst v37  }
0x4e: {  	v43 =	vld [tilespmem:$0x13930];
	[tilespmem:$0xE0] =	vst v38  }
0x4f: {  	v44 =	vld [tilespmem:$0x13940];
	[tilespmem:$0xF0] =	vst v39  }
0x50: {  	v45 =	vld [tilespmem:$0x13950];
	[tilespmem:$0x6500] =	vst v40  }
0x51: {  	v46 =	vld [tilespmem:$0x13960];
	[tilespmem:$0x6510] =	vst v41  }
0x52: {  	v47 =	vld [tilespmem:$0x13970];
	[tilespmem:$0x6520] =	vst v42  }
0x53: {  	v48 =	vld [tilespmem:$0x13900];
	[tilespmem:$0x6530] =	vst v43  }
0x54: {  	v49 =	vld [tilespmem:$0x13910];
	[tilespmem:$0x6540] =	vst v44  }
0x55: {  	v50 =	vld [tilespmem:$0x13920];
	[tilespmem:$0x6550] =	vst v45  }
0x56: {  	v51 =	vld [tilespmem:$0x13930];
	[tilespmem:$0x6560] =	vst v46  }
0x57: {  	v52 =	vld [tilespmem:$0x13940];
	[tilespmem:$0x6570] =	vst v47  }
0x58: {  	v53 =	vld [tilespmem:$0x13950];
	[tilespmem:$0xD180] =	vst v48  }
0x59: {  	v54 =	vld [tilespmem:$0x13960];
	[tilespmem:$0xD190] =	vst v49  }
0x5a: {  	v55 =	vld [tilespmem:$0x13970];
	[tilespmem:$0xD1A0] =	vst v50  }
0x5b: {  	v56 =	vld [tilespmem:$0x13980];
	[tilespmem:$0xD1B0] =	vst v51  }
0x5c: {  	v57 =	vld [tilespmem:$0x13990];
	[tilespmem:$0xD1C0] =	vst v52  }
0x5d: {  	v58 =	vld [tilespmem:$0x139A0];
	[tilespmem:$0xD1D0] =	vst v53  }
0x5e: {  	v59 =	vld [tilespmem:$0x139B0];
	[tilespmem:$0xD1E0] =	vst v54  }
0x5f: {  	v60 =	vld [tilespmem:$0x139C0];
	[tilespmem:$0xD1F0] =	vst v55  }
0x60: {  	v61 =	vld [tilespmem:$0x139D0];
	[tilespmem:$0x13600] =	vst v56  }
0x61: {  	v62 =	vld [tilespmem:$0x139E0];
	[tilespmem:$0x13610] =	vst v57  }
0x62: {  	v63 =	vld [tilespmem:$0x139F0];
	[tilespmem:$0x13620] =	vst v58  }
0x63: {  	[tilespmem:$0x13630] =	vst v59  }
0x64: {  	[tilespmem:$0x13640] =	vst v60  }
0x65: {  	[tilespmem:$0x13650] =	vst v61  }
0x66: {  	[tilespmem:$0x13660] =	vst v62  }
0x67: {  	s21 =	rddreg [dreg:$0x7];
	[tilespmem:$0x13670] =	vst v63  }
0x68: {  	[tilespmem:s23], [sflag:$0x1] =	stream.linear.gather [hbm4b:s21+s2], $0x6400, $0x38;
	[tilespmem:$0x13C00] =	vst v63  }
0x69: {  	_ = 	snop  }
0x6a: {  	[tilespmem:s24], [sflag:$0x1] =	stream.linear.gather [hbm4b:s3+s2], $0x3400, $0x38;
	[tilespmem:$0x13C00] =	vst v63  }
0x6b: {  	s0 =	rddreg [dreg:$0x8]  }
0x6c: {  	[tilespmem:s25], [sflag:$0x2] =	stream.linear.gather [hbm4b:s0+s2], $0x3400, $0x38;
	[tilespmem:$0x13C00] =	vst v63  }
0x6d: {  	s21 =	rddreg [dreg:$0x9]  }
0x6e: {  	[tilespmem:s26], [sflag:$0x2] =	stream.linear.gather [hbm4b:s21+s2], $0x6400, $0x38;
	[tilespmem:$0x13C00] =	vst v63  }
0x6f: {  	_ =	swait.ge [sflag:s28], $0x6400  }
0x70: {  	[sflag:s28] =	ssyncset.done $0x0  }
0x71: {  	[sflag:s28] =	ssyncadd.s32 $0xFFFF9C00  }
0x72: {  	_ =	swait.ge [sflag:s28], $0x3400  }
0x73: {  	[sflag:s28] =	ssyncset.done $0x0  }
0x74: {  	s21 =	rddreg [dreg:$0xa];
	[sflag:s28] =	ssyncadd.s32 $0xFFFFCC00  }
0x75: {  	[hbm4b:s21+s2] =	stream.linear.scatter [tilespmem:s2], [sflag:$0x3], $0x9800, $0x38;
	[tilespmem:$0x13C00] =	vst v63  }
0x76: {  	_ =	swait.ge [sflag:s29], $0x3400  }
0x77: {  	[sflag:s29] =	ssyncset.done $0x0  }
0x78: {  	[sflag:s29] =	ssyncadd.s32 $0xFFFFCC00  }
0x79: {  	_ =	swait.ge [sflag:s29], $0x6400  }
0x7a: {  	[sflag:s29] =	ssyncset.done $0x0  }
0x7b: {  	s21 =	rddreg [dreg:$0xb];
	[sflag:s29] =	ssyncadd.s32 $0xFFFF9C00  }
0x7c: {  	[hbm4b:s21+s2] =	stream.linear.scatter [tilespmem:s30], [sflag:$0x4], $0x9680, $0x38;
	[tilespmem:$0x13C00] =	vst v63  }
0x7d: {  	_ =	swait.ge [sflag:s31], $0x9800  }
0x7e: {  	[sflag:s31] =	ssyncset.done $0x0  }
0x7f: {  	s21 =	rddreg [dreg:$0xc];
	[sflag:s31] =	ssyncadd.s32 $0xFFFF6800  }
0x80: {  	[tilespmem:s23], [sflag:$0x1] =	stream.linear.gather [hbm4b:s21+s2], $0x6400, $0x38;
	[tilespmem:$0x13C00] =	vst v63  }
0x81: {  	_ = 	snop  }
0x82: {  	[tilespmem:s24], [sflag:$0x1] =	stream.linear.gather [hbm4b:s4+s2], $0x3400, $0x38;
	[tilespmem:$0x13C00] =	vst v63  }
0x83: {  	_ =	swait.ge [sflag:s1], $0x9680  }
0x84: {  	[sflag:s1] =	ssyncset.done $0x0  }
0x85: {  	s0 =	rddreg [dreg:$0xd];
	[sflag:s1] =	ssyncadd.s32 $0xFFFF6980  }
0x86: {  	[tilespmem:s25], [sflag:$0x2] =	stream.linear.gather [hbm4b:s0+s2], $0x3400, $0x38;
	[tilespmem:$0x13C00] =	vst v63  }
0x87: {  	s21 =	rddreg [dreg:$0xe]  }
0x88: {  	[tilespmem:s26], [sflag:$0x2] =	stream.linear.gather [hbm4b:s21+s2], $0x6400, $0x38;
	[tilespmem:$0x13C00] =	vst v63  }
0x89: {  	_ =	swait.ge [sflag:s28], $0x6400  }
0x8a: {  	[sflag:s28] =	ssyncset.done $0x0  }
0x8b: {  	[sflag:s28] =	ssyncadd.s32 $0xFFFF9C00  }
0x8c: {  	_ =	swait.ge [sflag:s28], $0x3400  }
0x8d: {  	[sflag:s28] =	ssyncset.done $0x0  }
0x8e: {  	[sflag:s28] =	ssyncadd.s32 $0xFFFFCC00  }
0x8f: {  	[hbm4b:s5+s2] =	stream.linear.scatter [tilespmem:s2], [sflag:$0x3], $0x9800, $0x38;
	[tilespmem:$0x13C00] =	vst v63  }
0x90: {  	_ =	swait.ge [sflag:s29], $0x3400  }
0x91: {  	[sflag:s29] =	ssyncset.done $0x0  }
0x92: {  	[sflag:s29] =	ssyncadd.s32 $0xFFFFCC00  }
0x93: {  	_ =	swait.ge [sflag:s29], $0x6400  }
0x94: {  	[sflag:s29] =	ssyncset.done $0x0  }
0x95: {  	s21 =	rddreg [dreg:$0xf];
	[sflag:s29] =	ssyncadd.s32 $0xFFFF9C00  }
0x96: {  	[hbm4b:s21+s2] =	stream.linear.scatter [tilespmem:s30], [sflag:$0x4], $0x9680, $0x38;
	[tilespmem:$0x13C00] =	vst v63  }
0x97: {  	_ =	swait.ge [sflag:s31], $0x9800  }
0x98: {  	[sflag:s31] =	ssyncset.done $0x0  }
0x99: {  	s21 =	rddreg [dreg:$0x10];
	[sflag:s31] =	ssyncadd.s32 $0xFFFF6800  }
0x9a: {  	[tilespmem:s23], [sflag:$0x1] =	stream.linear.gather [hbm4b:s21+s2], $0x6400, $0x38;
	[tilespmem:$0x13C00] =	vst v63  }
0x9b: {  	_ = 	snop  }
0x9c: {  	[tilespmem:s24], [sflag:$0x1] =	stream.linear.gather [hbm4b:s6+s2], $0x3400, $0x38;
	[tilespmem:$0x13C00] =	vst v63  }
0x9d: {  	_ =	swait.ge [sflag:s1], $0x9680  }
0x9e: {  	[sflag:s1] =	ssyncset.done $0x0  }
0x9f: {  	s0 =	rddreg [dreg:$0x11];
	[sflag:s1] =	ssyncadd.s32 $0xFFFF6980  }
0xa0: {  	[tilespmem:s25], [sflag:$0x2] =	stream.linear.gather [hbm4b:s0+s2], $0x3400, $0x38;
	[tilespmem:$0x13C00] =	vst v63  }
0xa1: {  	s21 =	rddreg [dreg:$0x12]  }
0xa2: {  	[tilespmem:s26], [sflag:$0x2] =	stream.linear.gather [hbm4b:s21+s2], $0x6400, $0x38;
	[tilespmem:$0x13C00] =	vst v63  }
0xa3: {  	_ =	swait.ge [sflag:s28], $0x6400  }
0xa4: {  	[sflag:s28] =	ssyncset.done $0x0  }
0xa5: {  	[sflag:s28] =	ssyncadd.s32 $0xFFFF9C00  }
0xa6: {  	_ =	swait.ge [sflag:s28], $0x3400  }
0xa7: {  	[sflag:s28] =	ssyncset.done $0x0  }
0xa8: {  	[sflag:s28] =	ssyncadd.s32 $0xFFFFCC00  }
0xa9: {  	[hbm4b:s7+s2] =	stream.linear.scatter [tilespmem:s2], [sflag:$0x3], $0x9800, $0x38;
	[tilespmem:$0x13C00] =	vst v63  }
0xaa: {  	_ =	swait.ge [sflag:s29], $0x3400  }
0xab: {  	[sflag:s29] =	ssyncset.done $0x0  }
0xac: {  	[sflag:s29] =	ssyncadd.s32 $0xFFFFCC00  }
0xad: {  	_ =	swait.ge [sflag:s29], $0x6400  }
0xae: {  	[sflag:s29] =	ssyncset.done $0x0  }
0xaf: {  	s21 =	rddreg [dreg:$0x13];
	[sflag:s29] =	ssyncadd.s32 $0xFFFF9C00  }
0xb0: {  	[hbm4b:s21+s2] =	stream.linear.scatter [tilespmem:s30], [sflag:$0x4], $0x9680, $0x38;
	[tilespmem:$0x13C00] =	vst v63  }
0xb1: {  	_ =	swait.ge [sflag:s31], $0x9800  }
0xb2: {  	[sflag:s31] =	ssyncset.done $0x0  }
0xb3: {  	s21 =	rddreg [dreg:$0x14];
	[sflag:s31] =	ssyncadd.s32 $0xFFFF6800  }
0xb4: {  	[tilespmem:s23], [sflag:$0x1] =	stream.linear.gather [hbm4b:s21+s2], $0x6400, $0x38;
	[tilespmem:$0x13C00] =	vst v63  }
0xb5: {  	_ = 	snop  }
0xb6: {  	[tilespmem:s24], [sflag:$0x1] =	stream.linear.gather [hbm4b:s8+s2], $0x3400, $0x38;
	[tilespmem:$0x13C00] =	vst v63  }
0xb7: {  	_ =	swait.ge [sflag:s1], $0x9680  }
0xb8: {  	[sflag:s1] =	ssyncset.done $0x0  }
0xb9: {  	s0 =	rddreg [dreg:$0x15];
	[sflag:s1] =	ssyncadd.s32 $0xFFFF6980  }
0xba: {  	[tilespmem:s25], [sflag:$0x2] =	stream.linear.gather [hbm4b:s0+s2], $0x3400, $0x38;
	[tilespmem:$0x13C00] =	vst v63  }
0xbb: {  	s21 =	rddreg [dreg:$0x16]  }
0xbc: {  	[tilespmem:s26], [sflag:$0x2] =	stream.linear.gather [hbm4b:s21+s2], $0x6400, $0x38;
	[tilespmem:$0x13C00] =	vst v63  }
0xbd: {  	_ =	swait.ge [sflag:s28], $0x6400  }
0xbe: {  	[sflag:s28] =	ssyncset.done $0x0  }
0xbf: {  	[sflag:s28] =	ssyncadd.s32 $0xFFFF9C00  }
0xc0: {  	_ =	swait.ge [sflag:s28], $0x3400  }
0xc1: {  	[sflag:s28] =	ssyncset.done $0x0  }
0xc2: {  	[sflag:s28] =	ssyncadd.s32 $0xFFFFCC00  }
0xc3: {  	[hbm4b:s9+s2] =	stream.linear.scatter [tilespmem:s2], [sflag:$0x3], $0x9800, $0x38;
	[tilespmem:$0x13C00] =	vst v63  }
0xc4: {  	_ =	swait.ge [sflag:s29], $0x3400  }
0xc5: {  	[sflag:s29] =	ssyncset.done $0x0  }
0xc6: {  	[sflag:s29] =	ssyncadd.s32 $0xFFFFCC00  }
0xc7: {  	_ =	swait.ge [sflag:s29], $0x6400  }
0xc8: {  	[sflag:s29] =	ssyncset.done $0x0  }
0xc9: {  	s21 =	rddreg [dreg:$0x17];
	[sflag:s29] =	ssyncadd.s32 $0xFFFF9C00  }
0xca: {  	[hbm4b:s21+s2] =	stream.linear.scatter [tilespmem:s30], [sflag:$0x4], $0x9680, $0x38;
	[tilespmem:$0x13C00] =	vst v63  }
0xcb: {  	_ =	swait.ge [sflag:s31], $0x9800  }
0xcc: {  	[sflag:s31] =	ssyncset.done $0x0  }
0xcd: {  	s21 =	rddreg [dreg:$0x18];
	[sflag:s31] =	ssyncadd.s32 $0xFFFF6800  }
0xce: {  	[tilespmem:s23], [sflag:$0x1] =	stream.linear.gather [hbm4b:s21+s2], $0x6400, $0x38;
	[tilespmem:$0x13C00] =	vst v63  }
0xcf: {  	_ = 	snop  }
0xd0: {  	[tilespmem:s24], [sflag:$0x1] =	stream.linear.gather [hbm4b:s10+s2], $0x3400, $0x38;
	[tilespmem:$0x13C00] =	vst v63  }
0xd1: {  	_ =	swait.ge [sflag:s1], $0x9680  }
0xd2: {  	[sflag:s1] =	ssyncset.done $0x0  }
0xd3: {  	s0 =	rddreg [dreg:$0x19];
	[sflag:s1] =	ssyncadd.s32 $0xFFFF6980  }
0xd4: {  	[tilespmem:s25], [sflag:$0x2] =	stream.linear.gather [hbm4b:s0+s2], $0x3400, $0x38;
	[tilespmem:$0x13C00] =	vst v63  }
0xd5: {  	s21 =	rddreg [dreg:$0x1a]  }
0xd6: {  	[tilespmem:s26], [sflag:$0x2] =	stream.linear.gather [hbm4b:s21+s2], $0x6400, $0x38;
	[tilespmem:$0x13C00] =	vst v63  }
0xd7: {  	_ =	swait.ge [sflag:s28], $0x6400  }
0xd8: {  	[sflag:s28] =	ssyncset.done $0x0  }
0xd9: {  	[sflag:s28] =	ssyncadd.s32 $0xFFFF9C00  }
0xda: {  	_ =	swait.ge [sflag:s28], $0x3400  }
0xdb: {  	[sflag:s28] =	ssyncset.done $0x0  }
0xdc: {  	[sflag:s28] =	ssyncadd.s32 $0xFFFFCC00  }
0xdd: {  	[hbm4b:s11+s2] =	stream.linear.scatter [tilespmem:s2], [sflag:$0x3], $0x9800, $0x38;
	[tilespmem:$0x13C00] =	vst v63  }
0xde: {  	_ =	swait.ge [sflag:s29], $0x3400  }
0xdf: {  	[sflag:s29] =	ssyncset.done $0x0  }
0xe0: {  	[sflag:s29] =	ssyncadd.s32 $0xFFFFCC00  }
0xe1: {  	_ =	swait.ge [sflag:s29], $0x6400  }
0xe2: {  	[sflag:s29] =	ssyncset.done $0x0  }
0xe3: {  	s21 =	rddreg [dreg:$0x1b];
	[sflag:s29] =	ssyncadd.s32 $0xFFFF9C00  }
0xe4: {  	[hbm4b:s21+s2] =	stream.linear.scatter [tilespmem:s30], [sflag:$0x4], $0x9680, $0x38;
	[tilespmem:$0x13C00] =	vst v63  }
0xe5: {  	_ =	swait.ge [sflag:s31], $0x9800  }
0xe6: {  	[sflag:s31] =	ssyncset.done $0x0  }
0xe7: {  	s21 =	rddreg [dreg:$0x1c];
	[sflag:s31] =	ssyncadd.s32 $0xFFFF6800  }
0xe8: {  	[tilespmem:s23], [sflag:$0x1] =	stream.linear.gather [hbm4b:s21+s2], $0x6400, $0x38;
	[tilespmem:$0x13C00] =	vst v63  }
0xe9: {  	_ = 	snop  }
0xea: {  	[tilespmem:s24], [sflag:$0x1] =	stream.linear.gather [hbm4b:s12+s2], $0x3400, $0x38;
	[tilespmem:$0x13C00] =	vst v63  }
0xeb: {  	_ =	swait.ge [sflag:s1], $0x9680  }
0xec: {  	[sflag:s1] =	ssyncset.done $0x0  }
0xed: {  	s0 =	rddreg [dreg:$0x1d];
	[sflag:s1] =	ssyncadd.s32 $0xFFFF6980  }
0xee: {  	[tilespmem:s25], [sflag:$0x2] =	stream.linear.gather [hbm4b:s0+s2], $0x3400, $0x38;
	[tilespmem:$0x13C00] =	vst v63  }
0xef: {  	s21 =	rddreg [dreg:$0x1e]  }
0xf0: {  	[tilespmem:s26], [sflag:$0x2] =	stream.linear.gather [hbm4b:s21+s2], $0x6400, $0x38;
	[tilespmem:$0x13C00] =	vst v63  }
0xf1: {  	_ =	swait.ge [sflag:s28], $0x6400  }
0xf2: {  	[sflag:s28] =	ssyncset.done $0x0  }
0xf3: {  	[sflag:s28] =	ssyncadd.s32 $0xFFFF9C00  }
0xf4: {  	_ =	swait.ge [sflag:s28], $0x3400  }
0xf5: {  	[sflag:s28] =	ssyncset.done $0x0  }
0xf6: {  	[sflag:s28] =	ssyncadd.s32 $0xFFFFCC00  }
0xf7: {  	[hbm4b:s13+s2] =	stream.linear.scatter [tilespmem:s2], [sflag:$0x3], $0x9800, $0x38;
	[tilespmem:$0x13C00] =	vst v63  }
0xf8: {  	_ =	swait.ge [sflag:s29], $0x3400  }
0xf9: {  	[sflag:s29] =	ssyncset.done $0x0  }
0xfa: {  	[sflag:s29] =	ssyncadd.s32 $0xFFFFCC00  }
0xfb: {  	_ =	swait.ge [sflag:s29], $0x6400  }
0xfc: {  	[sflag:s29] =	ssyncset.done $0x0  }
0xfd: {  	s21 =	rddreg [dreg:$0x1f];
	[sflag:s29] =	ssyncadd.s32 $0xFFFF9C00  }
0xfe: {  	[hbm4b:s21+s2] =	stream.linear.scatter [tilespmem:s30], [sflag:$0x4], $0x9680, $0x38;
	[tilespmem:$0x13C00] =	vst v63  }
0xff: {  	_ =	swait.ge [sflag:s31], $0x9800  }
0x100: {  	s21 =	sld [smem:$0x7F8]  }
0x101: {  	[sflag:s31] =	ssyncset.done $0x0  }
0x102: {  	[sflag:s31] =	ssyncadd.s32 $0xFFFF6800  }
0x103: {  	[tilespmem:s23], [sflag:$0x1] =	stream.linear.gather [hbm4b:s21+s2], $0x6400, $0x38;
	[tilespmem:$0x13C00] =	vst v63  }
0x104: {  	_ = 	snop  }
0x105: {  	[tilespmem:s24], [sflag:$0x1] =	stream.linear.gather [hbm4b:s14+s2], $0x3400, $0x38;
	[tilespmem:$0x13C00] =	vst v63  }
0x106: {  	_ =	swait.ge [sflag:s1], $0x9680  }
0x107: {  	s0 =	sld [smem:$0x7F9]  }
0x108: {  	[sflag:s1] =	ssyncset.done $0x0  }
0x109: {  	s21 =	sld [smem:$0x7FA];
	[sflag:s1] =	ssyncadd.s32 $0xFFFF6980  }
0x10a: {  	[tilespmem:s25], [sflag:$0x2] =	stream.linear.gather [hbm4b:s0+s2], $0x3400, $0x38;
	[tilespmem:$0x13C00] =	vst v63  }
0x10b: {  	_ = 	snop  }
0x10c: {  	[tilespmem:s26], [sflag:$0x2] =	stream.linear.gather [hbm4b:s21+s2], $0x6400, $0x38;
	[tilespmem:$0x13C00] =	vst v63  }
0x10d: {  	_ =	swait.ge [sflag:s28], $0x6400  }
0x10e: {  	[sflag:s28] =	ssyncset.done $0x0  }
0x10f: {  	[sflag:s28] =	ssyncadd.s32 $0xFFFF9C00  }
0x110: {  	_ =	swait.ge [sflag:s28], $0x3400  }
0x111: {  	[sflag:s28] =	ssyncset.done $0x0  }
0x112: {  	[sflag:s28] =	ssyncadd.s32 $0xFFFFCC00  }
0x113: {  	[hbm4b:s15+s2] =	stream.linear.scatter [tilespmem:s2], [sflag:$0x3], $0x9800, $0x38;
	[tilespmem:$0x13C00] =	vst v63  }
0x114: {  	_ =	swait.ge [sflag:s29], $0x3400  }
0x115: {  	[sflag:s29] =	ssyncset.done $0x0  }
0x116: {  	[sflag:s29] =	ssyncadd.s32 $0xFFFFCC00  }
0x117: {  	_ =	swait.ge [sflag:s29], $0x6400  }
0x118: {  	s21 =	sld [smem:$0x7FB]  }
0x119: {  	[sflag:s29] =	ssyncset.done $0x0  }
0x11a: {  	[sflag:s29] =	ssyncadd.s32 $0xFFFF9C00  }
0x11b: {  	[hbm4b:s21+s2] =	stream.linear.scatter [tilespmem:s30], [sflag:$0x4], $0x9680, $0x38;
	[tilespmem:$0x13C00] =	vst v63  }
0x11c: {  	_ =	swait.ge [sflag:s31], $0x9800  }
0x11d: {  	s21 =	sld [smem:$0x7FC]  }
0x11e: {  	[sflag:s31] =	ssyncset.done $0x0  }
0x11f: {  	[sflag:s31] =	ssyncadd.s32 $0xFFFF6800  }
0x120: {  	[tilespmem:s23], [sflag:$0x1] =	stream.linear.gather [hbm4b:s21+s2], $0x6400, $0x38;
	[tilespmem:$0x13C00] =	vst v63  }
0x121: {  	_ = 	snop  }
0x122: {  	[tilespmem:s24], [sflag:$0x1] =	stream.linear.gather [hbm4b:s16+s2], $0x3400, $0x38;
	[tilespmem:$0x13C00] =	vst v63  }
0x123: {  	_ =	swait.ge [sflag:s1], $0x9680  }
0x124: {  	s21 =	sld [smem:$0x7FD]  }
0x125: {  	[sflag:s1] =	ssyncset.done $0x0  }
0x126: {  	[sflag:s1] =	ssyncadd.s32 $0xFFFF6980  }
0x127: {  	[tilespmem:s25], [sflag:$0x2] =	stream.linear.gather [hbm4b:s21+s2], $0x3400, $0x38;
	[tilespmem:$0x13C00] =	vst v63  }
0x128: {  	_ = 	snop  }
0x129: {  	[tilespmem:s26], [sflag:$0x2] =	stream.linear.gather [hbm4b:s18+s2], $0x6400, $0x38;
	[tilespmem:$0x13C00] =	vst v63  }
0x12a: {  	_ =	swait.ge [sflag:s28], $0x6400  }
0x12b: {  	[sflag:s28] =	ssyncset.done $0x0  }
0x12c: {  	[sflag:s28] =	ssyncadd.s32 $0xFFFF9C00  }
0x12d: {  	_ =	swait.ge [sflag:s28], $0x3400  }
0x12e: {  	[sflag:s28] =	ssyncset.done $0x0  }
0x12f: {  	[sflag:s28] =	ssyncadd.s32 $0xFFFFCC00  }
0x130: {  	[hbm4b:s17+s2] =	stream.linear.scatter [tilespmem:s2], [sflag:$0x3], $0x9800, $0x38;
	[tilespmem:$0x13C00] =	vst v63  }
0x131: {  	_ =	swait.ge [sflag:s29], $0x3400  }
0x132: {  	[sflag:s29] =	ssyncset.done $0x0  }
0x133: {  	[sflag:s29] =	ssyncadd.s32 $0xFFFFCC00  }
0x134: {  	_ =	swait.ge [sflag:s29], $0x6400  }
0x135: {  	[sflag:s29] =	ssyncset.done $0x0  }
0x136: {  	[sflag:s29] =	ssyncadd.s32 $0xFFFF9C00  }
0x137: {  	[hbm4b:s19+s2] =	stream.linear.scatter [tilespmem:s30], [sflag:$0x4], $0x9680, $0x38;
	[tilespmem:$0x13C00] =	vst v63  }
0x138: {  	p0 =	sne.s32 s20, $0x1;
	_ =	swait.ge [sflag:s31], $0x9800  }
.Ltmp0:
0x139: {  	[sflag:s31] =	ssyncset.done $0x0;
	(pc) =	sbr.rel @p0 .LBB2_1-.Ltmp0, $4  }
0x13a: {  	[sflag:s31] =	ssyncadd.s32 $0xFFFF6800  }
0x13b: {  	_ =	swait.ge [sflag:s1], $0x9680  }
0x13c: {  	[sflag:s1] =	ssyncset.done $0x0  }
0x13d: {  	s20 =	sadd.s32 $0xFFFFFFFF, s20;
	[sflag:s1] =	ssyncadd.s32 $0xFFFF6980  }
0x13e: {  	_ =	sfence.sel $0x180000  }
0x13f: {  	[bflag:$0x0] =	sbarrier.arrive $0xFFFF  }
0x140: {  	_ =	strace $0x90000047  }
0x141: {  	s0 =	stileid.u32;
	[bflag:$0x2] =	sbarrier.arrive $0xFFFF  }
0x142: {  	p0 =	sne.s32 s0, $0x0;
	s0 =	rddreg [dreg:$0x5]  }
0x143: {  	s0 =	sadd.s32 @!p0 $0x100000, s0  }
0x144: {  	[sflag:s0] =	ssyncadd.tile.s32 @!p0 $0x1;
	_ =	shalt  }
.Lfunc_end2:
_tile_overlayer_lowered:
.L_overlay_start_2:
0x145: {  	(tag) =	ssettag $0x2  }
0x146: {  	s0 =	rddreg [dreg:$0x0];
	s2 =	stileid.u32  }
0x147: {  	s1 =	rddreg [dreg:$0x1];
	p0 =	sne.s32 s2, $0x0  }
0x148: {  	s3 =	rddreg [dreg:$0x2];
	[bflag:$0x3] =	sbarrier.arrive $0xFFFF;
	s2 =	simm.s32 @!p0 $0x1C05  }
0x149: {  	[timem:s3], [sflag:s2] =	dma.local @!p0 [hbm:s0], s1  }
0x14a: {  	s0 =	simm.s32 @!p0 $0x5  }
0x14b: {  	_ =	swait.ge @!p0 [sflag:s0], s1  }
0x14c: {  	s1 =	ssub.s32 @!p0 $0x0, s1;
	[sflag:s0] =	ssyncset.done @!p0 $0x0  }
0x14d: {  	[sflag:s0] =	ssyncadd.s32 @!p0 s1  }
0x14e: {  	[bflag:$0x3] =	sbarrier.arrive $0xFFFF  }
0x14f: {  	_ =	shalt  }

</sc_bundles>
